<compile_context>
chip_gen: v7x
topology: tpu7x:2x2x1
jax: 0.10.2.dev20260603
libtpu: 0.0.44.dev20260713+nightly
codegen_flags: <defaults>
</compile_context>

<pallas_src>
import functools

import jax
import jax.numpy as jnp
from jax import lax
from jax.experimental import pallas as pl
from jax.experimental.pallas import tpu as pltpu
from jax.experimental.pallas import tpu_sc as plsc

N = 10000
E = 320000
D = 128
H = 64
P = N // 2

NC = 2
NS = 16
NW = NC * NS
BATCH = 128
G = 3
TB = E // BATCH
NB = TB // NW
XTRA = TB - NB * NW
RPT = -(-N // (NS * 8)) * 8
NPAD = RPT * NS



def _sc_agg_body(y_hbm, e_hbm, z_hbm, out_hbm,
                 src_v, dst_v, rows_a, rows_b, acc,
                 sem_a, sem_b, ssem_a, ssem_b):
    c = lax.axis_index("c")
    s = lax.axis_index("s")
    w = c * NS + s
    bstart = NB * w + jnp.minimum(w, XTRA)

    pltpu.sync_copy(e_hbm.at[0, pl.ds(bstart, NB)], src_v.at[pl.ds(0, NB)])
    pltpu.sync_copy(e_hbm.at[1, pl.ds(bstart, NB)], dst_v.at[pl.ds(0, NB)])

    @pl.when(w < XTRA)
    def _():
        pltpu.sync_copy(e_hbm.at[0, pl.ds(bstart + NB, 1)], src_v.at[pl.ds(NB, 1)])
        pltpu.sync_copy(e_hbm.at[1, pl.ds(bstart + NB, 1)], dst_v.at[pl.ds(NB, 1)])

    rstart = s * RPT
    pltpu.sync_copy(z_hbm, acc.at[pl.ds(rstart, RPT)])
    plsc.subcore_barrier()

    def gathers(g0, buf, sem):
        for k in range(G):
            pltpu.async_copy(y_hbm.at[src_v.at[g0 + k]],
                             buf.at[pl.ds(k * BATCH, BATCH)], sem)

    def wait_gathers(g0, buf, sem):
        for k in range(G):
            pltpu.make_async_copy(y_hbm.at[src_v.at[g0 + k]],
                                  buf.at[pl.ds(k * BATCH, BATCH)], sem).wait()

    def scatters(g0, buf, sem):
        for k in range(G):
            pltpu.async_copy(buf.at[pl.ds(k * BATCH, BATCH)],
                             acc.at[dst_v.at[g0 + k]], sem, add=True)
        for k in range(G):
            pltpu.make_async_copy(buf.at[pl.ds(k * BATCH, BATCH)],
                                  acc.at[dst_v.at[g0 + k]], sem).wait()

    gathers(0, rows_a, sem_a)

    def body(i, carry):
        g = 2 * G * i
        gathers(g + G, rows_b, sem_b)
        wait_gathers(g, rows_a, sem_a)
        scatters(g, rows_a, ssem_a)
        g2 = jnp.where(g + 2 * G < NB, g + 2 * G, 0)
        gathers(g2, rows_a, sem_a)
        wait_gathers(g + G, rows_b, sem_b)
        scatters(g + G, rows_b, ssem_b)
        return carry

    lax.fori_loop(0, NB // (2 * G), body, 0)
    wait_gathers(0, rows_a, sem_a)

    @pl.when(w < XTRA)
    def _():
        pltpu.async_copy(y_hbm.at[src_v.at[NB]],
                         rows_a.at[pl.ds(0, BATCH)], sem_a)
        pltpu.make_async_copy(y_hbm.at[src_v.at[NB]],
                              rows_a.at[pl.ds(0, BATCH)], sem_a).wait()
        pltpu.sync_copy(rows_a.at[pl.ds(0, BATCH)],
                        acc.at[dst_v.at[NB]], add=True)

    plsc.subcore_barrier()
    pltpu.sync_copy(acc.at[pl.ds(rstart, RPT)], out_hbm.at[c, pl.ds(rstart, RPT)])


@functools.partial(
    pl.kernel,
    out_type=jax.ShapeDtypeStruct((NC, NPAD, H), jnp.float32),
    mesh=plsc.VectorSubcoreMesh(core_axis_name="c", subcore_axis_name="s"),
    scratch_types=[
        pltpu.VMEM((NB + 1, BATCH), jnp.int32),
        pltpu.VMEM((NB + 1, BATCH), jnp.int32),
        pltpu.VMEM((G * BATCH, H), jnp.float32),
        pltpu.VMEM((G * BATCH, H), jnp.float32),
        pltpu.VMEM_SHARED((NPAD, H), jnp.float32),
        pltpu.SemaphoreType.DMA,
        pltpu.SemaphoreType.DMA,
        pltpu.SemaphoreType.DMA,
        pltpu.SemaphoreType.DMA,
    ],
    compiler_params=pltpu.CompilerParams(use_tc_tiling_on_sc=False),
)
def _sc_agg(y_hbm, e_hbm, z_hbm, out_hbm, src_v, dst_v,
            rows_a, rows_b, acc, sem_a, sem_b, ssem_a, ssem_b):
    _sc_agg_body(y_hbm, e_hbm, z_hbm, out_hbm,
                 src_v, dst_v, rows_a, rows_b, acc,
                 sem_a, sem_b, ssem_a, ssem_b)



def _fold_bn(t, g2w, be2w):
    colsum = jnp.sum(t, axis=0, keepdims=True)
    colsq = jnp.sum(t * t, axis=0, keepdims=True)
    mu = (colsum[:, :H] + colsum[:, H:]) / N
    var = (colsq[:, :H] + colsq[:, H:]) / N - mu * mu
    scale = lax.rsqrt(var + 1e-5)
    mu2 = jnp.concatenate([mu, mu], axis=1)
    scale2 = jnp.concatenate([scale, scale], axis=1)
    return (t - mu2) * scale2 * g2w + be2w


def _mm_body(x_ref, w_ref, o_ref):
    o_ref[...] = jnp.dot(x_ref[...], w_ref[...], preferred_element_type=jnp.float32)


def _stage2_body(y_ref, p_ref, b1_ref, g1_ref, be1_ref, W2b_ref, b2_ref, o_ref):
    t = y_ref[...] + p_ref[0, :P, :] + p_ref[1, :P, :] + b1_ref[...]
    r = jnp.maximum(_fold_bn(t, g1_ref[...], be1_ref[...]), 0.0)
    x1 = jnp.dot(r, W2b_ref[...], preferred_element_type=jnp.float32) + b2_ref[...]
    o_ref[...] = jnp.maximum(x1, 0.0)


def _stage3_body(x_ref, p_ref, b3_ref, g2_ref, be2_ref, W3b_ref, W4b_ref, b4_ref,
                 globp_ref, Wltb_ref, Wlbb_ref, bl_ref, o_ref):
    t = x_ref[...] + p_ref[0, :P, :] + p_ref[1, :P, :]
    u = jnp.dot(t, W3b_ref[...], preferred_element_type=jnp.float32) + b3_ref[...]
    r = jnp.maximum(_fold_bn(u, g2_ref[...], be2_ref[...]), 0.0)
    v = jnp.dot(r, W4b_ref[...], preferred_element_type=jnp.float32) + b4_ref[...]
    o_ref[...] = (jnp.dot(v, Wltb_ref[...], preferred_element_type=jnp.float32)
                  + jnp.dot(globp_ref[...], Wlbb_ref[...],
                            preferred_element_type=jnp.float32)
                  + bl_ref[...])


_mm = pl.pallas_call(_mm_body, out_shape=jax.ShapeDtypeStruct((N, H), jnp.float32))
_stage2 = pl.pallas_call(_stage2_body, out_shape=jax.ShapeDtypeStruct((P, 2 * H), jnp.float32))
_stage3 = pl.pallas_call(_stage3_body, out_shape=jax.ShapeDtypeStruct((P, 2 * D), jnp.float32))


def _dup(v):
    return jnp.concatenate([v, v]).reshape(1, -1)


def _blockdiag(w):
    z = jnp.zeros(w.shape, jnp.float32)
    return jnp.concatenate([jnp.concatenate([w, z], axis=1),
                            jnp.concatenate([z, w], axis=1)], axis=0)


def kernel(batch_x, edge_index, glob_emb, W1, b1, g1, be1, W2, b2, W3, b3,
           g2, be2, W4, b4, Wl, bl):
    e3 = edge_index.reshape(2, TB, BATCH)
    zeros = jnp.zeros((RPT, H), jnp.float32)

    y0p = _mm(batch_x, W1).reshape(P, 2 * H)
    p0 = _sc_agg(y0p.reshape(N, H), e3, zeros)
    x1p = _stage2(y0p, p0.reshape(NC, NPAD // 2, 2 * H), _dup(b1), _dup(g1),
                  _dup(be1), _blockdiag(W2), _dup(b2))
    p1 = _sc_agg(x1p.reshape(N, H), e3, zeros)
    outp = _stage3(x1p, p1.reshape(NC, NPAD // 2, 2 * H), _dup(b3), _dup(g2),
                   _dup(be2), _blockdiag(W3), _blockdiag(W4), _dup(b4),
                   glob_emb.reshape(P, 2 * H), _blockdiag(Wl[:H, :]),
                   _blockdiag(Wl[H:, :]), _dup(bl))
    return outp.reshape(N, D)

# --- scband reference (transcript-rebuilt; emitter-appended) ---
"""Pipeline reference for scband-fed-gsl-gin-69320772157914 (READ-ONLY COPY).

The authoritative reference and input builder live on the scoring server;
editing this copy changes nothing except your own understanding.
"""

import jax, jax.numpy as jnp
import numpy as np

N = 10000
E = 320000
D = 128
H = 64

def _p(key, shape, fan_in):
    return jax.random.normal(key, shape, dtype=jnp.float32) / np.sqrt(fan_in)

def setup_inputs(seed: int = 0):
    key = jax.random.key(seed)
    ks = jax.random.split(key, 20)
    return {
        "batch_x": jax.random.normal(ks[0], (N, D), dtype=jnp.float32),
        "edge_index": jax.random.randint(ks[1], (2, E), 0, N, dtype=jnp.int32),
        "glob_emb": jax.random.normal(ks[2], (N, H), dtype=jnp.float32),
        "W1": _p(ks[3], (D, H), D), "b1": jnp.zeros((H,), jnp.float32),
        "g1": jnp.ones((H,), jnp.float32), "be1": jnp.zeros((H,), jnp.float32),
        "W2": _p(ks[4], (H, H), H), "b2": jnp.zeros((H,), jnp.float32),
        "W3": _p(ks[5], (H, H), H), "b3": jnp.zeros((H,), jnp.float32),
        "g2": jnp.ones((H,), jnp.float32), "be2": jnp.zeros((H,), jnp.float32),
        "W4": _p(ks[6], (H, H), H), "b4": jnp.zeros((H,), jnp.float32),
        "Wl": _p(ks[7], (2 * H, D), 2 * H), "bl": jnp.zeros((D,), jnp.float32),
    }

def _bn(x, g, b):
    mu = jnp.mean(x, axis=0)
    var = jnp.var(x, axis=0)
    return (x - mu) / jnp.sqrt(var + 1e-5) * g + b

def _mlp(x, Wa, ba, g, be, Wb, bb):
    x = x @ Wa + ba
    x = jax.nn.relu(_bn(x, g, be))
    return x @ Wb + bb

def _gin(x, src, dst, Wa, ba, g, be, Wb, bb):
    # GINConv with eps=0: mlp((1+eps)*x + sum_{j in N(i)} x_j)
    agg = jnp.zeros((x.shape[0], x.shape[1]), x.dtype).at[dst].add(x[src])
    return _mlp(x + agg, Wa, ba, g, be, Wb, bb)

def reference(batch_x, edge_index, glob_emb, W1, b1, g1, be1, W2, b2, W3, b3, g2, be2, W4, b4, Wl, bl):
    src, dst = edge_index[0], edge_index[1]
    x = _gin(batch_x, src, dst, W1, b1, g1, be1, W2, b2)
    x = jax.nn.relu(x)  # dropout p=0.0 is identity
    x = _gin(x, src, dst, W3, b3, g2, be2, W4, b4)
    emb = jnp.concatenate((x, glob_emb), axis=1)
    return emb @ Wl + bl

if __name__ == "__main__":
    import jax
    _d = setup_inputs()
    print(jax.jit(kernel)(*tuple(_d.values())))

</pallas_src>

<mosaic_0001>
#map = affine_map<(d0, d1) -> (0, 0)>
#map1 = affine_map<(d0, d1) -> (0, 0, 0)>
module attributes {stable_mosaic.version = 14 : i64} {
  func.func @_sc_agg(%arg0: i32, %arg1: i32, %arg2: memref<10000x64xf32, #tpu.memory_space<hbm>>, %arg3: memref<2x2500x128xi32, #tpu.memory_space<hbm>>, %arg4: memref<632x64xf32, #tpu.memory_space<hbm>>, %arg5: memref<2x10112x64xf32, #tpu.memory_space<hbm>>, %arg6: memref<79x128xi32, #tpu.memory_space<vmem>>, %arg7: memref<79x128xi32, #tpu.memory_space<vmem>>, %arg8: memref<384x64xf32, #tpu.memory_space<vmem>>, %arg9: memref<384x64xf32, #tpu.memory_space<vmem>>, %arg10: memref<10112x64xf32, #tpu.memory_space<vmem_shared>>, %arg11: memref<!tpu.dma_semaphore, #tpu.memory_space<semaphore_mem>>, %arg12: memref<!tpu.dma_semaphore, #tpu.memory_space<semaphore_mem>>, %arg13: memref<!tpu.dma_semaphore, #tpu.memory_space<semaphore_mem>>, %arg14: memref<!tpu.dma_semaphore, #tpu.memory_space<semaphore_mem>>) attributes {dimension_semantics = [#tpu.dimension_semantics<core_parallel>, #tpu.dimension_semantics<subcore_parallel>], iteration_bounds = array<i64: 2, 16>, scalar_prefetch = 0 : i64, scratch_operands = 9 : i64, tpu.core_type = #tpu.core_type<sc_vector_subcore>, window_params = [{transform_indices = #map}, {transform_indices = #map1}, {transform_indices = #map}, {transform_indices = #map1}]} {
    %mul3A = arith.constant 16 : i32
    %mul3A_0 = arith.muli %arg0, %mul3A : i32
    %add3A = arith.addi %mul3A_0, %arg1 : i32
    %mul3A_1 = arith.constant 78 : i32
    %mul3A_2 = arith.muli %mul3A_1, %add3A : i32
    %min3A = arith.constant 4 : i32
    %min3A_3 = arith.minsi %add3A, %min3A : i32
    %add3A_4 = arith.addi %mul3A_2, %min3A_3 : i32
    %run_scoped3A = arith.constant 0 : i32
    "tpu.region"() ({
      %run_scoped3A_79 = tpu.sem_alloc : memref<!tpu.dma_semaphore, #tpu.memory_space<semaphore_mem>>
      %dma_start3A_80 = arith.constant 0 : i32
      %dma_start3A_81 = arith.constant 0 : i32
      %dma_start3A_82 = tpu.memref_slice %arg6[%dma_start3A_80, %dma_start3A_81] : memref<79x128xi32, #tpu.memory_space<vmem>> -> memref<78x128xi32, #tpu.memory_space<vmem>>
      %dma_start3A_83 = arith.constant 0 : i32
      %dma_start3A_84 = tpu.memref_slice %arg3[%run_scoped3A, %add3A_4, %dma_start3A_83] : memref<2x2500x128xi32, #tpu.memory_space<hbm>> -> memref<1x78x128xi32, #tpu.memory_space<hbm>>
      %dma_start3A_85 = tpu.memref_squeeze %dma_start3A_84 : memref<1x78x128xi32, #tpu.memory_space<hbm>> -> memref<78x128xi32, #tpu.memory_space<hbm>>
      %dma_start3A_86 = arith.constant 0 : i32
      %dma_start3A_87 = arith.constant 0 : i32
      %dma_start3A_88 = tpu.memref_slice %arg6[%dma_start3A_86, %dma_start3A_87] : memref<79x128xi32, #tpu.memory_space<vmem>> -> memref<78x128xi32, #tpu.memory_space<vmem>>
      %dma_start3A_89 = arith.constant 0 : i32
      %dma_start3A_90 = tpu.memref_slice %arg3[%run_scoped3A, %add3A_4, %dma_start3A_89] : memref<2x2500x128xi32, #tpu.memory_space<hbm>> -> memref<1x78x128xi32, #tpu.memory_space<hbm>>
      %dma_start3A_91 = tpu.memref_squeeze %dma_start3A_90 : memref<1x78x128xi32, #tpu.memory_space<hbm>> -> memref<78x128xi32, #tpu.memory_space<hbm>>
      tpu.enqueue_dma source(%dma_start3A_91 : memref<78x128xi32, #tpu.memory_space<hbm>>) target(%dma_start3A_88 : memref<78x128xi32, #tpu.memory_space<vmem>>) target_semaphore(%run_scoped3A_79 : memref<!tpu.dma_semaphore, #tpu.memory_space<semaphore_mem>>)
      %dma_wait3A_92 = arith.constant 0 : i32
      %dma_wait3A_93 = arith.constant 0 : i32
      %dma_wait3A_94 = tpu.memref_slice %arg6[%dma_wait3A_92, %dma_wait3A_93] : memref<79x128xi32, #tpu.memory_space<vmem>> -> memref<78x128xi32, #tpu.memory_space<vmem>>
      %dma_wait3A_95 = arith.constant 0 : i32
      %dma_wait3A_96 = tpu.memref_slice %arg3[%run_scoped3A, %add3A_4, %dma_wait3A_95] : memref<2x2500x128xi32, #tpu.memory_space<hbm>> -> memref<1x78x128xi32, #tpu.memory_space<hbm>>
      %dma_wait3A_97 = tpu.memref_squeeze %dma_wait3A_96 : memref<1x78x128xi32, #tpu.memory_space<hbm>> -> memref<78x128xi32, #tpu.memory_space<hbm>>
      %dma_wait3A_98 = arith.constant 0 : i32
      %dma_wait3A_99 = arith.constant 0 : i32
      %dma_wait3A_100 = tpu.memref_slice %arg6[%dma_wait3A_98, %dma_wait3A_99] : memref<79x128xi32, #tpu.memory_space<vmem>> -> memref<78x128xi32, #tpu.memory_space<vmem>>
      %dma_wait3A_101 = arith.constant 0 : i32
      %dma_wait3A_102 = tpu.memref_slice %arg3[%run_scoped3A, %add3A_4, %dma_wait3A_101] : memref<2x2500x128xi32, #tpu.memory_space<hbm>> -> memref<1x78x128xi32, #tpu.memory_space<hbm>>
      %dma_wait3A_103 = tpu.memref_squeeze %dma_wait3A_102 : memref<1x78x128xi32, #tpu.memory_space<hbm>> -> memref<78x128xi32, #tpu.memory_space<hbm>>
      tpu.wait_dma2 semaphore(%run_scoped3A_79 : memref<!tpu.dma_semaphore, #tpu.memory_space<semaphore_mem>>) src(%dma_wait3A_103 : memref<78x128xi32, #tpu.memory_space<hbm>>) dst(%dma_wait3A_100 : memref<78x128xi32, #tpu.memory_space<vmem>>)
      tpu.yield
    }) : () -> ()
    %run_scoped3A_5 = arith.constant 1 : i32
    "tpu.region"() ({
      %run_scoped3A_79 = tpu.sem_alloc : memref<!tpu.dma_semaphore, #tpu.memory_space<semaphore_mem>>
      %dma_start3A_80 = arith.constant 0 : i32
      %dma_start3A_81 = arith.constant 0 : i32
      %dma_start3A_82 = tpu.memref_slice %arg7[%dma_start3A_80, %dma_start3A_81] : memref<79x128xi32, #tpu.memory_space<vmem>> -> memref<78x128xi32, #tpu.memory_space<vmem>>
      %dma_start3A_83 = arith.constant 0 : i32
      %dma_start3A_84 = tpu.memref_slice %arg3[%run_scoped3A_5, %add3A_4, %dma_start3A_83] : memref<2x2500x128xi32, #tpu.memory_space<hbm>> -> memref<1x78x128xi32, #tpu.memory_space<hbm>>
      %dma_start3A_85 = tpu.memref_squeeze %dma_start3A_84 : memref<1x78x128xi32, #tpu.memory_space<hbm>> -> memref<78x128xi32, #tpu.memory_space<hbm>>
      %dma_start3A_86 = arith.constant 0 : i32
      %dma_start3A_87 = arith.constant 0 : i32
      %dma_start3A_88 = tpu.memref_slice %arg7[%dma_start3A_86, %dma_start3A_87] : memref<79x128xi32, #tpu.memory_space<vmem>> -> memref<78x128xi32, #tpu.memory_space<vmem>>
      %dma_start3A_89 = arith.constant 0 : i32
      %dma_start3A_90 = tpu.memref_slice %arg3[%run_scoped3A_5, %add3A_4, %dma_start3A_89] : memref<2x2500x128xi32, #tpu.memory_space<hbm>> -> memref<1x78x128xi32, #tpu.memory_space<hbm>>
      %dma_start3A_91 = tpu.memref_squeeze %dma_start3A_90 : memref<1x78x128xi32, #tpu.memory_space<hbm>> -> memref<78x128xi32, #tpu.memory_space<hbm>>
      tpu.enqueue_dma source(%dma_start3A_91 : memref<78x128xi32, #tpu.memory_space<hbm>>) target(%dma_start3A_88 : memref<78x128xi32, #tpu.memory_space<vmem>>) target_semaphore(%run_scoped3A_79 : memref<!tpu.dma_semaphore, #tpu.memory_space<semaphore_mem>>)
      %dma_wait3A_92 = arith.constant 0 : i32
      %dma_wait3A_93 = arith.constant 0 : i32
      %dma_wait3A_94 = tpu.memref_slice %arg7[%dma_wait3A_92, %dma_wait3A_93] : memref<79x128xi32, #tpu.memory_space<vmem>> -> memref<78x128xi32, #tpu.memory_space<vmem>>
      %dma_wait3A_95 = arith.constant 0 : i32
      %dma_wait3A_96 = tpu.memref_slice %arg3[%run_scoped3A_5, %add3A_4, %dma_wait3A_95] : memref<2x2500x128xi32, #tpu.memory_space<hbm>> -> memref<1x78x128xi32, #tpu.memory_space<hbm>>
      %dma_wait3A_97 = tpu.memref_squeeze %dma_wait3A_96 : memref<1x78x128xi32, #tpu.memory_space<hbm>> -> memref<78x128xi32, #tpu.memory_space<hbm>>
      %dma_wait3A_98 = arith.constant 0 : i32
      %dma_wait3A_99 = arith.constant 0 : i32
      %dma_wait3A_100 = tpu.memref_slice %arg7[%dma_wait3A_98, %dma_wait3A_99] : memref<79x128xi32, #tpu.memory_space<vmem>> -> memref<78x128xi32, #tpu.memory_space<vmem>>
      %dma_wait3A_101 = arith.constant 0 : i32
      %dma_wait3A_102 = tpu.memref_slice %arg3[%run_scoped3A_5, %add3A_4, %dma_wait3A_101] : memref<2x2500x128xi32, #tpu.memory_space<hbm>> -> memref<1x78x128xi32, #tpu.memory_space<hbm>>
      %dma_wait3A_103 = tpu.memref_squeeze %dma_wait3A_102 : memref<1x78x128xi32, #tpu.memory_space<hbm>> -> memref<78x128xi32, #tpu.memory_space<hbm>>
      tpu.wait_dma2 semaphore(%run_scoped3A_79 : memref<!tpu.dma_semaphore, #tpu.memory_space<semaphore_mem>>) src(%dma_wait3A_103 : memref<78x128xi32, #tpu.memory_space<hbm>>) dst(%dma_wait3A_100 : memref<78x128xi32, #tpu.memory_space<vmem>>)
      tpu.yield
    }) : () -> ()
    %lt3A = arith.constant 4 : i32
    %lt3A_6 = arith.cmpi slt, %add3A, %lt3A : i32
    %convert_element_type3A = arith.extui %lt3A_6 : i1 to i32
    %cond3A = arith.constant 0 : i32
    %cond3A_7 = arith.cmpi ne, %convert_element_type3A, %cond3A : i32
    scf.if %cond3A_7 {
      %add3A_79 = arith.constant 78 : i32
      %add3A_80 = arith.addi %add3A_4, %add3A_79 : i32
      %run_scoped3A_81 = arith.constant 0 : i32
      "tpu.region"() ({
        %run_scoped3A_85 = tpu.sem_alloc : memref<!tpu.dma_semaphore, #tpu.memory_space<semaphore_mem>>
        %dma_start3A_86 = arith.constant 78 : i32
        %dma_start3A_87 = arith.constant 0 : i32
        %dma_start3A_88 = tpu.memref_slice %arg6[%dma_start3A_86, %dma_start3A_87] : memref<79x128xi32, #tpu.memory_space<vmem>> -> memref<1x128xi32, #tpu.memory_space<vmem>>
        %dma_start3A_89 = arith.constant 0 : i32
        %dma_start3A_90 = tpu.memref_slice %arg3[%run_scoped3A_81, %add3A_80, %dma_start3A_89] : memref<2x2500x128xi32, #tpu.memory_space<hbm>> -> memref<1x1x128xi32, #tpu.memory_space<hbm>>
        %dma_start3A_91 = tpu.memref_squeeze %dma_start3A_90 : memref<1x1x128xi32, #tpu.memory_space<hbm>> -> memref<1x128xi32, #tpu.memory_space<hbm>>
        %dma_start3A_92 = arith.constant 78 : i32
        %dma_start3A_93 = arith.constant 0 : i32
        %dma_start3A_94 = tpu.memref_slice %arg6[%dma_start3A_92, %dma_start3A_93] : memref<79x128xi32, #tpu.memory_space<vmem>> -> memref<1x128xi32, #tpu.memory_space<vmem>>
        %dma_start3A_95 = arith.constant 0 : i32
        %dma_start3A_96 = tpu.memref_slice %arg3[%run_scoped3A_81, %add3A_80, %dma_start3A_95] : memref<2x2500x128xi32, #tpu.memory_space<hbm>> -> memref<1x1x128xi32, #tpu.memory_space<hbm>>
        %dma_start3A_97 = tpu.memref_squeeze %dma_start3A_96 : memref<1x1x128xi32, #tpu.memory_space<hbm>> -> memref<1x128xi32, #tpu.memory_space<hbm>>
        tpu.enqueue_dma source(%dma_start3A_97 : memref<1x128xi32, #tpu.memory_space<hbm>>) target(%dma_start3A_94 : memref<1x128xi32, #tpu.memory_space<vmem>>) target_semaphore(%run_scoped3A_85 : memref<!tpu.dma_semaphore, #tpu.memory_space<semaphore_mem>>)
        %dma_wait3A_98 = arith.constant 78 : i32
        %dma_wait3A_99 = arith.constant 0 : i32
        %dma_wait3A_100 = tpu.memref_slice %arg6[%dma_wait3A_98, %dma_wait3A_99] : memref<79x128xi32, #tpu.memory_space<vmem>> -> memref<1x128xi32, #tpu.memory_space<vmem>>
        %dma_wait3A_101 = arith.constant 0 : i32
        %dma_wait3A_102 = tpu.memref_slice %arg3[%run_scoped3A_81, %add3A_80, %dma_wait3A_101] : memref<2x2500x128xi32, #tpu.memory_space<hbm>> -> memref<1x1x128xi32, #tpu.memory_space<hbm>>
        %dma_wait3A_103 = tpu.memref_squeeze %dma_wait3A_102 : memref<1x1x128xi32, #tpu.memory_space<hbm>> -> memref<1x128xi32, #tpu.memory_space<hbm>>
        %dma_wait3A_104 = arith.constant 78 : i32
        %dma_wait3A_105 = arith.constant 0 : i32
        %dma_wait3A_106 = tpu.memref_slice %arg6[%dma_wait3A_104, %dma_wait3A_105] : memref<79x128xi32, #tpu.memory_space<vmem>> -> memref<1x128xi32, #tpu.memory_space<vmem>>
        %dma_wait3A_107 = arith.constant 0 : i32
        %dma_wait3A_108 = tpu.memref_slice %arg3[%run_scoped3A_81, %add3A_80, %dma_wait3A_107] : memref<2x2500x128xi32, #tpu.memory_space<hbm>> -> memref<1x1x128xi32, #tpu.memory_space<hbm>>
        %dma_wait3A_109 = tpu.memref_squeeze %dma_wait3A_108 : memref<1x1x128xi32, #tpu.memory_space<hbm>> -> memref<1x128xi32, #tpu.memory_space<hbm>>
        tpu.wait_dma2 semaphore(%run_scoped3A_85 : memref<!tpu.dma_semaphore, #tpu.memory_space<semaphore_mem>>) src(%dma_wait3A_109 : memref<1x128xi32, #tpu.memory_space<hbm>>) dst(%dma_wait3A_106 : memref<1x128xi32, #tpu.memory_space<vmem>>)
        tpu.yield
      }) : () -> ()
      %add3A_82 = arith.constant 78 : i32
      %add3A_83 = arith.addi %add3A_4, %add3A_82 : i32
      %run_scoped3A_84 = arith.constant 1 : i32
      "tpu.region"() ({
        %run_scoped3A_85 = tpu.sem_alloc : memref<!tpu.dma_semaphore, #tpu.memory_space<semaphore_mem>>
        %dma_start3A_86 = arith.constant 78 : i32
        %dma_start3A_87 = arith.constant 0 : i32
        %dma_start3A_88 = tpu.memref_slice %arg7[%dma_start3A_86, %dma_start3A_87] : memref<79x128xi32, #tpu.memory_space<vmem>> -> memref<1x128xi32, #tpu.memory_space<vmem>>
        %dma_start3A_89 = arith.constant 0 : i32
        %dma_start3A_90 = tpu.memref_slice %arg3[%run_scoped3A_84, %add3A_83, %dma_start3A_89] : memref<2x2500x128xi32, #tpu.memory_space<hbm>> -> memref<1x1x128xi32, #tpu.memory_space<hbm>>
        %dma_start3A_91 = tpu.memref_squeeze %dma_start3A_90 : memref<1x1x128xi32, #tpu.memory_space<hbm>> -> memref<1x128xi32, #tpu.memory_space<hbm>>
        %dma_start3A_92 = arith.constant 78 : i32
        %dma_start3A_93 = arith.constant 0 : i32
        %dma_start3A_94 = tpu.memref_slice %arg7[%dma_start3A_92, %dma_start3A_93] : memref<79x128xi32, #tpu.memory_space<vmem>> -> memref<1x128xi32, #tpu.memory_space<vmem>>
        %dma_start3A_95 = arith.constant 0 : i32
        %dma_start3A_96 = tpu.memref_slice %arg3[%run_scoped3A_84, %add3A_83, %dma_start3A_95] : memref<2x2500x128xi32, #tpu.memory_space<hbm>> -> memref<1x1x128xi32, #tpu.memory_space<hbm>>
        %dma_start3A_97 = tpu.memref_squeeze %dma_start3A_96 : memref<1x1x128xi32, #tpu.memory_space<hbm>> -> memref<1x128xi32, #tpu.memory_space<hbm>>
        tpu.enqueue_dma source(%dma_start3A_97 : memref<1x128xi32, #tpu.memory_space<hbm>>) target(%dma_start3A_94 : memref<1x128xi32, #tpu.memory_space<vmem>>) target_semaphore(%run_scoped3A_85 : memref<!tpu.dma_semaphore, #tpu.memory_space<semaphore_mem>>)
        %dma_wait3A_98 = arith.constant 78 : i32
        %dma_wait3A_99 = arith.constant 0 : i32
        %dma_wait3A_100 = tpu.memref_slice %arg7[%dma_wait3A_98, %dma_wait3A_99] : memref<79x128xi32, #tpu.memory_space<vmem>> -> memref<1x128xi32, #tpu.memory_space<vmem>>
        %dma_wait3A_101 = arith.constant 0 : i32
        %dma_wait3A_102 = tpu.memref_slice %arg3[%run_scoped3A_84, %add3A_83, %dma_wait3A_101] : memref<2x2500x128xi32, #tpu.memory_space<hbm>> -> memref<1x1x128xi32, #tpu.memory_space<hbm>>
        %dma_wait3A_103 = tpu.memref_squeeze %dma_wait3A_102 : memref<1x1x128xi32, #tpu.memory_space<hbm>> -> memref<1x128xi32, #tpu.memory_space<hbm>>
        %dma_wait3A_104 = arith.constant 78 : i32
        %dma_wait3A_105 = arith.constant 0 : i32
        %dma_wait3A_106 = tpu.memref_slice %arg7[%dma_wait3A_104, %dma_wait3A_105] : memref<79x128xi32, #tpu.memory_space<vmem>> -> memref<1x128xi32, #tpu.memory_space<vmem>>
        %dma_wait3A_107 = arith.constant 0 : i32
        %dma_wait3A_108 = tpu.memref_slice %arg3[%run_scoped3A_84, %add3A_83, %dma_wait3A_107] : memref<2x2500x128xi32, #tpu.memory_space<hbm>> -> memref<1x1x128xi32, #tpu.memory_space<hbm>>
        %dma_wait3A_109 = tpu.memref_squeeze %dma_wait3A_108 : memref<1x1x128xi32, #tpu.memory_space<hbm>> -> memref<1x128xi32, #tpu.memory_space<hbm>>
        tpu.wait_dma2 semaphore(%run_scoped3A_85 : memref<!tpu.dma_semaphore, #tpu.memory_space<semaphore_mem>>) src(%dma_wait3A_109 : memref<1x128xi32, #tpu.memory_space<hbm>>) dst(%dma_wait3A_106 : memref<1x128xi32, #tpu.memory_space<vmem>>)
        tpu.yield
      }) : () -> ()
    } else {
    }
    %mul3A_8 = arith.constant 632 : i32
    %mul3A_9 = arith.muli %arg1, %mul3A_8 : i32
    "tpu.region"() ({
      %run_scoped3A_79 = tpu.sem_alloc : memref<!tpu.dma_semaphore, #tpu.memory_space<semaphore_mem>>
      %dma_start3A_80 = arith.constant 0 : i32
      %dma_start3A_81 = tpu.memref_slice %arg10[%mul3A_9, %dma_start3A_80] : memref<10112x64xf32, #tpu.memory_space<vmem_shared>> -> memref<632x64xf32, #tpu.memory_space<vmem_shared>>
      tpu.enqueue_dma source(%arg4 : memref<632x64xf32, #tpu.memory_space<hbm>>) target(%dma_start3A_81 : memref<632x64xf32, #tpu.memory_space<vmem_shared>>) target_semaphore(%run_scoped3A_79 : memref<!tpu.dma_semaphore, #tpu.memory_space<semaphore_mem>>)
      %dma_wait3A_82 = arith.constant 0 : i32
      %dma_wait3A_83 = tpu.memref_slice %arg10[%mul3A_9, %dma_wait3A_82] : memref<10112x64xf32, #tpu.memory_space<vmem_shared>> -> memref<632x64xf32, #tpu.memory_space<vmem_shared>>
      tpu.wait_dma2 semaphore(%run_scoped3A_79 : memref<!tpu.dma_semaphore, #tpu.memory_space<semaphore_mem>>) src(%arg4 : memref<632x64xf32, #tpu.memory_space<hbm>>) dst(%dma_wait3A_83 : memref<632x64xf32, #tpu.memory_space<vmem_shared>>)
      tpu.yield
    }) : () -> ()
    %barrier3A = arith.constant 0 : index
    tpu.barrier barrier_id(%barrier3A)
    %dma_start3A = arith.constant 0 : i32
    %dma_start3A_10 = arith.constant 0 : i32
    %dma_start3A_11 = arith.constant 0 : i32
    %dma_start3A_12 = tpu.memref_slice %arg8[%dma_start3A_10, %dma_start3A_11] : memref<384x64xf32, #tpu.memory_space<vmem>> -> memref<128x64xf32, #tpu.memory_space<vmem>>
    %dma_start3A_13 = arith.constant 0 : i32
    %dma_start3A_14 = tpu.memref_slice %arg6[%dma_start3A, %dma_start3A_13] : memref<79x128xi32, #tpu.memory_space<vmem>> -> memref<1x128xi32, #tpu.memory_space<vmem>>
    %dma_start3A_15 = tpu.memref_squeeze %dma_start3A_14 : memref<1x128xi32, #tpu.memory_space<vmem>> -> memref<128xi32, #tpu.memory_space<vmem>>
    %dma_start3A_16 = arith.constant 0 : i32
    %dma_start3A_17 = arith.constant 0 : i32
    %dma_start3A_18 = tpu.memref_slice %arg2[%dma_start3A_16, %dma_start3A_17] : memref<10000x64xf32, #tpu.memory_space<hbm>> -> memref<10000x64xf32, #tpu.memory_space<hbm>>
    tpu.enqueue_indirect_dma source(%dma_start3A_18 : memref<10000x64xf32, #tpu.memory_space<hbm>>) target(%dma_start3A_12 : memref<128x64xf32, #tpu.memory_space<vmem>>) offsets(%dma_start3A_15 : memref<128xi32, #tpu.memory_space<vmem>>) semaphore(%arg11 : memref<!tpu.dma_semaphore, #tpu.memory_space<semaphore_mem>>)
    %dma_start3A_19 = arith.constant 1 : i32
    %dma_start3A_20 = arith.constant 128 : i32
    %dma_start3A_21 = arith.constant 0 : i32
    %dma_start3A_22 = tpu.memref_slice %arg8[%dma_start3A_20, %dma_start3A_21] : memref<384x64xf32, #tpu.memory_space<vmem>> -> memref<128x64xf32, #tpu.memory_space<vmem>>
    %dma_start3A_23 = arith.constant 0 : i32
    %dma_start3A_24 = tpu.memref_slice %arg6[%dma_start3A_19, %dma_start3A_23] : memref<79x128xi32, #tpu.memory_space<vmem>> -> memref<1x128xi32, #tpu.memory_space<vmem>>
    %dma_start3A_25 = tpu.memref_squeeze %dma_start3A_24 : memref<1x128xi32, #tpu.memory_space<vmem>> -> memref<128xi32, #tpu.memory_space<vmem>>
    %dma_start3A_26 = arith.constant 0 : i32
    %dma_start3A_27 = arith.constant 0 : i32
    %dma_start3A_28 = tpu.memref_slice %arg2[%dma_start3A_26, %dma_start3A_27] : memref<10000x64xf32, #tpu.memory_space<hbm>> -> memref<10000x64xf32, #tpu.memory_space<hbm>>
    tpu.enqueue_indirect_dma source(%dma_start3A_28 : memref<10000x64xf32, #tpu.memory_space<hbm>>) target(%dma_start3A_22 : memref<128x64xf32, #tpu.memory_space<vmem>>) offsets(%dma_start3A_25 : memref<128xi32, #tpu.memory_space<vmem>>) semaphore(%arg11 : memref<!tpu.dma_semaphore, #tpu.memory_space<semaphore_mem>>)
    %dma_start3A_29 = arith.constant 2 : i32
    %dma_start3A_30 = arith.constant 256 : i32
    %dma_start3A_31 = arith.constant 0 : i32
    %dma_start3A_32 = tpu.memref_slice %arg8[%dma_start3A_30, %dma_start3A_31] : memref<384x64xf32, #tpu.memory_space<vmem>> -> memref<128x64xf32, #tpu.memory_space<vmem>>
    %dma_start3A_33 = arith.constant 0 : i32
    %dma_start3A_34 = tpu.memref_slice %arg6[%dma_start3A_29, %dma_start3A_33] : memref<79x128xi32, #tpu.memory_space<vmem>> -> memref<1x128xi32, #tpu.memory_space<vmem>>
    %dma_start3A_35 = tpu.memref_squeeze %dma_start3A_34 : memref<1x128xi32, #tpu.memory_space<vmem>> -> memref<128xi32, #tpu.memory_space<vmem>>
    %dma_start3A_36 = arith.constant 0 : i32
    %dma_start3A_37 = arith.constant 0 : i32
    %dma_start3A_38 = tpu.memref_slice %arg2[%dma_start3A_36, %dma_start3A_37] : memref<10000x64xf32, #tpu.memory_space<hbm>> -> memref<10000x64xf32, #tpu.memory_space<hbm>>
    tpu.enqueue_indirect_dma source(%dma_start3A_38 : memref<10000x64xf32, #tpu.memory_space<hbm>>) target(%dma_start3A_32 : memref<128x64xf32, #tpu.memory_space<vmem>>) offsets(%dma_start3A_35 : memref<128xi32, #tpu.memory_space<vmem>>) semaphore(%arg11 : memref<!tpu.dma_semaphore, #tpu.memory_space<semaphore_mem>>)
    %scan3A = arith.constant 0 : i32
    %scan3A_39 = arith.constant 0 : i32
    %scan3A_40 = arith.constant 13 : i32
    %scan3A_41 = arith.addi %scan3A_39, %scan3A_40 : i32
    %scan3A_42 = arith.constant 1 : i32
    scf.for %scan3A_79 = %scan3A_39 to %scan3A_41 step %scan3A_42  : i32 {
      %mul3A_80 = arith.constant 6 : i32
      %mul3A_81 = arith.muli %mul3A_80, %scan3A_79 : i32
      %add3A_82 = arith.constant 3 : i32
      %add3A_83 = arith.addi %mul3A_81, %add3A_82 : i32
      %add3A_84 = arith.constant 0 : i32
      %add3A_85 = arith.addi %add3A_83, %add3A_84 : i32
      %dma_start3A_86 = arith.constant 0 : i32
      %dma_start3A_87 = arith.constant 0 : i32
      %dma_start3A_88 = tpu.memref_slice %arg9[%dma_start3A_86, %dma_start3A_87] : memref<384x64xf32, #tpu.memory_space<vmem>> -> memref<128x64xf32, #tpu.memory_space<vmem>>
      %dma_start3A_89 = arith.constant 0 : i32
      %dma_start3A_90 = tpu.memref_slice %arg6[%add3A_85, %dma_start3A_89] : memref<79x128xi32, #tpu.memory_space<vmem>> -> memref<1x128xi32, #tpu.memory_space<vmem>>
      %dma_start3A_91 = tpu.memref_squeeze %dma_start3A_90 : memref<1x128xi32, #tpu.memory_space<vmem>> -> memref<128xi32, #tpu.memory_space<vmem>>
      %dma_start3A_92 = arith.constant 0 : i32
      %dma_start3A_93 = arith.constant 0 : i32
      %dma_start3A_94 = tpu.memref_slice %arg2[%dma_start3A_92, %dma_start3A_93] : memref<10000x64xf32, #tpu.memory_space<hbm>> -> memref<10000x64xf32, #tpu.memory_space<hbm>>
      tpu.enqueue_indirect_dma source(%dma_start3A_94 : memref<10000x64xf32, #tpu.memory_space<hbm>>) target(%dma_start3A_88 : memref<128x64xf32, #tpu.memory_space<vmem>>) offsets(%dma_start3A_91 : memref<128xi32, #tpu.memory_space<vmem>>) semaphore(%arg12 : memref<!tpu.dma_semaphore, #tpu.memory_space<semaphore_mem>>)
      %add3A_95 = arith.constant 1 : i32
      %add3A_96 = arith.addi %add3A_83, %add3A_95 : i32
      %dma_start3A_97 = arith.constant 128 : i32
      %dma_start3A_98 = arith.constant 0 : i32
      %dma_start3A_99 = tpu.memref_slice %arg9[%dma_start3A_97, %dma_start3A_98] : memref<384x64xf32, #tpu.memory_space<vmem>> -> memref<128x64xf32, #tpu.memory_space<vmem>>
      %dma_start3A_100 = arith.constant 0 : i32
      %dma_start3A_101 = tpu.memref_slice %arg6[%add3A_96, %dma_start3A_100] : memref<79x128xi32, #tpu.memory_space<vmem>> -> memref<1x128xi32, #tpu.memory_space<vmem>>
      %dma_start3A_102 = tpu.memref_squeeze %dma_start3A_101 : memref<1x128xi32, #tpu.memory_space<vmem>> -> memref<128xi32, #tpu.memory_space<vmem>>
      %dma_start3A_103 = arith.constant 0 : i32
      %dma_start3A_104 = arith.constant 0 : i32
      %dma_start3A_105 = tpu.memref_slice %arg2[%dma_start3A_103, %dma_start3A_104] : memref<10000x64xf32, #tpu.memory_space<hbm>> -> memref<10000x64xf32, #tpu.memory_space<hbm>>
      tpu.enqueue_indirect_dma source(%dma_start3A_105 : memref<10000x64xf32, #tpu.memory_space<hbm>>) target(%dma_start3A_99 : memref<128x64xf32, #tpu.memory_space<vmem>>) offsets(%dma_start3A_102 : memref<128xi32, #tpu.memory_space<vmem>>) semaphore(%arg12 : memref<!tpu.dma_semaphore, #tpu.memory_space<semaphore_mem>>)
      %add3A_106 = arith.constant 2 : i32
      %add3A_107 = arith.addi %add3A_83, %add3A_106 : i32
      %dma_start3A_108 = arith.constant 256 : i32
      %dma_start3A_109 = arith.constant 0 : i32
      %dma_start3A_110 = tpu.memref_slice %arg9[%dma_start3A_108, %dma_start3A_109] : memref<384x64xf32, #tpu.memory_space<vmem>> -> memref<128x64xf32, #tpu.memory_space<vmem>>
      %dma_start3A_111 = arith.constant 0 : i32
      %dma_start3A_112 = tpu.memref_slice %arg6[%add3A_107, %dma_start3A_111] : memref<79x128xi32, #tpu.memory_space<vmem>> -> memref<1x128xi32, #tpu.memory_space<vmem>>
      %dma_start3A_113 = tpu.memref_squeeze %dma_start3A_112 : memref<1x128xi32, #tpu.memory_space<vmem>> -> memref<128xi32, #tpu.memory_space<vmem>>
      %dma_start3A_114 = arith.constant 0 : i32
      %dma_start3A_115 = arith.constant 0 : i32
      %dma_start3A_116 = tpu.memref_slice %arg2[%dma_start3A_114, %dma_start3A_115] : memref<10000x64xf32, #tpu.memory_space<hbm>> -> memref<10000x64xf32, #tpu.memory_space<hbm>>
      tpu.enqueue_indirect_dma source(%dma_start3A_116 : memref<10000x64xf32, #tpu.memory_space<hbm>>) target(%dma_start3A_110 : memref<128x64xf32, #tpu.memory_space<vmem>>) offsets(%dma_start3A_113 : memref<128xi32, #tpu.memory_space<vmem>>) semaphore(%arg12 : memref<!tpu.dma_semaphore, #tpu.memory_space<semaphore_mem>>)
      %add3A_117 = arith.constant 0 : i32
      %add3A_118 = arith.addi %mul3A_81, %add3A_117 : i32
      %dma_wait3A_119 = arith.constant 0 : i32
      %dma_wait3A_120 = arith.constant 0 : i32
      %dma_wait3A_121 = tpu.memref_slice %arg8[%dma_wait3A_119, %dma_wait3A_120] : memref<384x64xf32, #tpu.memory_space<vmem>> -> memref<128x64xf32, #tpu.memory_space<vmem>>
      %dma_wait3A_122 = arith.constant 0 : i32
      %dma_wait3A_123 = tpu.memref_slice %arg6[%add3A_118, %dma_wait3A_122] : memref<79x128xi32, #tpu.memory_space<vmem>> -> memref<1x128xi32, #tpu.memory_space<vmem>>
      %dma_wait3A_124 = tpu.memref_squeeze %dma_wait3A_123 : memref<1x128xi32, #tpu.memory_space<vmem>> -> memref<128xi32, #tpu.memory_space<vmem>>
      %dma_wait3A_125 = arith.constant 0 : i32
      %dma_wait3A_126 = arith.constant 0 : i32
      %dma_wait3A_127 = tpu.memref_slice %arg2[%dma_wait3A_125, %dma_wait3A_126] : memref<10000x64xf32, #tpu.memory_space<hbm>> -> memref<10000x64xf32, #tpu.memory_space<hbm>>
      tpu.wait_indirect_dma semaphore(%arg11 : memref<!tpu.dma_semaphore, #tpu.memory_space<semaphore_mem>>) src(%dma_wait3A_127 : memref<10000x64xf32, #tpu.memory_space<hbm>>) dst(%dma_wait3A_121 : memref<128x64xf32, #tpu.memory_space<vmem>>)
      %add3A_128 = arith.constant 1 : i32
      %add3A_129 = arith.addi %mul3A_81, %add3A_128 : i32
      %dma_wait3A_130 = arith.constant 128 : i32
      %dma_wait3A_131 = arith.constant 0 : i32
      %dma_wait3A_132 = tpu.memref_slice %arg8[%dma_wait3A_130, %dma_wait3A_131] : memref<384x64xf32, #tpu.memory_space<vmem>> -> memref<128x64xf32, #tpu.memory_space<vmem>>
      %dma_wait3A_133 = arith.constant 0 : i32
      %dma_wait3A_134 = tpu.memref_slice %arg6[%add3A_129, %dma_wait3A_133] : memref<79x128xi32, #tpu.memory_space<vmem>> -> memref<1x128xi32, #tpu.memory_space<vmem>>
      %dma_wait3A_135 = tpu.memref_squeeze %dma_wait3A_134 : memref<1x128xi32, #tpu.memory_space<vmem>> -> memref<128xi32, #tpu.memory_space<vmem>>
      %dma_wait3A_136 = arith.constant 0 : i32
      %dma_wait3A_137 = arith.constant 0 : i32
      %dma_wait3A_138 = tpu.memref_slice %arg2[%dma_wait3A_136, %dma_wait3A_137] : memref<10000x64xf32, #tpu.memory_space<hbm>> -> memref<10000x64xf32, #tpu.memory_space<hbm>>
      tpu.wait_indirect_dma semaphore(%arg11 : memref<!tpu.dma_semaphore, #tpu.memory_space<semaphore_mem>>) src(%dma_wait3A_138 : memref<10000x64xf32, #tpu.memory_space<hbm>>) dst(%dma_wait3A_132 : memref<128x64xf32, #tpu.memory_space<vmem>>)
      %add3A_139 = arith.constant 2 : i32
      %add3A_140 = arith.addi %mul3A_81, %add3A_139 : i32
      %dma_wait3A_141 = arith.constant 256 : i32
      %dma_wait3A_142 = arith.constant 0 : i32
      %dma_wait3A_143 = tpu.memref_slice %arg8[%dma_wait3A_141, %dma_wait3A_142] : memref<384x64xf32, #tpu.memory_space<vmem>> -> memref<128x64xf32, #tpu.memory_space<vmem>>
      %dma_wait3A_144 = arith.constant 0 : i32
      %dma_wait3A_145 = tpu.memref_slice %arg6[%add3A_140, %dma_wait3A_144] : memref<79x128xi32, #tpu.memory_space<vmem>> -> memref<1x128xi32, #tpu.memory_space<vmem>>
      %dma_wait3A_146 = tpu.memref_squeeze %dma_wait3A_145 : memref<1x128xi32, #tpu.memory_space<vmem>> -> memref<128xi32, #tpu.memory_space<vmem>>
      %dma_wait3A_147 = arith.constant 0 : i32
      %dma_wait3A_148 = arith.constant 0 : i32
      %dma_wait3A_149 = tpu.memref_slice %arg2[%dma_wait3A_147, %dma_wait3A_148] : memref<10000x64xf32, #tpu.memory_space<hbm>> -> memref<10000x64xf32, #tpu.memory_space<hbm>>
      tpu.wait_indirect_dma semaphore(%arg11 : memref<!tpu.dma_semaphore, #tpu.memory_space<semaphore_mem>>) src(%dma_wait3A_149 : memref<10000x64xf32, #tpu.memory_space<hbm>>) dst(%dma_wait3A_143 : memref<128x64xf32, #tpu.memory_space<vmem>>)
      %add3A_150 = arith.constant 0 : i32
      %add3A_151 = arith.addi %mul3A_81, %add3A_150 : i32
      %dma_start3A_152 = arith.constant 0 : i32
      %dma_start3A_153 = arith.constant 0 : i32
      %dma_start3A_154 = tpu.memref_slice %arg8[%dma_start3A_152, %dma_start3A_153] : memref<384x64xf32, #tpu.memory_space<vmem>> -> memref<128x64xf32, #tpu.memory_space<vmem>>
      %dma_start3A_155 = arith.constant 0 : i32
      %dma_start3A_156 = tpu.memref_slice %arg7[%add3A_151, %dma_start3A_155] : memref<79x128xi32, #tpu.memory_space<vmem>> -> memref<1x128xi32, #tpu.memory_space<vmem>>
      %dma_start3A_157 = tpu.memref_squeeze %dma_start3A_156 : memref<1x128xi32, #tpu.memory_space<vmem>> -> memref<128xi32, #tpu.memory_space<vmem>>
      %dma_start3A_158 = arith.constant 0 : i32
      %dma_start3A_159 = arith.constant 0 : i32
      %dma_start3A_160 = tpu.memref_slice %arg10[%dma_start3A_158, %dma_start3A_159] : memref<10112x64xf32, #tpu.memory_space<vmem_shared>> -> memref<10112x64xf32, #tpu.memory_space<vmem_shared>>
      tpu.enqueue_indirect_dma source(%dma_start3A_154 : memref<128x64xf32, #tpu.memory_space<vmem>>) target(%dma_start3A_160 : memref<10112x64xf32, #tpu.memory_space<vmem_shared>>) offsets(%dma_start3A_157 : memref<128xi32, #tpu.memory_space<vmem>>) semaphore(%arg13 : memref<!tpu.dma_semaphore, #tpu.memory_space<semaphore_mem>>) {add = true}
      %add3A_161 = arith.constant 1 : i32
      %add3A_162 = arith.addi %mul3A_81, %add3A_161 : i32
      %dma_start3A_163 = arith.constant 128 : i32
      %dma_start3A_164 = arith.constant 0 : i32
      %dma_start3A_165 = tpu.memref_slice %arg8[%dma_start3A_163, %dma_start3A_164] : memref<384x64xf32, #tpu.memory_space<vmem>> -> memref<128x64xf32, #tpu.memory_space<vmem>>
      %dma_start3A_166 = arith.constant 0 : i32
      %dma_start3A_167 = tpu.memref_slice %arg7[%add3A_162, %dma_start3A_166] : memref<79x128xi32, #tpu.memory_space<vmem>> -> memref<1x128xi32, #tpu.memory_space<vmem>>
      %dma_start3A_168 = tpu.memref_squeeze %dma_start3A_167 : memref<1x128xi32, #tpu.memory_space<vmem>> -> memref<128xi32, #tpu.memory_space<vmem>>
      %dma_start3A_169 = arith.constant 0 : i32
      %dma_start3A_170 = arith.constant 0 : i32
      %dma_start3A_171 = tpu.memref_slice %arg10[%dma_start3A_169, %dma_start3A_170] : memref<10112x64xf32, #tpu.memory_space<vmem_shared>> -> memref<10112x64xf32, #tpu.memory_space<vmem_shared>>
      tpu.enqueue_indirect_dma source(%dma_start3A_165 : memref<128x64xf32, #tpu.memory_space<vmem>>) target(%dma_start3A_171 : memref<10112x64xf32, #tpu.memory_space<vmem_shared>>) offsets(%dma_start3A_168 : memref<128xi32, #tpu.memory_space<vmem>>) semaphore(%arg13 : memref<!tpu.dma_semaphore, #tpu.memory_space<semaphore_mem>>) {add = true}
      %add3A_172 = arith.constant 2 : i32
      %add3A_173 = arith.addi %mul3A_81, %add3A_172 : i32
      %dma_start3A_174 = arith.constant 256 : i32
      %dma_start3A_175 = arith.constant 0 : i32
      %dma_start3A_176 = tpu.memref_slice %arg8[%dma_start3A_174, %dma_start3A_175] : memref<384x64xf32, #tpu.memory_space<vmem>> -> memref<128x64xf32, #tpu.memory_space<vmem>>
      %dma_start3A_177 = arith.constant 0 : i32
      %dma_start3A_178 = tpu.memref_slice %arg7[%add3A_173, %dma_start3A_177] : memref<79x128xi32, #tpu.memory_space<vmem>> -> memref<1x128xi32, #tpu.memory_space<vmem>>
      %dma_start3A_179 = tpu.memref_squeeze %dma_start3A_178 : memref<1x128xi32, #tpu.memory_space<vmem>> -> memref<128xi32, #tpu.memory_space<vmem>>
      %dma_start3A_180 = arith.constant 0 : i32
      %dma_start3A_181 = arith.constant 0 : i32
      %dma_start3A_182 = tpu.memref_slice %arg10[%dma_start3A_180, %dma_start3A_181] : memref<10112x64xf32, #tpu.memory_space<vmem_shared>> -> memref<10112x64xf32, #tpu.memory_space<vmem_shared>>
      tpu.enqueue_indirect_dma source(%dma_start3A_176 : memref<128x64xf32, #tpu.memory_space<vmem>>) target(%dma_start3A_182 : memref<10112x64xf32, #tpu.memory_space<vmem_shared>>) offsets(%dma_start3A_179 : memref<128xi32, #tpu.memory_space<vmem>>) semaphore(%arg13 : memref<!tpu.dma_semaphore, #tpu.memory_space<semaphore_mem>>) {add = true}
      %add3A_183 = arith.constant 0 : i32
      %add3A_184 = arith.addi %mul3A_81, %add3A_183 : i32
      %dma_wait3A_185 = arith.constant 0 : i32
      %dma_wait3A_186 = arith.constant 0 : i32
      %dma_wait3A_187 = tpu.memref_slice %arg8[%dma_wait3A_185, %dma_wait3A_186] : memref<384x64xf32, #tpu.memory_space<vmem>> -> memref<128x64xf32, #tpu.memory_space<vmem>>
      %dma_wait3A_188 = arith.constant 0 : i32
      %dma_wait3A_189 = tpu.memref_slice %arg7[%add3A_184, %dma_wait3A_188] : memref<79x128xi32, #tpu.memory_space<vmem>> -> memref<1x128xi32, #tpu.memory_space<vmem>>
      %dma_wait3A_190 = tpu.memref_squeeze %dma_wait3A_189 : memref<1x128xi32, #tpu.memory_space<vmem>> -> memref<128xi32, #tpu.memory_space<vmem>>
      %dma_wait3A_191 = arith.constant 0 : i32
      %dma_wait3A_192 = arith.constant 0 : i32
      %dma_wait3A_193 = tpu.memref_slice %arg10[%dma_wait3A_191, %dma_wait3A_192] : memref<10112x64xf32, #tpu.memory_space<vmem_shared>> -> memref<10112x64xf32, #tpu.memory_space<vmem_shared>>
      tpu.wait_indirect_dma semaphore(%arg13 : memref<!tpu.dma_semaphore, #tpu.memory_space<semaphore_mem>>) src(%dma_wait3A_187 : memref<128x64xf32, #tpu.memory_space<vmem>>) dst(%dma_wait3A_193 : memref<10112x64xf32, #tpu.memory_space<vmem_shared>>)
      %add3A_194 = arith.constant 1 : i32
      %add3A_195 = arith.addi %mul3A_81, %add3A_194 : i32
      %dma_wait3A_196 = arith.constant 128 : i32
      %dma_wait3A_197 = arith.constant 0 : i32
      %dma_wait3A_198 = tpu.memref_slice %arg8[%dma_wait3A_196, %dma_wait3A_197] : memref<384x64xf32, #tpu.memory_space<vmem>> -> memref<128x64xf32, #tpu.memory_space<vmem>>
      %dma_wait3A_199 = arith.constant 0 : i32
      %dma_wait3A_200 = tpu.memref_slice %arg7[%add3A_195, %dma_wait3A_199] : memref<79x128xi32, #tpu.memory_space<vmem>> -> memref<1x128xi32, #tpu.memory_space<vmem>>
      %dma_wait3A_201 = tpu.memref_squeeze %dma_wait3A_200 : memref<1x128xi32, #tpu.memory_space<vmem>> -> memref<128xi32, #tpu.memory_space<vmem>>
      %dma_wait3A_202 = arith.constant 0 : i32
      %dma_wait3A_203 = arith.constant 0 : i32
      %dma_wait3A_204 = tpu.memref_slice %arg10[%dma_wait3A_202, %dma_wait3A_203] : memref<10112x64xf32, #tpu.memory_space<vmem_shared>> -> memref<10112x64xf32, #tpu.memory_space<vmem_shared>>
      tpu.wait_indirect_dma semaphore(%arg13 : memref<!tpu.dma_semaphore, #tpu.memory_space<semaphore_mem>>) src(%dma_wait3A_198 : memref<128x64xf32, #tpu.memory_space<vmem>>) dst(%dma_wait3A_204 : memref<10112x64xf32, #tpu.memory_space<vmem_shared>>)
      %add3A_205 = arith.constant 2 : i32
      %add3A_206 = arith.addi %mul3A_81, %add3A_205 : i32
      %dma_wait3A_207 = arith.constant 256 : i32
      %dma_wait3A_208 = arith.constant 0 : i32
      %dma_wait3A_209 = tpu.memref_slice %arg8[%dma_wait3A_207, %dma_wait3A_208] : memref<384x64xf32, #tpu.memory_space<vmem>> -> memref<128x64xf32, #tpu.memory_space<vmem>>
      %dma_wait3A_210 = arith.constant 0 : i32
      %dma_wait3A_211 = tpu.memref_slice %arg7[%add3A_206, %dma_wait3A_210] : memref<79x128xi32, #tpu.memory_space<vmem>> -> memref<1x128xi32, #tpu.memory_space<vmem>>
      %dma_wait3A_212 = tpu.memref_squeeze %dma_wait3A_211 : memref<1x128xi32, #tpu.memory_space<vmem>> -> memref<128xi32, #tpu.memory_space<vmem>>
      %dma_wait3A_213 = arith.constant 0 : i32
      %dma_wait3A_214 = arith.constant 0 : i32
      %dma_wait3A_215 = tpu.memref_slice %arg10[%dma_wait3A_213, %dma_wait3A_214] : memref<10112x64xf32, #tpu.memory_space<vmem_shared>> -> memref<10112x64xf32, #tpu.memory_space<vmem_shared>>
      tpu.wait_indirect_dma semaphore(%arg13 : memref<!tpu.dma_semaphore, #tpu.memory_space<semaphore_mem>>) src(%dma_wait3A_209 : memref<128x64xf32, #tpu.memory_space<vmem>>) dst(%dma_wait3A_215 : memref<10112x64xf32, #tpu.memory_space<vmem_shared>>)
      %add3A_216 = arith.constant 6 : i32
      %add3A_217 = arith.addi %mul3A_81, %add3A_216 : i32
      %lt3A_218 = arith.constant 78 : i32
      %lt3A_219 = arith.cmpi slt, %add3A_217, %lt3A_218 : i32
      %add3A_220 = arith.constant 6 : i32
      %add3A_221 = arith.addi %mul3A_81, %add3A_220 : i32
      %jit3A = arith.constant 0 : i32
      %select_n3A = arith.select %lt3A_219, %add3A_221, %jit3A : i32
      %add3A_222 = arith.constant 0 : i32
      %add3A_223 = arith.addi %select_n3A, %add3A_222 : i32
      %dma_start3A_224 = arith.constant 0 : i32
      %dma_start3A_225 = arith.constant 0 : i32
      %dma_start3A_226 = tpu.memref_slice %arg8[%dma_start3A_224, %dma_start3A_225] : memref<384x64xf32, #tpu.memory_space<vmem>> -> memref<128x64xf32, #tpu.memory_space<vmem>>
      %dma_start3A_227 = arith.constant 0 : i32
      %dma_start3A_228 = tpu.memref_slice %arg6[%add3A_223, %dma_start3A_227] : memref<79x128xi32, #tpu.memory_space<vmem>> -> memref<1x128xi32, #tpu.memory_space<vmem>>
      %dma_start3A_229 = tpu.memref_squeeze %dma_start3A_228 : memref<1x128xi32, #tpu.memory_space<vmem>> -> memref<128xi32, #tpu.memory_space<vmem>>
      %dma_start3A_230 = arith.constant 0 : i32
      %dma_start3A_231 = arith.constant 0 : i32
      %dma_start3A_232 = tpu.memref_slice %arg2[%dma_start3A_230, %dma_start3A_231] : memref<10000x64xf32, #tpu.memory_space<hbm>> -> memref<10000x64xf32, #tpu.memory_space<hbm>>
      tpu.enqueue_indirect_dma source(%dma_start3A_232 : memref<10000x64xf32, #tpu.memory_space<hbm>>) target(%dma_start3A_226 : memref<128x64xf32, #tpu.memory_space<vmem>>) offsets(%dma_start3A_229 : memref<128xi32, #tpu.memory_space<vmem>>) semaphore(%arg11 : memref<!tpu.dma_semaphore, #tpu.memory_space<semaphore_mem>>)
      %add3A_233 = arith.constant 1 : i32
      %add3A_234 = arith.addi %select_n3A, %add3A_233 : i32
      %dma_start3A_235 = arith.constant 128 : i32
      %dma_start3A_236 = arith.constant 0 : i32
      %dma_start3A_237 = tpu.memref_slice %arg8[%dma_start3A_235, %dma_start3A_236] : memref<384x64xf32, #tpu.memory_space<vmem>> -> memref<128x64xf32, #tpu.memory_space<vmem>>
      %dma_start3A_238 = arith.constant 0 : i32
      %dma_start3A_239 = tpu.memref_slice %arg6[%add3A_234, %dma_start3A_238] : memref<79x128xi32, #tpu.memory_space<vmem>> -> memref<1x128xi32, #tpu.memory_space<vmem>>
      %dma_start3A_240 = tpu.memref_squeeze %dma_start3A_239 : memref<1x128xi32, #tpu.memory_space<vmem>> -> memref<128xi32, #tpu.memory_space<vmem>>
      %dma_start3A_241 = arith.constant 0 : i32
      %dma_start3A_242 = arith.constant 0 : i32
      %dma_start3A_243 = tpu.memref_slice %arg2[%dma_start3A_241, %dma_start3A_242] : memref<10000x64xf32, #tpu.memory_space<hbm>> -> memref<10000x64xf32, #tpu.memory_space<hbm>>
      tpu.enqueue_indirect_dma source(%dma_start3A_243 : memref<10000x64xf32, #tpu.memory_space<hbm>>) target(%dma_start3A_237 : memref<128x64xf32, #tpu.memory_space<vmem>>) offsets(%dma_start3A_240 : memref<128xi32, #tpu.memory_space<vmem>>) semaphore(%arg11 : memref<!tpu.dma_semaphore, #tpu.memory_space<semaphore_mem>>)
      %add3A_244 = arith.constant 2 : i32
      %add3A_245 = arith.addi %select_n3A, %add3A_244 : i32
      %dma_start3A_246 = arith.constant 256 : i32
      %dma_start3A_247 = arith.constant 0 : i32
      %dma_start3A_248 = tpu.memref_slice %arg8[%dma_start3A_246, %dma_start3A_247] : memref<384x64xf32, #tpu.memory_space<vmem>> -> memref<128x64xf32, #tpu.memory_space<vmem>>
      %dma_start3A_249 = arith.constant 0 : i32
      %dma_start3A_250 = tpu.memref_slice %arg6[%add3A_245, %dma_start3A_249] : memref<79x128xi32, #tpu.memory_space<vmem>> -> memref<1x128xi32, #tpu.memory_space<vmem>>
      %dma_start3A_251 = tpu.memref_squeeze %dma_start3A_250 : memref<1x128xi32, #tpu.memory_space<vmem>> -> memref<128xi32, #tpu.memory_space<vmem>>
      %dma_start3A_252 = arith.constant 0 : i32
      %dma_start3A_253 = arith.constant 0 : i32
      %dma_start3A_254 = tpu.memref_slice %arg2[%dma_start3A_252, %dma_start3A_253] : memref<10000x64xf32, #tpu.memory_space<hbm>> -> memref<10000x64xf32, #tpu.memory_space<hbm>>
      tpu.enqueue_indirect_dma source(%dma_start3A_254 : memref<10000x64xf32, #tpu.memory_space<hbm>>) target(%dma_start3A_248 : memref<128x64xf32, #tpu.memory_space<vmem>>) offsets(%dma_start3A_251 : memref<128xi32, #tpu.memory_space<vmem>>) semaphore(%arg11 : memref<!tpu.dma_semaphore, #tpu.memory_space<semaphore_mem>>)
      %add3A_255 = arith.constant 3 : i32
      %add3A_256 = arith.addi %mul3A_81, %add3A_255 : i32
      %add3A_257 = arith.constant 0 : i32
      %add3A_258 = arith.addi %add3A_256, %add3A_257 : i32
      %dma_wait3A_259 = arith.constant 0 : i32
      %dma_wait3A_260 = arith.constant 0 : i32
      %dma_wait3A_261 = tpu.memref_slice %arg9[%dma_wait3A_259, %dma_wait3A_260] : memref<384x64xf32, #tpu.memory_space<vmem>> -> memref<128x64xf32, #tpu.memory_space<vmem>>
      %dma_wait3A_262 = arith.constant 0 : i32
      %dma_wait3A_263 = tpu.memref_slice %arg6[%add3A_258, %dma_wait3A_262] : memref<79x128xi32, #tpu.memory_space<vmem>> -> memref<1x128xi32, #tpu.memory_space<vmem>>
      %dma_wait3A_264 = tpu.memref_squeeze %dma_wait3A_263 : memref<1x128xi32, #tpu.memory_space<vmem>> -> memref<128xi32, #tpu.memory_space<vmem>>
      %dma_wait3A_265 = arith.constant 0 : i32
      %dma_wait3A_266 = arith.constant 0 : i32
      %dma_wait3A_267 = tpu.memref_slice %arg2[%dma_wait3A_265, %dma_wait3A_266] : memref<10000x64xf32, #tpu.memory_space<hbm>> -> memref<10000x64xf32, #tpu.memory_space<hbm>>
      tpu.wait_indirect_dma semaphore(%arg12 : memref<!tpu.dma_semaphore, #tpu.memory_space<semaphore_mem>>) src(%dma_wait3A_267 : memref<10000x64xf32, #tpu.memory_space<hbm>>) dst(%dma_wait3A_261 : memref<128x64xf32, #tpu.memory_space<vmem>>)
      %add3A_268 = arith.constant 1 : i32
      %add3A_269 = arith.addi %add3A_256, %add3A_268 : i32
      %dma_wait3A_270 = arith.constant 128 : i32
      %dma_wait3A_271 = arith.constant 0 : i32
      %dma_wait3A_272 = tpu.memref_slice %arg9[%dma_wait3A_270, %dma_wait3A_271] : memref<384x64xf32, #tpu.memory_space<vmem>> -> memref<128x64xf32, #tpu.memory_space<vmem>>
      %dma_wait3A_273 = arith.constant 0 : i32
      %dma_wait3A_274 = tpu.memref_slice %arg6[%add3A_269, %dma_wait3A_273] : memref<79x128xi32, #tpu.memory_space<vmem>> -> memref<1x128xi32, #tpu.memory_space<vmem>>
      %dma_wait3A_275 = tpu.memref_squeeze %dma_wait3A_274 : memref<1x128xi32, #tpu.memory_space<vmem>> -> memref<128xi32, #tpu.memory_space<vmem>>
      %dma_wait3A_276 = arith.constant 0 : i32
      %dma_wait3A_277 = arith.constant 0 : i32
      %dma_wait3A_278 = tpu.memref_slice %arg2[%dma_wait3A_276, %dma_wait3A_277] : memref<10000x64xf32, #tpu.memory_space<hbm>> -> memref<10000x64xf32, #tpu.memory_space<hbm>>
      tpu.wait_indirect_dma semaphore(%arg12 : memref<!tpu.dma_semaphore, #tpu.memory_space<semaphore_mem>>) src(%dma_wait3A_278 : memref<10000x64xf32, #tpu.memory_space<hbm>>) dst(%dma_wait3A_272 : memref<128x64xf32, #tpu.memory_space<vmem>>)
      %add3A_279 = arith.constant 2 : i32
      %add3A_280 = arith.addi %add3A_256, %add3A_279 : i32
      %dma_wait3A_281 = arith.constant 256 : i32
      %dma_wait3A_282 = arith.constant 0 : i32
      %dma_wait3A_283 = tpu.memref_slice %arg9[%dma_wait3A_281, %dma_wait3A_282] : memref<384x64xf32, #tpu.memory_space<vmem>> -> memref<128x64xf32, #tpu.memory_space<vmem>>
      %dma_wait3A_284 = arith.constant 0 : i32
      %dma_wait3A_285 = tpu.memref_slice %arg6[%add3A_280, %dma_wait3A_284] : memref<79x128xi32, #tpu.memory_space<vmem>> -> memref<1x128xi32, #tpu.memory_space<vmem>>
      %dma_wait3A_286 = tpu.memref_squeeze %dma_wait3A_285 : memref<1x128xi32, #tpu.memory_space<vmem>> -> memref<128xi32, #tpu.memory_space<vmem>>
      %dma_wait3A_287 = arith.constant 0 : i32
      %dma_wait3A_288 = arith.constant 0 : i32
      %dma_wait3A_289 = tpu.memref_slice %arg2[%dma_wait3A_287, %dma_wait3A_288] : memref<10000x64xf32, #tpu.memory_space<hbm>> -> memref<10000x64xf32, #tpu.memory_space<hbm>>
      tpu.wait_indirect_dma semaphore(%arg12 : memref<!tpu.dma_semaphore, #tpu.memory_space<semaphore_mem>>) src(%dma_wait3A_289 : memref<10000x64xf32, #tpu.memory_space<hbm>>) dst(%dma_wait3A_283 : memref<128x64xf32, #tpu.memory_space<vmem>>)
      %add3A_290 = arith.constant 3 : i32
      %add3A_291 = arith.addi %mul3A_81, %add3A_290 : i32
      %add3A_292 = arith.constant 0 : i32
      %add3A_293 = arith.addi %add3A_291, %add3A_292 : i32
      %dma_start3A_294 = arith.constant 0 : i32
      %dma_start3A_295 = arith.constant 0 : i32
      %dma_start3A_296 = tpu.memref_slice %arg9[%dma_start3A_294, %dma_start3A_295] : memref<384x64xf32, #tpu.memory_space<vmem>> -> memref<128x64xf32, #tpu.memory_space<vmem>>
      %dma_start3A_297 = arith.constant 0 : i32
      %dma_start3A_298 = tpu.memref_slice %arg7[%add3A_293, %dma_start3A_297] : memref<79x128xi32, #tpu.memory_space<vmem>> -> memref<1x128xi32, #tpu.memory_space<vmem>>
      %dma_start3A_299 = tpu.memref_squeeze %dma_start3A_298 : memref<1x128xi32, #tpu.memory_space<vmem>> -> memref<128xi32, #tpu.memory_space<vmem>>
      %dma_start3A_300 = arith.constant 0 : i32
      %dma_start3A_301 = arith.constant 0 : i32
      %dma_start3A_302 = tpu.memref_slice %arg10[%dma_start3A_300, %dma_start3A_301] : memref<10112x64xf32, #tpu.memory_space<vmem_shared>> -> memref<10112x64xf32, #tpu.memory_space<vmem_shared>>
      tpu.enqueue_indirect_dma source(%dma_start3A_296 : memref<128x64xf32, #tpu.memory_space<vmem>>) target(%dma_start3A_302 : memref<10112x64xf32, #tpu.memory_space<vmem_shared>>) offsets(%dma_start3A_299 : memref<128xi32, #tpu.memory_space<vmem>>) semaphore(%arg14 : memref<!tpu.dma_semaphore, #tpu.memory_space<semaphore_mem>>) {add = true}
      %add3A_303 = arith.constant 1 : i32
      %add3A_304 = arith.addi %add3A_291, %add3A_303 : i32
      %dma_start3A_305 = arith.constant 128 : i32
      %dma_start3A_306 = arith.constant 0 : i32
      %dma_start3A_307 = tpu.memref_slice %arg9[%dma_start3A_305, %dma_start3A_306] : memref<384x64xf32, #tpu.memory_space<vmem>> -> memref<128x64xf32, #tpu.memory_space<vmem>>
      %dma_start3A_308 = arith.constant 0 : i32
      %dma_start3A_309 = tpu.memref_slice %arg7[%add3A_304, %dma_start3A_308] : memref<79x128xi32, #tpu.memory_space<vmem>> -> memref<1x128xi32, #tpu.memory_space<vmem>>
      %dma_start3A_310 = tpu.memref_squeeze %dma_start3A_309 : memref<1x128xi32, #tpu.memory_space<vmem>> -> memref<128xi32, #tpu.memory_space<vmem>>
      %dma_start3A_311 = arith.constant 0 : i32
      %dma_start3A_312 = arith.constant 0 : i32
      %dma_start3A_313 = tpu.memref_slice %arg10[%dma_start3A_311, %dma_start3A_312] : memref<10112x64xf32, #tpu.memory_space<vmem_shared>> -> memref<10112x64xf32, #tpu.memory_space<vmem_shared>>
      tpu.enqueue_indirect_dma source(%dma_start3A_307 : memref<128x64xf32, #tpu.memory_space<vmem>>) target(%dma_start3A_313 : memref<10112x64xf32, #tpu.memory_space<vmem_shared>>) offsets(%dma_start3A_310 : memref<128xi32, #tpu.memory_space<vmem>>) semaphore(%arg14 : memref<!tpu.dma_semaphore, #tpu.memory_space<semaphore_mem>>) {add = true}
      %add3A_314 = arith.constant 2 : i32
      %add3A_315 = arith.addi %add3A_291, %add3A_314 : i32
      %dma_start3A_316 = arith.constant 256 : i32
      %dma_start3A_317 = arith.constant 0 : i32
      %dma_start3A_318 = tpu.memref_slice %arg9[%dma_start3A_316, %dma_start3A_317] : memref<384x64xf32, #tpu.memory_space<vmem>> -> memref<128x64xf32, #tpu.memory_space<vmem>>
      %dma_start3A_319 = arith.constant 0 : i32
      %dma_start3A_320 = tpu.memref_slice %arg7[%add3A_315, %dma_start3A_319] : memref<79x128xi32, #tpu.memory_space<vmem>> -> memref<1x128xi32, #tpu.memory_space<vmem>>
      %dma_start3A_321 = tpu.memref_squeeze %dma_start3A_320 : memref<1x128xi32, #tpu.memory_space<vmem>> -> memref<128xi32, #tpu.memory_space<vmem>>
      %dma_start3A_322 = arith.constant 0 : i32
      %dma_start3A_323 = arith.constant 0 : i32
      %dma_start3A_324 = tpu.memref_slice %arg10[%dma_start3A_322, %dma_start3A_323] : memref<10112x64xf32, #tpu.memory_space<vmem_shared>> -> memref<10112x64xf32, #tpu.memory_space<vmem_shared>>
      tpu.enqueue_indirect_dma source(%dma_start3A_318 : memref<128x64xf32, #tpu.memory_space<vmem>>) target(%dma_start3A_324 : memref<10112x64xf32, #tpu.memory_space<vmem_shared>>) offsets(%dma_start3A_321 : memref<128xi32, #tpu.memory_space<vmem>>) semaphore(%arg14 : memref<!tpu.dma_semaphore, #tpu.memory_space<semaphore_mem>>) {add = true}
      %add3A_325 = arith.constant 0 : i32
      %add3A_326 = arith.addi %add3A_291, %add3A_325 : i32
      %dma_wait3A_327 = arith.constant 0 : i32
      %dma_wait3A_328 = arith.constant 0 : i32
      %dma_wait3A_329 = tpu.memref_slice %arg9[%dma_wait3A_327, %dma_wait3A_328] : memref<384x64xf32, #tpu.memory_space<vmem>> -> memref<128x64xf32, #tpu.memory_space<vmem>>
      %dma_wait3A_330 = arith.constant 0 : i32
      %dma_wait3A_331 = tpu.memref_slice %arg7[%add3A_326, %dma_wait3A_330] : memref<79x128xi32, #tpu.memory_space<vmem>> -> memref<1x128xi32, #tpu.memory_space<vmem>>
      %dma_wait3A_332 = tpu.memref_squeeze %dma_wait3A_331 : memref<1x128xi32, #tpu.memory_space<vmem>> -> memref<128xi32, #tpu.memory_space<vmem>>
      %dma_wait3A_333 = arith.constant 0 : i32
      %dma_wait3A_334 = arith.constant 0 : i32
      %dma_wait3A_335 = tpu.memref_slice %arg10[%dma_wait3A_333, %dma_wait3A_334] : memref<10112x64xf32, #tpu.memory_space<vmem_shared>> -> memref<10112x64xf32, #tpu.memory_space<vmem_shared>>
      tpu.wait_indirect_dma semaphore(%arg14 : memref<!tpu.dma_semaphore, #tpu.memory_space<semaphore_mem>>) src(%dma_wait3A_329 : memref<128x64xf32, #tpu.memory_space<vmem>>) dst(%dma_wait3A_335 : memref<10112x64xf32, #tpu.memory_space<vmem_shared>>)
      %add3A_336 = arith.constant 1 : i32
      %add3A_337 = arith.addi %add3A_291, %add3A_336 : i32
      %dma_wait3A_338 = arith.constant 128 : i32
      %dma_wait3A_339 = arith.constant 0 : i32
      %dma_wait3A_340 = tpu.memref_slice %arg9[%dma_wait3A_338, %dma_wait3A_339] : memref<384x64xf32, #tpu.memory_space<vmem>> -> memref<128x64xf32, #tpu.memory_space<vmem>>
      %dma_wait3A_341 = arith.constant 0 : i32
      %dma_wait3A_342 = tpu.memref_slice %arg7[%add3A_337, %dma_wait3A_341] : memref<79x128xi32, #tpu.memory_space<vmem>> -> memref<1x128xi32, #tpu.memory_space<vmem>>
      %dma_wait3A_343 = tpu.memref_squeeze %dma_wait3A_342 : memref<1x128xi32, #tpu.memory_space<vmem>> -> memref<128xi32, #tpu.memory_space<vmem>>
      %dma_wait3A_344 = arith.constant 0 : i32
      %dma_wait3A_345 = arith.constant 0 : i32
      %dma_wait3A_346 = tpu.memref_slice %arg10[%dma_wait3A_344, %dma_wait3A_345] : memref<10112x64xf32, #tpu.memory_space<vmem_shared>> -> memref<10112x64xf32, #tpu.memory_space<vmem_shared>>
      tpu.wait_indirect_dma semaphore(%arg14 : memref<!tpu.dma_semaphore, #tpu.memory_space<semaphore_mem>>) src(%dma_wait3A_340 : memref<128x64xf32, #tpu.memory_space<vmem>>) dst(%dma_wait3A_346 : memref<10112x64xf32, #tpu.memory_space<vmem_shared>>)
      %add3A_347 = arith.constant 2 : i32
      %add3A_348 = arith.addi %add3A_291, %add3A_347 : i32
      %dma_wait3A_349 = arith.constant 256 : i32
      %dma_wait3A_350 = arith.constant 0 : i32
      %dma_wait3A_351 = tpu.memref_slice %arg9[%dma_wait3A_349, %dma_wait3A_350] : memref<384x64xf32, #tpu.memory_space<vmem>> -> memref<128x64xf32, #tpu.memory_space<vmem>>
      %dma_wait3A_352 = arith.constant 0 : i32
      %dma_wait3A_353 = tpu.memref_slice %arg7[%add3A_348, %dma_wait3A_352] : memref<79x128xi32, #tpu.memory_space<vmem>> -> memref<1x128xi32, #tpu.memory_space<vmem>>
      %dma_wait3A_354 = tpu.memref_squeeze %dma_wait3A_353 : memref<1x128xi32, #tpu.memory_space<vmem>> -> memref<128xi32, #tpu.memory_space<vmem>>
      %dma_wait3A_355 = arith.constant 0 : i32
      %dma_wait3A_356 = arith.constant 0 : i32
      %dma_wait3A_357 = tpu.memref_slice %arg10[%dma_wait3A_355, %dma_wait3A_356] : memref<10112x64xf32, #tpu.memory_space<vmem_shared>> -> memref<10112x64xf32, #tpu.memory_space<vmem_shared>>
      tpu.wait_indirect_dma semaphore(%arg14 : memref<!tpu.dma_semaphore, #tpu.memory_space<semaphore_mem>>) src(%dma_wait3A_351 : memref<128x64xf32, #tpu.memory_space<vmem>>) dst(%dma_wait3A_357 : memref<10112x64xf32, #tpu.memory_space<vmem_shared>>)
    }
    %scan3A_43 = arith.constant 13 : i32
    %dma_wait3A = arith.constant 0 : i32
    %dma_wait3A_44 = arith.constant 0 : i32
    %dma_wait3A_45 = arith.constant 0 : i32
    %dma_wait3A_46 = tpu.memref_slice %arg8[%dma_wait3A_44, %dma_wait3A_45] : memref<384x64xf32, #tpu.memory_space<vmem>> -> memref<128x64xf32, #tpu.memory_space<vmem>>
    %dma_wait3A_47 = arith.constant 0 : i32
    %dma_wait3A_48 = tpu.memref_slice %arg6[%dma_wait3A, %dma_wait3A_47] : memref<79x128xi32, #tpu.memory_space<vmem>> -> memref<1x128xi32, #tpu.memory_space<vmem>>
    %dma_wait3A_49 = tpu.memref_squeeze %dma_wait3A_48 : memref<1x128xi32, #tpu.memory_space<vmem>> -> memref<128xi32, #tpu.memory_space<vmem>>
    %dma_wait3A_50 = arith.constant 0 : i32
    %dma_wait3A_51 = arith.constant 0 : i32
    %dma_wait3A_52 = tpu.memref_slice %arg2[%dma_wait3A_50, %dma_wait3A_51] : memref<10000x64xf32, #tpu.memory_space<hbm>> -> memref<10000x64xf32, #tpu.memory_space<hbm>>
    tpu.wait_indirect_dma semaphore(%arg11 : memref<!tpu.dma_semaphore, #tpu.memory_space<semaphore_mem>>) src(%dma_wait3A_52 : memref<10000x64xf32, #tpu.memory_space<hbm>>) dst(%dma_wait3A_46 : memref<128x64xf32, #tpu.memory_space<vmem>>)
    %dma_wait3A_53 = arith.constant 1 : i32
    %dma_wait3A_54 = arith.constant 128 : i32
    %dma_wait3A_55 = arith.constant 0 : i32
    %dma_wait3A_56 = tpu.memref_slice %arg8[%dma_wait3A_54, %dma_wait3A_55] : memref<384x64xf32, #tpu.memory_space<vmem>> -> memref<128x64xf32, #tpu.memory_space<vmem>>
    %dma_wait3A_57 = arith.constant 0 : i32
    %dma_wait3A_58 = tpu.memref_slice %arg6[%dma_wait3A_53, %dma_wait3A_57] : memref<79x128xi32, #tpu.memory_space<vmem>> -> memref<1x128xi32, #tpu.memory_space<vmem>>
    %dma_wait3A_59 = tpu.memref_squeeze %dma_wait3A_58 : memref<1x128xi32, #tpu.memory_space<vmem>> -> memref<128xi32, #tpu.memory_space<vmem>>
    %dma_wait3A_60 = arith.constant 0 : i32
    %dma_wait3A_61 = arith.constant 0 : i32
    %dma_wait3A_62 = tpu.memref_slice %arg2[%dma_wait3A_60, %dma_wait3A_61] : memref<10000x64xf32, #tpu.memory_space<hbm>> -> memref<10000x64xf32, #tpu.memory_space<hbm>>
    tpu.wait_indirect_dma semaphore(%arg11 : memref<!tpu.dma_semaphore, #tpu.memory_space<semaphore_mem>>) src(%dma_wait3A_62 : memref<10000x64xf32, #tpu.memory_space<hbm>>) dst(%dma_wait3A_56 : memref<128x64xf32, #tpu.memory_space<vmem>>)
    %dma_wait3A_63 = arith.constant 2 : i32
    %dma_wait3A_64 = arith.constant 256 : i32
    %dma_wait3A_65 = arith.constant 0 : i32
    %dma_wait3A_66 = tpu.memref_slice %arg8[%dma_wait3A_64, %dma_wait3A_65] : memref<384x64xf32, #tpu.memory_space<vmem>> -> memref<128x64xf32, #tpu.memory_space<vmem>>
    %dma_wait3A_67 = arith.constant 0 : i32
    %dma_wait3A_68 = tpu.memref_slice %arg6[%dma_wait3A_63, %dma_wait3A_67] : memref<79x128xi32, #tpu.memory_space<vmem>> -> memref<1x128xi32, #tpu.memory_space<vmem>>
    %dma_wait3A_69 = tpu.memref_squeeze %dma_wait3A_68 : memref<1x128xi32, #tpu.memory_space<vmem>> -> memref<128xi32, #tpu.memory_space<vmem>>
    %dma_wait3A_70 = arith.constant 0 : i32
    %dma_wait3A_71 = arith.constant 0 : i32
    %dma_wait3A_72 = tpu.memref_slice %arg2[%dma_wait3A_70, %dma_wait3A_71] : memref<10000x64xf32, #tpu.memory_space<hbm>> -> memref<10000x64xf32, #tpu.memory_space<hbm>>
    tpu.wait_indirect_dma semaphore(%arg11 : memref<!tpu.dma_semaphore, #tpu.memory_space<semaphore_mem>>) src(%dma_wait3A_72 : memref<10000x64xf32, #tpu.memory_space<hbm>>) dst(%dma_wait3A_66 : memref<128x64xf32, #tpu.memory_space<vmem>>)
    %lt3A_73 = arith.constant 4 : i32
    %lt3A_74 = arith.cmpi slt, %add3A, %lt3A_73 : i32
    %convert_element_type3A_75 = arith.extui %lt3A_74 : i1 to i32
    %cond3A_76 = arith.constant 0 : i32
    %cond3A_77 = arith.cmpi ne, %convert_element_type3A_75, %cond3A_76 : i32
    scf.if %cond3A_77 {
      %dma_start3A_79 = arith.constant 78 : i32
      %dma_start3A_80 = arith.constant 0 : i32
      %dma_start3A_81 = arith.constant 0 : i32
      %dma_start3A_82 = tpu.memref_slice %arg8[%dma_start3A_80, %dma_start3A_81] : memref<384x64xf32, #tpu.memory_space<vmem>> -> memref<128x64xf32, #tpu.memory_space<vmem>>
      %dma_start3A_83 = arith.constant 0 : i32
      %dma_start3A_84 = tpu.memref_slice %arg6[%dma_start3A_79, %dma_start3A_83] : memref<79x128xi32, #tpu.memory_space<vmem>> -> memref<1x128xi32, #tpu.memory_space<vmem>>
      %dma_start3A_85 = tpu.memref_squeeze %dma_start3A_84 : memref<1x128xi32, #tpu.memory_space<vmem>> -> memref<128xi32, #tpu.memory_space<vmem>>
      %dma_start3A_86 = arith.constant 0 : i32
      %dma_start3A_87 = arith.constant 0 : i32
      %dma_start3A_88 = tpu.memref_slice %arg2[%dma_start3A_86, %dma_start3A_87] : memref<10000x64xf32, #tpu.memory_space<hbm>> -> memref<10000x64xf32, #tpu.memory_space<hbm>>
      tpu.enqueue_indirect_dma source(%dma_start3A_88 : memref<10000x64xf32, #tpu.memory_space<hbm>>) target(%dma_start3A_82 : memref<128x64xf32, #tpu.memory_space<vmem>>) offsets(%dma_start3A_85 : memref<128xi32, #tpu.memory_space<vmem>>) semaphore(%arg11 : memref<!tpu.dma_semaphore, #tpu.memory_space<semaphore_mem>>)
      %dma_wait3A_89 = arith.constant 78 : i32
      %dma_wait3A_90 = arith.constant 0 : i32
      %dma_wait3A_91 = arith.constant 0 : i32
      %dma_wait3A_92 = tpu.memref_slice %arg8[%dma_wait3A_90, %dma_wait3A_91] : memref<384x64xf32, #tpu.memory_space<vmem>> -> memref<128x64xf32, #tpu.memory_space<vmem>>
      %dma_wait3A_93 = arith.constant 0 : i32
      %dma_wait3A_94 = tpu.memref_slice %arg6[%dma_wait3A_89, %dma_wait3A_93] : memref<79x128xi32, #tpu.memory_space<vmem>> -> memref<1x128xi32, #tpu.memory_space<vmem>>
      %dma_wait3A_95 = tpu.memref_squeeze %dma_wait3A_94 : memref<1x128xi32, #tpu.memory_space<vmem>> -> memref<128xi32, #tpu.memory_space<vmem>>
      %dma_wait3A_96 = arith.constant 0 : i32
      %dma_wait3A_97 = arith.constant 0 : i32
      %dma_wait3A_98 = tpu.memref_slice %arg2[%dma_wait3A_96, %dma_wait3A_97] : memref<10000x64xf32, #tpu.memory_space<hbm>> -> memref<10000x64xf32, #tpu.memory_space<hbm>>
      tpu.wait_indirect_dma semaphore(%arg11 : memref<!tpu.dma_semaphore, #tpu.memory_space<semaphore_mem>>) src(%dma_wait3A_98 : memref<10000x64xf32, #tpu.memory_space<hbm>>) dst(%dma_wait3A_92 : memref<128x64xf32, #tpu.memory_space<vmem>>)
      %run_scoped3A_99 = arith.constant 78 : i32
      "tpu.region"() ({
        %run_scoped3A_100 = tpu.sem_alloc : memref<!tpu.dma_semaphore, #tpu.memory_space<semaphore_mem>>
        %dma_start3A_101 = arith.constant 0 : i32
        %dma_start3A_102 = arith.constant 0 : i32
        %dma_start3A_103 = tpu.memref_slice %arg8[%dma_start3A_101, %dma_start3A_102] : memref<384x64xf32, #tpu.memory_space<vmem>> -> memref<128x64xf32, #tpu.memory_space<vmem>>
        %dma_start3A_104 = arith.constant 0 : i32
        %dma_start3A_105 = tpu.memref_slice %arg7[%run_scoped3A_99, %dma_start3A_104] : memref<79x128xi32, #tpu.memory_space<vmem>> -> memref<1x128xi32, #tpu.memory_space<vmem>>
        %dma_start3A_106 = tpu.memref_squeeze %dma_start3A_105 : memref<1x128xi32, #tpu.memory_space<vmem>> -> memref<128xi32, #tpu.memory_space<vmem>>
        %dma_start3A_107 = arith.constant 0 : i32
        %dma_start3A_108 = arith.constant 0 : i32
        %dma_start3A_109 = tpu.memref_slice %arg10[%dma_start3A_107, %dma_start3A_108] : memref<10112x64xf32, #tpu.memory_space<vmem_shared>> -> memref<10112x64xf32, #tpu.memory_space<vmem_shared>>
        tpu.enqueue_indirect_dma source(%dma_start3A_103 : memref<128x64xf32, #tpu.memory_space<vmem>>) target(%dma_start3A_109 : memref<10112x64xf32, #tpu.memory_space<vmem_shared>>) offsets(%dma_start3A_106 : memref<128xi32, #tpu.memory_space<vmem>>) semaphore(%run_scoped3A_100 : memref<!tpu.dma_semaphore, #tpu.memory_space<semaphore_mem>>) {add = true}
        %dma_wait3A_110 = arith.constant 0 : i32
        %dma_wait3A_111 = arith.constant 0 : i32
        %dma_wait3A_112 = tpu.memref_slice %arg8[%dma_wait3A_110, %dma_wait3A_111] : memref<384x64xf32, #tpu.memory_space<vmem>> -> memref<128x64xf32, #tpu.memory_space<vmem>>
        %dma_wait3A_113 = arith.constant 0 : i32
        %dma_wait3A_114 = tpu.memref_slice %arg7[%run_scoped3A_99, %dma_wait3A_113] : memref<79x128xi32, #tpu.memory_space<vmem>> -> memref<1x128xi32, #tpu.memory_space<vmem>>
        %dma_wait3A_115 = tpu.memref_squeeze %dma_wait3A_114 : memref<1x128xi32, #tpu.memory_space<vmem>> -> memref<128xi32, #tpu.memory_space<vmem>>
        %dma_wait3A_116 = arith.constant 0 : i32
        %dma_wait3A_117 = arith.constant 0 : i32
        %dma_wait3A_118 = tpu.memref_slice %arg10[%dma_wait3A_116, %dma_wait3A_117] : memref<10112x64xf32, #tpu.memory_space<vmem_shared>> -> memref<10112x64xf32, #tpu.memory_space<vmem_shared>>
        tpu.wait_indirect_dma semaphore(%run_scoped3A_100 : memref<!tpu.dma_semaphore, #tpu.memory_space<semaphore_mem>>) src(%dma_wait3A_112 : memref<128x64xf32, #tpu.memory_space<vmem>>) dst(%dma_wait3A_118 : memref<10112x64xf32, #tpu.memory_space<vmem_shared>>)
        tpu.yield
      }) : () -> ()
    } else {
    }
    %barrier3A_78 = arith.constant 0 : index
    tpu.barrier barrier_id(%barrier3A_78)
    "tpu.region"() ({
      %run_scoped3A_79 = tpu.sem_alloc : memref<!tpu.dma_semaphore, #tpu.memory_space<semaphore_mem>>
      %dma_start3A_80 = arith.constant 0 : i32
      %dma_start3A_81 = tpu.memref_slice %arg5[%arg0, %mul3A_9, %dma_start3A_80] : memref<2x10112x64xf32, #tpu.memory_space<hbm>> -> memref<1x632x64xf32, #tpu.memory_space<hbm>>
      %dma_start3A_82 = tpu.memref_squeeze %dma_start3A_81 : memref<1x632x64xf32, #tpu.memory_space<hbm>> -> memref<632x64xf32, #tpu.memory_space<hbm>>
      %dma_start3A_83 = arith.constant 0 : i32
      %dma_start3A_84 = tpu.memref_slice %arg10[%mul3A_9, %dma_start3A_83] : memref<10112x64xf32, #tpu.memory_space<vmem_shared>> -> memref<632x64xf32, #tpu.memory_space<vmem_shared>>
      tpu.enqueue_dma source(%dma_start3A_84 : memref<632x64xf32, #tpu.memory_space<vmem_shared>>) target(%dma_start3A_82 : memref<632x64xf32, #tpu.memory_space<hbm>>) target_semaphore(%run_scoped3A_79 : memref<!tpu.dma_semaphore, #tpu.memory_space<semaphore_mem>>)
      %dma_wait3A_85 = arith.constant 0 : i32
      %dma_wait3A_86 = tpu.memref_slice %arg5[%arg0, %mul3A_9, %dma_wait3A_85] : memref<2x10112x64xf32, #tpu.memory_space<hbm>> -> memref<1x632x64xf32, #tpu.memory_space<hbm>>
      %dma_wait3A_87 = tpu.memref_squeeze %dma_wait3A_86 : memref<1x632x64xf32, #tpu.memory_space<hbm>> -> memref<632x64xf32, #tpu.memory_space<hbm>>
      %dma_wait3A_88 = arith.constant 0 : i32
      %dma_wait3A_89 = tpu.memref_slice %arg10[%mul3A_9, %dma_wait3A_88] : memref<10112x64xf32, #tpu.memory_space<vmem_shared>> -> memref<632x64xf32, #tpu.memory_space<vmem_shared>>
      tpu.wait_dma2 semaphore(%run_scoped3A_79 : memref<!tpu.dma_semaphore, #tpu.memory_space<semaphore_mem>>) src(%dma_wait3A_89 : memref<632x64xf32, #tpu.memory_space<vmem_shared>>) dst(%dma_wait3A_87 : memref<632x64xf32, #tpu.memory_space<hbm>>)
      tpu.yield
    }) : () -> ()
    return
  }
}

#map = affine_map<(d0, d1) -> (0, 0)>
#map1 = affine_map<(d0, d1) -> (0, 0, 0)>
module attributes {stable_mosaic.version = 14 : i64} {
  func.func @_sc_agg(%arg0: i32, %arg1: i32, %arg2: memref<10000x64xf32, #tpu.memory_space<hbm>>, %arg3: memref<2x2500x128xi32, #tpu.memory_space<hbm>>, %arg4: memref<632x64xf32, #tpu.memory_space<hbm>>, %arg5: memref<2x10112x64xf32, #tpu.memory_space<hbm>>, %arg6: memref<79x128xi32, #tpu.memory_space<vmem>>, %arg7: memref<79x128xi32, #tpu.memory_space<vmem>>, %arg8: memref<384x64xf32, #tpu.memory_space<vmem>>, %arg9: memref<384x64xf32, #tpu.memory_space<vmem>>, %arg10: memref<10112x64xf32, #tpu.memory_space<vmem_shared>>, %arg11: memref<!tpu.dma_semaphore, #tpu.memory_space<semaphore_mem>>, %arg12: memref<!tpu.dma_semaphore, #tpu.memory_space<semaphore_mem>>, %arg13: memref<!tpu.dma_semaphore, #tpu.memory_space<semaphore_mem>>, %arg14: memref<!tpu.dma_semaphore, #tpu.memory_space<semaphore_mem>>) attributes {dimension_semantics = [#tpu.dimension_semantics<core_parallel>, #tpu.dimension_semantics<subcore_parallel>], iteration_bounds = array<i64: 2, 16>, scalar_prefetch = 0 : i64, scratch_operands = 9 : i64, tpu.core_type = #tpu.core_type<sc_vector_subcore>, window_params = [{transform_indices = #map}, {transform_indices = #map1}, {transform_indices = #map}, {transform_indices = #map1}]} {
    %mul3A = arith.constant 16 : i32
    %mul3A_0 = arith.muli %arg0, %mul3A : i32
    %add3A = arith.addi %mul3A_0, %arg1 : i32
    %mul3A_1 = arith.constant 78 : i32
    %mul3A_2 = arith.muli %mul3A_1, %add3A : i32
    %min3A = arith.constant 4 : i32
    %min3A_3 = arith.minsi %add3A, %min3A : i32
    %add3A_4 = arith.addi %mul3A_2, %min3A_3 : i32
    %run_scoped3A = arith.constant 0 : i32
    "tpu.region"() ({
      %run_scoped3A_79 = tpu.sem_alloc : memref<!tpu.dma_semaphore, #tpu.memory_space<semaphore_mem>>
      %dma_start3A_80 = arith.constant 0 : i32
      %dma_start3A_81 = arith.constant 0 : i32
      %dma_start3A_82 = tpu.memref_slice %arg6[%dma_start3A_80, %dma_start3A_81] : memref<79x128xi32, #tpu.memory_space<vmem>> -> memref<78x128xi32, #tpu.memory_space<vmem>>
      %dma_start3A_83 = arith.constant 0 : i32
      %dma_start3A_84 = tpu.memref_slice %arg3[%run_scoped3A, %add3A_4, %dma_start3A_83] : memref<2x2500x128xi32, #tpu.memory_space<hbm>> -> memref<1x78x128xi32, #tpu.memory_space<hbm>>
      %dma_start3A_85 = tpu.memref_squeeze %dma_start3A_84 : memref<1x78x128xi32, #tpu.memory_space<hbm>> -> memref<78x128xi32, #tpu.memory_space<hbm>>
      %dma_start3A_86 = arith.constant 0 : i32
      %dma_start3A_87 = arith.constant 0 : i32
      %dma_start3A_88 = tpu.memref_slice %arg6[%dma_start3A_86, %dma_start3A_87] : memref<79x128xi32, #tpu.memory_space<vmem>> -> memref<78x128xi32, #tpu.memory_space<vmem>>
      %dma_start3A_89 = arith.constant 0 : i32
      %dma_start3A_90 = tpu.memref_slice %arg3[%run_scoped3A, %add3A_4, %dma_start3A_89] : memref<2x2500x128xi32, #tpu.memory_space<hbm>> -> memref<1x78x128xi32, #tpu.memory_space<hbm>>
      %dma_start3A_91 = tpu.memref_squeeze %dma_start3A_90 : memref<1x78x128xi32, #tpu.memory_space<hbm>> -> memref<78x128xi32, #tpu.memory_space<hbm>>
      tpu.enqueue_dma source(%dma_start3A_91 : memref<78x128xi32, #tpu.memory_space<hbm>>) target(%dma_start3A_88 : memref<78x128xi32, #tpu.memory_space<vmem>>) target_semaphore(%run_scoped3A_79 : memref<!tpu.dma_semaphore, #tpu.memory_space<semaphore_mem>>)
      %dma_wait3A_92 = arith.constant 0 : i32
      %dma_wait3A_93 = arith.constant 0 : i32
      %dma_wait3A_94 = tpu.memref_slice %arg6[%dma_wait3A_92, %dma_wait3A_93] : memref<79x128xi32, #tpu.memory_space<vmem>> -> memref<78x128xi32, #tpu.memory_space<vmem>>
      %dma_wait3A_95 = arith.constant 0 : i32
      %dma_wait3A_96 = tpu.memref_slice %arg3[%run_scoped3A, %add3A_4, %dma_wait3A_95] : memref<2x2500x128xi32, #tpu.memory_space<hbm>> -> memref<1x78x128xi32, #tpu.memory_space<hbm>>
      %dma_wait3A_97 = tpu.memref_squeeze %dma_wait3A_96 : memref<1x78x128xi32, #tpu.memory_space<hbm>> -> memref<78x128xi32, #tpu.memory_space<hbm>>
      %dma_wait3A_98 = arith.constant 0 : i32
      %dma_wait3A_99 = arith.constant 0 : i32
      %dma_wait3A_100 = tpu.memref_slice %arg6[%dma_wait3A_98, %dma_wait3A_99] : memref<79x128xi32, #tpu.memory_space<vmem>> -> memref<78x128xi32, #tpu.memory_space<vmem>>
      %dma_wait3A_101 = arith.constant 0 : i32
      %dma_wait3A_102 = tpu.memref_slice %arg3[%run_scoped3A, %add3A_4, %dma_wait3A_101] : memref<2x2500x128xi32, #tpu.memory_space<hbm>> -> memref<1x78x128xi32, #tpu.memory_space<hbm>>
      %dma_wait3A_103 = tpu.memref_squeeze %dma_wait3A_102 : memref<1x78x128xi32, #tpu.memory_space<hbm>> -> memref<78x128xi32, #tpu.memory_space<hbm>>
      tpu.wait_dma2 semaphore(%run_scoped3A_79 : memref<!tpu.dma_semaphore, #tpu.memory_space<semaphore_mem>>) src(%dma_wait3A_103 : memref<78x128xi32, #tpu.memory_space<hbm>>) dst(%dma_wait3A_100 : memref<78x128xi32, #tpu.memory_space<vmem>>)
      tpu.yield
    }) : () -> ()
    %run_scoped3A_5 = arith.constant 1 : i32
    "tpu.region"() ({
      %run_scoped3A_79 = tpu.sem_alloc : memref<!tpu.dma_semaphore, #tpu.memory_space<semaphore_mem>>
      %dma_start3A_80 = arith.constant 0 : i32
      %dma_start3A_81 = arith.constant 0 : i32
      %dma_start3A_82 = tpu.memref_slice %arg7[%dma_start3A_80, %dma_start3A_81] : memref<79x128xi32, #tpu.memory_space<vmem>> -> memref<78x128xi32, #tpu.memory_space<vmem>>
      %dma_start3A_83 = arith.constant 0 : i32
      %dma_start3A_84 = tpu.memref_slice %arg3[%run_scoped3A_5, %add3A_4, %dma_start3A_83] : memref<2x2500x128xi32, #tpu.memory_space<hbm>> -> memref<1x78x128xi32, #tpu.memory_space<hbm>>
      %dma_start3A_85 = tpu.memref_squeeze %dma_start3A_84 : memref<1x78x128xi32, #tpu.memory_space<hbm>> -> memref<78x128xi32, #tpu.memory_space<hbm>>
      %dma_start3A_86 = arith.constant 0 : i32
      %dma_start3A_87 = arith.constant 0 : i32
      %dma_start3A_88 = tpu.memref_slice %arg7[%dma_start3A_86, %dma_start3A_87] : memref<79x128xi32, #tpu.memory_space<vmem>> -> memref<78x128xi32, #tpu.memory_space<vmem>>
      %dma_start3A_89 = arith.constant 0 : i32
      %dma_start3A_90 = tpu.memref_slice %arg3[%run_scoped3A_5, %add3A_4, %dma_start3A_89] : memref<2x2500x128xi32, #tpu.memory_space<hbm>> -> memref<1x78x128xi32, #tpu.memory_space<hbm>>
      %dma_start3A_91 = tpu.memref_squeeze %dma_start3A_90 : memref<1x78x128xi32, #tpu.memory_space<hbm>> -> memref<78x128xi32, #tpu.memory_space<hbm>>
      tpu.enqueue_dma source(%dma_start3A_91 : memref<78x128xi32, #tpu.memory_space<hbm>>) target(%dma_start3A_88 : memref<78x128xi32, #tpu.memory_space<vmem>>) target_semaphore(%run_scoped3A_79 : memref<!tpu.dma_semaphore, #tpu.memory_space<semaphore_mem>>)
      %dma_wait3A_92 = arith.constant 0 : i32
      %dma_wait3A_93 = arith.constant 0 : i32
      %dma_wait3A_94 = tpu.memref_slice %arg7[%dma_wait3A_92, %dma_wait3A_93] : memref<79x128xi32, #tpu.memory_space<vmem>> -> memref<78x128xi32, #tpu.memory_space<vmem>>
      %dma_wait3A_95 = arith.constant 0 : i32
      %dma_wait3A_96 = tpu.memref_slice %arg3[%run_scoped3A_5, %add3A_4, %dma_wait3A_95] : memref<2x2500x128xi32, #tpu.memory_space<hbm>> -> memref<1x78x128xi32, #tpu.memory_space<hbm>>
      %dma_wait3A_97 = tpu.memref_squeeze %dma_wait3A_96 : memref<1x78x128xi32, #tpu.memory_space<hbm>> -> memref<78x128xi32, #tpu.memory_space<hbm>>
      %dma_wait3A_98 = arith.constant 0 : i32
      %dma_wait3A_99 = arith.constant 0 : i32
      %dma_wait3A_100 = tpu.memref_slice %arg7[%dma_wait3A_98, %dma_wait3A_99] : memref<79x128xi32, #tpu.memory_space<vmem>> -> memref<78x128xi32, #tpu.memory_space<vmem>>
      %dma_wait3A_101 = arith.constant 0 : i32
      %dma_wait3A_102 = tpu.memref_slice %arg3[%run_scoped3A_5, %add3A_4, %dma_wait3A_101] : memref<2x2500x128xi32, #tpu.memory_space<hbm>> -> memref<1x78x128xi32, #tpu.memory_space<hbm>>
      %dma_wait3A_103 = tpu.memref_squeeze %dma_wait3A_102 : memref<1x78x128xi32, #tpu.memory_space<hbm>> -> memref<78x128xi32, #tpu.memory_space<hbm>>
      tpu.wait_dma2 semaphore(%run_scoped3A_79 : memref<!tpu.dma_semaphore, #tpu.memory_space<semaphore_mem>>) src(%dma_wait3A_103 : memref<78x128xi32, #tpu.memory_space<hbm>>) dst(%dma_wait3A_100 : memref<78x128xi32, #tpu.memory_space<vmem>>)
      tpu.yield
    }) : () -> ()
    %lt3A = arith.constant 4 : i32
    %lt3A_6 = arith.cmpi slt, %add3A, %lt3A : i32
    %convert_element_type3A = arith.extui %lt3A_6 : i1 to i32
    %cond3A = arith.constant 0 : i32
    %cond3A_7 = arith.cmpi ne, %convert_element_type3A, %cond3A : i32
    scf.if %cond3A_7 {
      %add3A_79 = arith.constant 78 : i32
      %add3A_80 = arith.addi %add3A_4, %add3A_79 : i32
      %run_scoped3A_81 = arith.constant 0 : i32
      "tpu.region"() ({
        %run_scoped3A_85 = tpu.sem_alloc : memref<!tpu.dma_semaphore, #tpu.memory_space<semaphore_mem>>
        %dma_start3A_86 = arith.constant 78 : i32
        %dma_start3A_87 = arith.constant 0 : i32
        %dma_start3A_88 = tpu.memref_slice %arg6[%dma_start3A_86, %dma_start3A_87] : memref<79x128xi32, #tpu.memory_space<vmem>> -> memref<1x128xi32, #tpu.memory_space<vmem>>
        %dma_start3A_89 = arith.constant 0 : i32
        %dma_start3A_90 = tpu.memref_slice %arg3[%run_scoped3A_81, %add3A_80, %dma_start3A_89] : memref<2x2500x128xi32, #tpu.memory_space<hbm>> -> memref<1x1x128xi32, #tpu.memory_space<hbm>>
        %dma_start3A_91 = tpu.memref_squeeze %dma_start3A_90 : memref<1x1x128xi32, #tpu.memory_space<hbm>> -> memref<1x128xi32, #tpu.memory_space<hbm>>
        %dma_start3A_92 = arith.constant 78 : i32
        %dma_start3A_93 = arith.constant 0 : i32
        %dma_start3A_94 = tpu.memref_slice %arg6[%dma_start3A_92, %dma_start3A_93] : memref<79x128xi32, #tpu.memory_space<vmem>> -> memref<1x128xi32, #tpu.memory_space<vmem>>
        %dma_start3A_95 = arith.constant 0 : i32
        %dma_start3A_96 = tpu.memref_slice %arg3[%run_scoped3A_81, %add3A_80, %dma_start3A_95] : memref<2x2500x128xi32, #tpu.memory_space<hbm>> -> memref<1x1x128xi32, #tpu.memory_space<hbm>>
        %dma_start3A_97 = tpu.memref_squeeze %dma_start3A_96 : memref<1x1x128xi32, #tpu.memory_space<hbm>> -> memref<1x128xi32, #tpu.memory_space<hbm>>
        tpu.enqueue_dma source(%dma_start3A_97 : memref<1x128xi32, #tpu.memory_space<hbm>>) target(%dma_start3A_94 : memref<1x128xi32, #tpu.memory_space<vmem>>) target_semaphore(%run_scoped3A_85 : memref<!tpu.dma_semaphore, #tpu.memory_space<semaphore_mem>>)
        %dma_wait3A_98 = arith.constant 78 : i32
        %dma_wait3A_99 = arith.constant 0 : i32
        %dma_wait3A_100 = tpu.memref_slice %arg6[%dma_wait3A_98, %dma_wait3A_99] : memref<79x128xi32, #tpu.memory_space<vmem>> -> memref<1x128xi32, #tpu.memory_space<vmem>>
        %dma_wait3A_101 = arith.constant 0 : i32
        %dma_wait3A_102 = tpu.memref_slice %arg3[%run_scoped3A_81, %add3A_80, %dma_wait3A_101] : memref<2x2500x128xi32, #tpu.memory_space<hbm>> -> memref<1x1x128xi32, #tpu.memory_space<hbm>>
        %dma_wait3A_103 = tpu.memref_squeeze %dma_wait3A_102 : memref<1x1x128xi32, #tpu.memory_space<hbm>> -> memref<1x128xi32, #tpu.memory_space<hbm>>
        %dma_wait3A_104 = arith.constant 78 : i32
        %dma_wait3A_105 = arith.constant 0 : i32
        %dma_wait3A_106 = tpu.memref_slice %arg6[%dma_wait3A_104, %dma_wait3A_105] : memref<79x128xi32, #tpu.memory_space<vmem>> -> memref<1x128xi32, #tpu.memory_space<vmem>>
        %dma_wait3A_107 = arith.constant 0 : i32
        %dma_wait3A_108 = tpu.memref_slice %arg3[%run_scoped3A_81, %add3A_80, %dma_wait3A_107] : memref<2x2500x128xi32, #tpu.memory_space<hbm>> -> memref<1x1x128xi32, #tpu.memory_space<hbm>>
        %dma_wait3A_109 = tpu.memref_squeeze %dma_wait3A_108 : memref<1x1x128xi32, #tpu.memory_space<hbm>> -> memref<1x128xi32, #tpu.memory_space<hbm>>
        tpu.wait_dma2 semaphore(%run_scoped3A_85 : memref<!tpu.dma_semaphore, #tpu.memory_space<semaphore_mem>>) src(%dma_wait3A_109 : memref<1x128xi32, #tpu.memory_space<hbm>>) dst(%dma_wait3A_106 : memref<1x128xi32, #tpu.memory_space<vmem>>)
        tpu.yield
      }) : () -> ()
      %add3A_82 = arith.constant 78 : i32
      %add3A_83 = arith.addi %add3A_4, %add3A_82 : i32
      %run_scoped3A_84 = arith.constant 1 : i32
      "tpu.region"() ({
        %run_scoped3A_85 = tpu.sem_alloc : memref<!tpu.dma_semaphore, #tpu.memory_space<semaphore_mem>>
        %dma_start3A_86 = arith.constant 78 : i32
        %dma_start3A_87 = arith.constant 0 : i32
        %dma_start3A_88 = tpu.memref_slice %arg7[%dma_start3A_86, %dma_start3A_87] : memref<79x128xi32, #tpu.memory_space<vmem>> -> memref<1x128xi32, #tpu.memory_space<vmem>>
        %dma_start3A_89 = arith.constant 0 : i32
        %dma_start3A_90 = tpu.memref_slice %arg3[%run_scoped3A_84, %add3A_83, %dma_start3A_89] : memref<2x2500x128xi32, #tpu.memory_space<hbm>> -> memref<1x1x128xi32, #tpu.memory_space<hbm>>
        %dma_start3A_91 = tpu.memref_squeeze %dma_start3A_90 : memref<1x1x128xi32, #tpu.memory_space<hbm>> -> memref<1x128xi32, #tpu.memory_space<hbm>>
        %dma_start3A_92 = arith.constant 78 : i32
        %dma_start3A_93 = arith.constant 0 : i32
        %dma_start3A_94 = tpu.memref_slice %arg7[%dma_start3A_92, %dma_start3A_93] : memref<79x128xi32, #tpu.memory_space<vmem>> -> memref<1x128xi32, #tpu.memory_space<vmem>>
        %dma_start3A_95 = arith.constant 0 : i32
        %dma_start3A_96 = tpu.memref_slice %arg3[%run_scoped3A_84, %add3A_83, %dma_start3A_95] : memref<2x2500x128xi32, #tpu.memory_space<hbm>> -> memref<1x1x128xi32, #tpu.memory_space<hbm>>
        %dma_start3A_97 = tpu.memref_squeeze %dma_start3A_96 : memref<1x1x128xi32, #tpu.memory_space<hbm>> -> memref<1x128xi32, #tpu.memory_space<hbm>>
        tpu.enqueue_dma source(%dma_start3A_97 : memref<1x128xi32, #tpu.memory_space<hbm>>) target(%dma_start3A_94 : memref<1x128xi32, #tpu.memory_space<vmem>>) target_semaphore(%run_scoped3A_85 : memref<!tpu.dma_semaphore, #tpu.memory_space<semaphore_mem>>)
        %dma_wait3A_98 = arith.constant 78 : i32
        %dma_wait3A_99 = arith.constant 0 : i32
        %dma_wait3A_100 = tpu.memref_slice %arg7[%dma_wait3A_98, %dma_wait3A_99] : memref<79x128xi32, #tpu.memory_space<vmem>> -> memref<1x128xi32, #tpu.memory_space<vmem>>
        %dma_wait3A_101 = arith.constant 0 : i32
        %dma_wait3A_102 = tpu.memref_slice %arg3[%run_scoped3A_84, %add3A_83, %dma_wait3A_101] : memref<2x2500x128xi32, #tpu.memory_space<hbm>> -> memref<1x1x128xi32, #tpu.memory_space<hbm>>
        %dma_wait3A_103 = tpu.memref_squeeze %dma_wait3A_102 : memref<1x1x128xi32, #tpu.memory_space<hbm>> -> memref<1x128xi32, #tpu.memory_space<hbm>>
        %dma_wait3A_104 = arith.constant 78 : i32
        %dma_wait3A_105 = arith.constant 0 : i32
        %dma_wait3A_106 = tpu.memref_slice %arg7[%dma_wait3A_104, %dma_wait3A_105] : memref<79x128xi32, #tpu.memory_space<vmem>> -> memref<1x128xi32, #tpu.memory_space<vmem>>
        %dma_wait3A_107 = arith.constant 0 : i32
        %dma_wait3A_108 = tpu.memref_slice %arg3[%run_scoped3A_84, %add3A_83, %dma_wait3A_107] : memref<2x2500x128xi32, #tpu.memory_space<hbm>> -> memref<1x1x128xi32, #tpu.memory_space<hbm>>
        %dma_wait3A_109 = tpu.memref_squeeze %dma_wait3A_108 : memref<1x1x128xi32, #tpu.memory_space<hbm>> -> memref<1x128xi32, #tpu.memory_space<hbm>>
        tpu.wait_dma2 semaphore(%run_scoped3A_85 : memref<!tpu.dma_semaphore, #tpu.memory_space<semaphore_mem>>) src(%dma_wait3A_109 : memref<1x128xi32, #tpu.memory_space<hbm>>) dst(%dma_wait3A_106 : memref<1x128xi32, #tpu.memory_space<vmem>>)
        tpu.yield
      }) : () -> ()
    } else {
    }
    %mul3A_8 = arith.constant 632 : i32
    %mul3A_9 = arith.muli %arg1, %mul3A_8 : i32
    "tpu.region"() ({
      %run_scoped3A_79 = tpu.sem_alloc : memref<!tpu.dma_semaphore, #tpu.memory_space<semaphore_mem>>
      %dma_start3A_80 = arith.constant 0 : i32
      %dma_start3A_81 = tpu.memref_slice %arg10[%mul3A_9, %dma_start3A_80] : memref<10112x64xf32, #tpu.memory_space<vmem_shared>> -> memref<632x64xf32, #tpu.memory_space<vmem_shared>>
      tpu.enqueue_dma source(%arg4 : memref<632x64xf32, #tpu.memory_space<hbm>>) target(%dma_start3A_81 : memref<632x64xf32, #tpu.memory_space<vmem_shared>>) target_semaphore(%run_scoped3A_79 : memref<!tpu.dma_semaphore, #tpu.memory_space<semaphore_mem>>)
      %dma_wait3A_82 = arith.constant 0 : i32
      %dma_wait3A_83 = tpu.memref_slice %arg10[%mul3A_9, %dma_wait3A_82] : memref<10112x64xf32, #tpu.memory_space<vmem_shared>> -> memref<632x64xf32, #tpu.memory_space<vmem_shared>>
      tpu.wait_dma2 semaphore(%run_scoped3A_79 : memref<!tpu.dma_semaphore, #tpu.memory_space<semaphore_mem>>) src(%arg4 : memref<632x64xf32, #tpu.memory_space<hbm>>) dst(%dma_wait3A_83 : memref<632x64xf32, #tpu.memory_space<vmem_shared>>)
      tpu.yield
    }) : () -> ()
    %barrier3A = arith.constant 0 : index
    tpu.barrier barrier_id(%barrier3A)
    %dma_start3A = arith.constant 0 : i32
    %dma_start3A_10 = arith.constant 0 : i32
    %dma_start3A_11 = arith.constant 0 : i32
    %dma_start3A_12 = tpu.memref_slice %arg8[%dma_start3A_10, %dma_start3A_11] : memref<384x64xf32, #tpu.memory_space<vmem>> -> memref<128x64xf32, #tpu.memory_space<vmem>>
    %dma_start3A_13 = arith.constant 0 : i32
    %dma_start3A_14 = tpu.memref_slice %arg6[%dma_start3A, %dma_start3A_13] : memref<79x128xi32, #tpu.memory_space<vmem>> -> memref<1x128xi32, #tpu.memory_space<vmem>>
    %dma_start3A_15 = tpu.memref_squeeze %dma_start3A_14 : memref<1x128xi32, #tpu.memory_space<vmem>> -> memref<128xi32, #tpu.memory_space<vmem>>
    %dma_start3A_16 = arith.constant 0 : i32
    %dma_start3A_17 = arith.constant 0 : i32
    %dma_start3A_18 = tpu.memref_slice %arg2[%dma_start3A_16, %dma_start3A_17] : memref<10000x64xf32, #tpu.memory_space<hbm>> -> memref<10000x64xf32, #tpu.memory_space<hbm>>
    tpu.enqueue_indirect_dma source(%dma_start3A_18 : memref<10000x64xf32, #tpu.memory_space<hbm>>) target(%dma_start3A_12 : memref<128x64xf32, #tpu.memory_space<vmem>>) offsets(%dma_start3A_15 : memref<128xi32, #tpu.memory_space<vmem>>) semaphore(%arg11 : memref<!tpu.dma_semaphore, #tpu.memory_space<semaphore_mem>>)
    %dma_start3A_19 = arith.constant 1 : i32
    %dma_start3A_20 = arith.constant 128 : i32
    %dma_start3A_21 = arith.constant 0 : i32
    %dma_start3A_22 = tpu.memref_slice %arg8[%dma_start3A_20, %dma_start3A_21] : memref<384x64xf32, #tpu.memory_space<vmem>> -> memref<128x64xf32, #tpu.memory_space<vmem>>
    %dma_start3A_23 = arith.constant 0 : i32
    %dma_start3A_24 = tpu.memref_slice %arg6[%dma_start3A_19, %dma_start3A_23] : memref<79x128xi32, #tpu.memory_space<vmem>> -> memref<1x128xi32, #tpu.memory_space<vmem>>
    %dma_start3A_25 = tpu.memref_squeeze %dma_start3A_24 : memref<1x128xi32, #tpu.memory_space<vmem>> -> memref<128xi32, #tpu.memory_space<vmem>>
    %dma_start3A_26 = arith.constant 0 : i32
    %dma_start3A_27 = arith.constant 0 : i32
    %dma_start3A_28 = tpu.memref_slice %arg2[%dma_start3A_26, %dma_start3A_27] : memref<10000x64xf32, #tpu.memory_space<hbm>> -> memref<10000x64xf32, #tpu.memory_space<hbm>>
    tpu.enqueue_indirect_dma source(%dma_start3A_28 : memref<10000x64xf32, #tpu.memory_space<hbm>>) target(%dma_start3A_22 : memref<128x64xf32, #tpu.memory_space<vmem>>) offsets(%dma_start3A_25 : memref<128xi32, #tpu.memory_space<vmem>>) semaphore(%arg11 : memref<!tpu.dma_semaphore, #tpu.memory_space<semaphore_mem>>)
    %dma_start3A_29 = arith.constant 2 : i32
    %dma_start3A_30 = arith.constant 256 : i32
    %dma_start3A_31 = arith.constant 0 : i32
    %dma_start3A_32 = tpu.memref_slice %arg8[%dma_start3A_30, %dma_start3A_31] : memref<384x64xf32, #tpu.memory_space<vmem>> -> memref<128x64xf32, #tpu.memory_space<vmem>>
    %dma_start3A_33 = arith.constant 0 : i32
    %dma_start3A_34 = tpu.memref_slice %arg6[%dma_start3A_29, %dma_start3A_33] : memref<79x128xi32, #tpu.memory_space<vmem>> -> memref<1x128xi32, #tpu.memory_space<vmem>>
    %dma_start3A_35 = tpu.memref_squeeze %dma_start3A_34 : memref<1x128xi32, #tpu.memory_space<vmem>> -> memref<128xi32, #tpu.memory_space<vmem>>
    %dma_start3A_36 = arith.constant 0 : i32
    %dma_start3A_37 = arith.constant 0 : i32
    %dma_start3A_38 = tpu.memref_slice %arg2[%dma_start3A_36, %dma_start3A_37] : memref<10000x64xf32, #tpu.memory_space<hbm>> -> memref<10000x64xf32, #tpu.memory_space<hbm>>
    tpu.enqueue_indirect_dma source(%dma_start3A_38 : memref<10000x64xf32, #tpu.memory_space<hbm>>) target(%dma_start3A_32 : memref<128x64xf32, #tpu.memory_space<vmem>>) offsets(%dma_start3A_35 : memref<128xi32, #tpu.memory_space<vmem>>) semaphore(%arg11 : memref<!tpu.dma_semaphore, #tpu.memory_space<semaphore_mem>>)
    %scan3A = arith.constant 0 : i32
    %scan3A_39 = arith.constant 0 : i32
    %scan3A_40 = arith.constant 13 : i32
    %scan3A_41 = arith.addi %scan3A_39, %scan3A_40 : i32
    %scan3A_42 = arith.constant 1 : i32
    scf.for %scan3A_79 = %scan3A_39 to %scan3A_41 step %scan3A_42  : i32 {
      %mul3A_80 = arith.constant 6 : i32
      %mul3A_81 = arith.muli %mul3A_80, %scan3A_79 : i32
      %add3A_82 = arith.constant 3 : i32
      %add3A_83 = arith.addi %mul3A_81, %add3A_82 : i32
      %add3A_84 = arith.constant 0 : i32
      %add3A_85 = arith.addi %add3A_83, %add3A_84 : i32
      %dma_start3A_86 = arith.constant 0 : i32
      %dma_start3A_87 = arith.constant 0 : i32
      %dma_start3A_88 = tpu.memref_slice %arg9[%dma_start3A_86, %dma_start3A_87] : memref<384x64xf32, #tpu.memory_space<vmem>> -> memref<128x64xf32, #tpu.memory_space<vmem>>
      %dma_start3A_89 = arith.constant 0 : i32
      %dma_start3A_90 = tpu.memref_slice %arg6[%add3A_85, %dma_start3A_89] : memref<79x128xi32, #tpu.memory_space<vmem>> -> memref<1x128xi32, #tpu.memory_space<vmem>>
      %dma_start3A_91 = tpu.memref_squeeze %dma_start3A_90 : memref<1x128xi32, #tpu.memory_space<vmem>> -> memref<128xi32, #tpu.memory_space<vmem>>
      %dma_start3A_92 = arith.constant 0 : i32
      %dma_start3A_93 = arith.constant 0 : i32
      %dma_start3A_94 = tpu.memref_slice %arg2[%dma_start3A_92, %dma_start3A_93] : memref<10000x64xf32, #tpu.memory_space<hbm>> -> memref<10000x64xf32, #tpu.memory_space<hbm>>
      tpu.enqueue_indirect_dma source(%dma_start3A_94 : memref<10000x64xf32, #tpu.memory_space<hbm>>) target(%dma_start3A_88 : memref<128x64xf32, #tpu.memory_space<vmem>>) offsets(%dma_start3A_91 : memref<128xi32, #tpu.memory_space<vmem>>) semaphore(%arg12 : memref<!tpu.dma_semaphore, #tpu.memory_space<semaphore_mem>>)
      %add3A_95 = arith.constant 1 : i32
      %add3A_96 = arith.addi %add3A_83, %add3A_95 : i32
      %dma_start3A_97 = arith.constant 128 : i32
      %dma_start3A_98 = arith.constant 0 : i32
      %dma_start3A_99 = tpu.memref_slice %arg9[%dma_start3A_97, %dma_start3A_98] : memref<384x64xf32, #tpu.memory_space<vmem>> -> memref<128x64xf32, #tpu.memory_space<vmem>>
      %dma_start3A_100 = arith.constant 0 : i32
      %dma_start3A_101 = tpu.memref_slice %arg6[%add3A_96, %dma_start3A_100] : memref<79x128xi32, #tpu.memory_space<vmem>> -> memref<1x128xi32, #tpu.memory_space<vmem>>
      %dma_start3A_102 = tpu.memref_squeeze %dma_start3A_101 : memref<1x128xi32, #tpu.memory_space<vmem>> -> memref<128xi32, #tpu.memory_space<vmem>>
      %dma_start3A_103 = arith.constant 0 : i32
      %dma_start3A_104 = arith.constant 0 : i32
      %dma_start3A_105 = tpu.memref_slice %arg2[%dma_start3A_103, %dma_start3A_104] : memref<10000x64xf32, #tpu.memory_space<hbm>> -> memref<10000x64xf32, #tpu.memory_space<hbm>>
      tpu.enqueue_indirect_dma source(%dma_start3A_105 : memref<10000x64xf32, #tpu.memory_space<hbm>>) target(%dma_start3A_99 : memref<128x64xf32, #tpu.memory_space<vmem>>) offsets(%dma_start3A_102 : memref<128xi32, #tpu.memory_space<vmem>>) semaphore(%arg12 : memref<!tpu.dma_semaphore, #tpu.memory_space<semaphore_mem>>)
      %add3A_106 = arith.constant 2 : i32
      %add3A_107 = arith.addi %add3A_83, %add3A_106 : i32
      %dma_start3A_108 = arith.constant 256 : i32
      %dma_start3A_109 = arith.constant 0 : i32
      %dma_start3A_110 = tpu.memref_slice %arg9[%dma_start3A_108, %dma_start3A_109] : memref<384x64xf32, #tpu.memory_space<vmem>> -> memref<128x64xf32, #tpu.memory_space<vmem>>
      %dma_start3A_111 = arith.constant 0 : i32
      %dma_start3A_112 = tpu.memref_slice %arg6[%add3A_107, %dma_start3A_111] : memref<79x128xi32, #tpu.memory_space<vmem>> -> memref<1x128xi32, #tpu.memory_space<vmem>>
      %dma_start3A_113 = tpu.memref_squeeze %dma_start3A_112 : memref<1x128xi32, #tpu.memory_space<vmem>> -> memref<128xi32, #tpu.memory_space<vmem>>
      %dma_start3A_114 = arith.constant 0 : i32
      %dma_start3A_115 = arith.constant 0 : i32
      %dma_start3A_116 = tpu.memref_slice %arg2[%dma_start3A_114, %dma_start3A_115] : memref<10000x64xf32, #tpu.memory_space<hbm>> -> memref<10000x64xf32, #tpu.memory_space<hbm>>
      tpu.enqueue_indirect_dma source(%dma_start3A_116 : memref<10000x64xf32, #tpu.memory_space<hbm>>) target(%dma_start3A_110 : memref<128x64xf32, #tpu.memory_space<vmem>>) offsets(%dma_start3A_113 : memref<128xi32, #tpu.memory_space<vmem>>) semaphore(%arg12 : memref<!tpu.dma_semaphore, #tpu.memory_space<semaphore_mem>>)
      %add3A_117 = arith.constant 0 : i32
      %add3A_118 = arith.addi %mul3A_81, %add3A_117 : i32
      %dma_wait3A_119 = arith.constant 0 : i32
      %dma_wait3A_120 = arith.constant 0 : i32
      %dma_wait3A_121 = tpu.memref_slice %arg8[%dma_wait3A_119, %dma_wait3A_120] : memref<384x64xf32, #tpu.memory_space<vmem>> -> memref<128x64xf32, #tpu.memory_space<vmem>>
      %dma_wait3A_122 = arith.constant 0 : i32
      %dma_wait3A_123 = tpu.memref_slice %arg6[%add3A_118, %dma_wait3A_122] : memref<79x128xi32, #tpu.memory_space<vmem>> -> memref<1x128xi32, #tpu.memory_space<vmem>>
      %dma_wait3A_124 = tpu.memref_squeeze %dma_wait3A_123 : memref<1x128xi32, #tpu.memory_space<vmem>> -> memref<128xi32, #tpu.memory_space<vmem>>
      %dma_wait3A_125 = arith.constant 0 : i32
      %dma_wait3A_126 = arith.constant 0 : i32
      %dma_wait3A_127 = tpu.memref_slice %arg2[%dma_wait3A_125, %dma_wait3A_126] : memref<10000x64xf32, #tpu.memory_space<hbm>> -> memref<10000x64xf32, #tpu.memory_space<hbm>>
      tpu.wait_indirect_dma semaphore(%arg11 : memref<!tpu.dma_semaphore, #tpu.memory_space<semaphore_mem>>) src(%dma_wait3A_127 : memref<10000x64xf32, #tpu.memory_space<hbm>>) dst(%dma_wait3A_121 : memref<128x64xf32, #tpu.memory_space<vmem>>)
      %add3A_128 = arith.constant 1 : i32
      %add3A_129 = arith.addi %mul3A_81, %add3A_128 : i32
      %dma_wait3A_130 = arith.constant 128 : i32
      %dma_wait3A_131 = arith.constant 0 : i32
      %dma_wait3A_132 = tpu.memref_slice %arg8[%dma_wait3A_130, %dma_wait3A_131] : memref<384x64xf32, #tpu.memory_space<vmem>> -> memref<128x64xf32, #tpu.memory_space<vmem>>
      %dma_wait3A_133 = arith.constant 0 : i32
      %dma_wait3A_134 = tpu.memref_slice %arg6[%add3A_129, %dma_wait3A_133] : memref<79x128xi32, #tpu.memory_space<vmem>> -> memref<1x128xi32, #tpu.memory_space<vmem>>
      %dma_wait3A_135 = tpu.memref_squeeze %dma_wait3A_134 : memref<1x128xi32, #tpu.memory_space<vmem>> -> memref<128xi32, #tpu.memory_space<vmem>>
      %dma_wait3A_136 = arith.constant 0 : i32
      %dma_wait3A_137 = arith.constant 0 : i32
      %dma_wait3A_138 = tpu.memref_slice %arg2[%dma_wait3A_136, %dma_wait3A_137] : memref<10000x64xf32, #tpu.memory_space<hbm>> -> memref<10000x64xf32, #tpu.memory_space<hbm>>
      tpu.wait_indirect_dma semaphore(%arg11 : memref<!tpu.dma_semaphore, #tpu.memory_space<semaphore_mem>>) src(%dma_wait3A_138 : memref<10000x64xf32, #tpu.memory_space<hbm>>) dst(%dma_wait3A_132 : memref<128x64xf32, #tpu.memory_space<vmem>>)
      %add3A_139 = arith.constant 2 : i32
      %add3A_140 = arith.addi %mul3A_81, %add3A_139 : i32
      %dma_wait3A_141 = arith.constant 256 : i32
      %dma_wait3A_142 = arith.constant 0 : i32
      %dma_wait3A_143 = tpu.memref_slice %arg8[%dma_wait3A_141, %dma_wait3A_142] : memref<384x64xf32, #tpu.memory_space<vmem>> -> memref<128x64xf32, #tpu.memory_space<vmem>>
      %dma_wait3A_144 = arith.constant 0 : i32
      %dma_wait3A_145 = tpu.memref_slice %arg6[%add3A_140, %dma_wait3A_144] : memref<79x128xi32, #tpu.memory_space<vmem>> -> memref<1x128xi32, #tpu.memory_space<vmem>>
      %dma_wait3A_146 = tpu.memref_squeeze %dma_wait3A_145 : memref<1x128xi32, #tpu.memory_space<vmem>> -> memref<128xi32, #tpu.memory_space<vmem>>
      %dma_wait3A_147 = arith.constant 0 : i32
      %dma_wait3A_148 = arith.constant 0 : i32
      %dma_wait3A_149 = tpu.memref_slice %arg2[%dma_wait3A_147, %dma_wait3A_148] : memref<10000x64xf32, #tpu.memory_space<hbm>> -> memref<10000x64xf32, #tpu.memory_space<hbm>>
      tpu.wait_indirect_dma semaphore(%arg11 : memref<!tpu.dma_semaphore, #tpu.memory_space<semaphore_mem>>) src(%dma_wait3A_149 : memref<10000x64xf32, #tpu.memory_space<hbm>>) dst(%dma_wait3A_143 : memref<128x64xf32, #tpu.memory_space<vmem>>)
      %add3A_150 = arith.constant 0 : i32
      %add3A_151 = arith.addi %mul3A_81, %add3A_150 : i32
      %dma_start3A_152 = arith.constant 0 : i32
      %dma_start3A_153 = arith.constant 0 : i32
      %dma_start3A_154 = tpu.memref_slice %arg8[%dma_start3A_152, %dma_start3A_153] : memref<384x64xf32, #tpu.memory_space<vmem>> -> memref<128x64xf32, #tpu.memory_space<vmem>>
      %dma_start3A_155 = arith.constant 0 : i32
      %dma_start3A_156 = tpu.memref_slice %arg7[%add3A_151, %dma_start3A_155] : memref<79x128xi32, #tpu.memory_space<vmem>> -> memref<1x128xi32, #tpu.memory_space<vmem>>
      %dma_start3A_157 = tpu.memref_squeeze %dma_start3A_156 : memref<1x128xi32, #tpu.memory_space<vmem>> -> memref<128xi32, #tpu.memory_space<vmem>>
      %dma_start3A_158 = arith.constant 0 : i32
      %dma_start3A_159 = arith.constant 0 : i32
      %dma_start3A_160 = tpu.memref_slice %arg10[%dma_start3A_158, %dma_start3A_159] : memref<10112x64xf32, #tpu.memory_space<vmem_shared>> -> memref<10112x64xf32, #tpu.memory_space<vmem_shared>>
      tpu.enqueue_indirect_dma source(%dma_start3A_154 : memref<128x64xf32, #tpu.memory_space<vmem>>) target(%dma_start3A_160 : memref<10112x64xf32, #tpu.memory_space<vmem_shared>>) offsets(%dma_start3A_157 : memref<128xi32, #tpu.memory_space<vmem>>) semaphore(%arg13 : memref<!tpu.dma_semaphore, #tpu.memory_space<semaphore_mem>>) {add = true}
      %add3A_161 = arith.constant 1 : i32
      %add3A_162 = arith.addi %mul3A_81, %add3A_161 : i32
      %dma_start3A_163 = arith.constant 128 : i32
      %dma_start3A_164 = arith.constant 0 : i32
      %dma_start3A_165 = tpu.memref_slice %arg8[%dma_start3A_163, %dma_start3A_164] : memref<384x64xf32, #tpu.memory_space<vmem>> -> memref<128x64xf32, #tpu.memory_space<vmem>>
      %dma_start3A_166 = arith.constant 0 : i32
      %dma_start3A_167 = tpu.memref_slice %arg7[%add3A_162, %dma_start3A_166] : memref<79x128xi32, #tpu.memory_space<vmem>> -> memref<1x128xi32, #tpu.memory_space<vmem>>
      %dma_start3A_168 = tpu.memref_squeeze %dma_start3A_167 : memref<1x128xi32, #tpu.memory_space<vmem>> -> memref<128xi32, #tpu.memory_space<vmem>>
      %dma_start3A_169 = arith.constant 0 : i32
      %dma_start3A_170 = arith.constant 0 : i32
      %dma_start3A_171 = tpu.memref_slice %arg10[%dma_start3A_169, %dma_start3A_170] : memref<10112x64xf32, #tpu.memory_space<vmem_shared>> -> memref<10112x64xf32, #tpu.memory_space<vmem_shared>>
      tpu.enqueue_indirect_dma source(%dma_start3A_165 : memref<128x64xf32, #tpu.memory_space<vmem>>) target(%dma_start3A_171 : memref<10112x64xf32, #tpu.memory_space<vmem_shared>>) offsets(%dma_start3A_168 : memref<128xi32, #tpu.memory_space<vmem>>) semaphore(%arg13 : memref<!tpu.dma_semaphore, #tpu.memory_space<semaphore_mem>>) {add = true}
      %add3A_172 = arith.constant 2 : i32
      %add3A_173 = arith.addi %mul3A_81, %add3A_172 : i32
      %dma_start3A_174 = arith.constant 256 : i32
      %dma_start3A_175 = arith.constant 0 : i32
      %dma_start3A_176 = tpu.memref_slice %arg8[%dma_start3A_174, %dma_start3A_175] : memref<384x64xf32, #tpu.memory_space<vmem>> -> memref<128x64xf32, #tpu.memory_space<vmem>>
      %dma_start3A_177 = arith.constant 0 : i32
      %dma_start3A_178 = tpu.memref_slice %arg7[%add3A_173, %dma_start3A_177] : memref<79x128xi32, #tpu.memory_space<vmem>> -> memref<1x128xi32, #tpu.memory_space<vmem>>
      %dma_start3A_179 = tpu.memref_squeeze %dma_start3A_178 : memref<1x128xi32, #tpu.memory_space<vmem>> -> memref<128xi32, #tpu.memory_space<vmem>>
      %dma_start3A_180 = arith.constant 0 : i32
      %dma_start3A_181 = arith.constant 0 : i32
      %dma_start3A_182 = tpu.memref_slice %arg10[%dma_start3A_180, %dma_start3A_181] : memref<10112x64xf32, #tpu.memory_space<vmem_shared>> -> memref<10112x64xf32, #tpu.memory_space<vmem_shared>>
      tpu.enqueue_indirect_dma source(%dma_start3A_176 : memref<128x64xf32, #tpu.memory_space<vmem>>) target(%dma_start3A_182 : memref<10112x64xf32, #tpu.memory_space<vmem_shared>>) offsets(%dma_start3A_179 : memref<128xi32, #tpu.memory_space<vmem>>) semaphore(%arg13 : memref<!tpu.dma_semaphore, #tpu.memory_space<semaphore_mem>>) {add = true}
      %add3A_183 = arith.constant 0 : i32
      %add3A_184 = arith.addi %mul3A_81, %add3A_183 : i32
      %dma_wait3A_185 = arith.constant 0 : i32
      %dma_wait3A_186 = arith.constant 0 : i32
      %dma_wait3A_187 = tpu.memref_slice %arg8[%dma_wait3A_185, %dma_wait3A_186] : memref<384x64xf32, #tpu.memory_space<vmem>> -> memref<128x64xf32, #tpu.memory_space<vmem>>
      %dma_wait3A_188 = arith.constant 0 : i32
      %dma_wait3A_189 = tpu.memref_slice %arg7[%add3A_184, %dma_wait3A_188] : memref<79x128xi32, #tpu.memory_space<vmem>> -> memref<1x128xi32, #tpu.memory_space<vmem>>
      %dma_wait3A_190 = tpu.memref_squeeze %dma_wait3A_189 : memref<1x128xi32, #tpu.memory_space<vmem>> -> memref<128xi32, #tpu.memory_space<vmem>>
      %dma_wait3A_191 = arith.constant 0 : i32
      %dma_wait3A_192 = arith.constant 0 : i32
      %dma_wait3A_193 = tpu.memref_slice %arg10[%dma_wait3A_191, %dma_wait3A_192] : memref<10112x64xf32, #tpu.memory_space<vmem_shared>> -> memref<10112x64xf32, #tpu.memory_space<vmem_shared>>
      tpu.wait_indirect_dma semaphore(%arg13 : memref<!tpu.dma_semaphore, #tpu.memory_space<semaphore_mem>>) src(%dma_wait3A_187 : memref<128x64xf32, #tpu.memory_space<vmem>>) dst(%dma_wait3A_193 : memref<10112x64xf32, #tpu.memory_space<vmem_shared>>)
      %add3A_194 = arith.constant 1 : i32
      %add3A_195 = arith.addi %mul3A_81, %add3A_194 : i32
      %dma_wait3A_196 = arith.constant 128 : i32
      %dma_wait3A_197 = arith.constant 0 : i32
      %dma_wait3A_198 = tpu.memref_slice %arg8[%dma_wait3A_196, %dma_wait3A_197] : memref<384x64xf32, #tpu.memory_space<vmem>> -> memref<128x64xf32, #tpu.memory_space<vmem>>
      %dma_wait3A_199 = arith.constant 0 : i32
      %dma_wait3A_200 = tpu.memref_slice %arg7[%add3A_195, %dma_wait3A_199] : memref<79x128xi32, #tpu.memory_space<vmem>> -> memref<1x128xi32, #tpu.memory_space<vmem>>
      %dma_wait3A_201 = tpu.memref_squeeze %dma_wait3A_200 : memref<1x128xi32, #tpu.memory_space<vmem>> -> memref<128xi32, #tpu.memory_space<vmem>>
      %dma_wait3A_202 = arith.constant 0 : i32
      %dma_wait3A_203 = arith.constant 0 : i32
      %dma_wait3A_204 = tpu.memref_slice %arg10[%dma_wait3A_202, %dma_wait3A_203] : memref<10112x64xf32, #tpu.memory_space<vmem_shared>> -> memref<10112x64xf32, #tpu.memory_space<vmem_shared>>
      tpu.wait_indirect_dma semaphore(%arg13 : memref<!tpu.dma_semaphore, #tpu.memory_space<semaphore_mem>>) src(%dma_wait3A_198 : memref<128x64xf32, #tpu.memory_space<vmem>>) dst(%dma_wait3A_204 : memref<10112x64xf32, #tpu.memory_space<vmem_shared>>)
      %add3A_205 = arith.constant 2 : i32
      %add3A_206 = arith.addi %mul3A_81, %add3A_205 : i32
      %dma_wait3A_207 = arith.constant 256 : i32
      %dma_wait3A_208 = arith.constant 0 : i32
      %dma_wait3A_209 = tpu.memref_slice %arg8[%dma_wait3A_207, %dma_wait3A_208] : memref<384x64xf32, #tpu.memory_space<vmem>> -> memref<128x64xf32, #tpu.memory_space<vmem>>
      %dma_wait3A_210 = arith.constant 0 : i32
      %dma_wait3A_211 = tpu.memref_slice %arg7[%add3A_206, %dma_wait3A_210] : memref<79x128xi32, #tpu.memory_space<vmem>> -> memref<1x128xi32, #tpu.memory_space<vmem>>
      %dma_wait3A_212 = tpu.memref_squeeze %dma_wait3A_211 : memref<1x128xi32, #tpu.memory_space<vmem>> -> memref<128xi32, #tpu.memory_space<vmem>>
      %dma_wait3A_213 = arith.constant 0 : i32
      %dma_wait3A_214 = arith.constant 0 : i32
      %dma_wait3A_215 = tpu.memref_slice %arg10[%dma_wait3A_213, %dma_wait3A_214] : memref<10112x64xf32, #tpu.memory_space<vmem_shared>> -> memref<10112x64xf32, #tpu.memory_space<vmem_shared>>
      tpu.wait_indirect_dma semaphore(%arg13 : memref<!tpu.dma_semaphore, #tpu.memory_space<semaphore_mem>>) src(%dma_wait3A_209 : memref<128x64xf32, #tpu.memory_space<vmem>>) dst(%dma_wait3A_215 : memref<10112x64xf32, #tpu.memory_space<vmem_shared>>)
      %add3A_216 = arith.constant 6 : i32
      %add3A_217 = arith.addi %mul3A_81, %add3A_216 : i32
      %lt3A_218 = arith.constant 78 : i32
      %lt3A_219 = arith.cmpi slt, %add3A_217, %lt3A_218 : i32
      %add3A_220 = arith.constant 6 : i32
      %add3A_221 = arith.addi %mul3A_81, %add3A_220 : i32
      %jit3A = arith.constant 0 : i32
      %select_n3A = arith.select %lt3A_219, %add3A_221, %jit3A : i32
      %add3A_222 = arith.constant 0 : i32
      %add3A_223 = arith.addi %select_n3A, %add3A_222 : i32
      %dma_start3A_224 = arith.constant 0 : i32
      %dma_start3A_225 = arith.constant 0 : i32
      %dma_start3A_226 = tpu.memref_slice %arg8[%dma_start3A_224, %dma_start3A_225] : memref<384x64xf32, #tpu.memory_space<vmem>> -> memref<128x64xf32, #tpu.memory_space<vmem>>
      %dma_start3A_227 = arith.constant 0 : i32
      %dma_start3A_228 = tpu.memref_slice %arg6[%add3A_223, %dma_start3A_227] : memref<79x128xi32, #tpu.memory_space<vmem>> -> memref<1x128xi32, #tpu.memory_space<vmem>>
      %dma_start3A_229 = tpu.memref_squeeze %dma_start3A_228 : memref<1x128xi32, #tpu.memory_space<vmem>> -> memref<128xi32, #tpu.memory_space<vmem>>
      %dma_start3A_230 = arith.constant 0 : i32
      %dma_start3A_231 = arith.constant 0 : i32
      %dma_start3A_232 = tpu.memref_slice %arg2[%dma_start3A_230, %dma_start3A_231] : memref<10000x64xf32, #tpu.memory_space<hbm>> -> memref<10000x64xf32, #tpu.memory_space<hbm>>
      tpu.enqueue_indirect_dma source(%dma_start3A_232 : memref<10000x64xf32, #tpu.memory_space<hbm>>) target(%dma_start3A_226 : memref<128x64xf32, #tpu.memory_space<vmem>>) offsets(%dma_start3A_229 : memref<128xi32, #tpu.memory_space<vmem>>) semaphore(%arg11 : memref<!tpu.dma_semaphore, #tpu.memory_space<semaphore_mem>>)
      %add3A_233 = arith.constant 1 : i32
      %add3A_234 = arith.addi %select_n3A, %add3A_233 : i32
      %dma_start3A_235 = arith.constant 128 : i32
      %dma_start3A_236 = arith.constant 0 : i32
      %dma_start3A_237 = tpu.memref_slice %arg8[%dma_start3A_235, %dma_start3A_236] : memref<384x64xf32, #tpu.memory_space<vmem>> -> memref<128x64xf32, #tpu.memory_space<vmem>>
      %dma_start3A_238 = arith.constant 0 : i32
      %dma_start3A_239 = tpu.memref_slice %arg6[%add3A_234, %dma_start3A_238] : memref<79x128xi32, #tpu.memory_space<vmem>> -> memref<1x128xi32, #tpu.memory_space<vmem>>
      %dma_start3A_240 = tpu.memref_squeeze %dma_start3A_239 : memref<1x128xi32, #tpu.memory_space<vmem>> -> memref<128xi32, #tpu.memory_space<vmem>>
      %dma_start3A_241 = arith.constant 0 : i32
      %dma_start3A_242 = arith.constant 0 : i32
      %dma_start3A_243 = tpu.memref_slice %arg2[%dma_start3A_241, %dma_start3A_242] : memref<10000x64xf32, #tpu.memory_space<hbm>> -> memref<10000x64xf32, #tpu.memory_space<hbm>>
      tpu.enqueue_indirect_dma source(%dma_start3A_243 : memref<10000x64xf32, #tpu.memory_space<hbm>>) target(%dma_start3A_237 : memref<128x64xf32, #tpu.memory_space<vmem>>) offsets(%dma_start3A_240 : memref<128xi32, #tpu.memory_space<vmem>>) semaphore(%arg11 : memref<!tpu.dma_semaphore, #tpu.memory_space<semaphore_mem>>)
      %add3A_244 = arith.constant 2 : i32
      %add3A_245 = arith.addi %select_n3A, %add3A_244 : i32
      %dma_start3A_246 = arith.constant 256 : i32
      %dma_start3A_247 = arith.constant 0 : i32
      %dma_start3A_248 = tpu.memref_slice %arg8[%dma_start3A_246, %dma_start3A_247] : memref<384x64xf32, #tpu.memory_space<vmem>> -> memref<128x64xf32, #tpu.memory_space<vmem>>
      %dma_start3A_249 = arith.constant 0 : i32
      %dma_start3A_250 = tpu.memref_slice %arg6[%add3A_245, %dma_start3A_249] : memref<79x128xi32, #tpu.memory_space<vmem>> -> memref<1x128xi32, #tpu.memory_space<vmem>>
      %dma_start3A_251 = tpu.memref_squeeze %dma_start3A_250 : memref<1x128xi32, #tpu.memory_space<vmem>> -> memref<128xi32, #tpu.memory_space<vmem>>
      %dma_start3A_252 = arith.constant 0 : i32
      %dma_start3A_253 = arith.constant 0 : i32
      %dma_start3A_254 = tpu.memref_slice %arg2[%dma_start3A_252, %dma_start3A_253] : memref<10000x64xf32, #tpu.memory_space<hbm>> -> memref<10000x64xf32, #tpu.memory_space<hbm>>
      tpu.enqueue_indirect_dma source(%dma_start3A_254 : memref<10000x64xf32, #tpu.memory_space<hbm>>) target(%dma_start3A_248 : memref<128x64xf32, #tpu.memory_space<vmem>>) offsets(%dma_start3A_251 : memref<128xi32, #tpu.memory_space<vmem>>) semaphore(%arg11 : memref<!tpu.dma_semaphore, #tpu.memory_space<semaphore_mem>>)
      %add3A_255 = arith.constant 3 : i32
      %add3A_256 = arith.addi %mul3A_81, %add3A_255 : i32
      %add3A_257 = arith.constant 0 : i32
      %add3A_258 = arith.addi %add3A_256, %add3A_257 : i32
      %dma_wait3A_259 = arith.constant 0 : i32
      %dma_wait3A_260 = arith.constant 0 : i32
      %dma_wait3A_261 = tpu.memref_slice %arg9[%dma_wait3A_259, %dma_wait3A_260] : memref<384x64xf32, #tpu.memory_space<vmem>> -> memref<128x64xf32, #tpu.memory_space<vmem>>
      %dma_wait3A_262 = arith.constant 0 : i32
      %dma_wait3A_263 = tpu.memref_slice %arg6[%add3A_258, %dma_wait3A_262] : memref<79x128xi32, #tpu.memory_space<vmem>> -> memref<1x128xi32, #tpu.memory_space<vmem>>
      %dma_wait3A_264 = tpu.memref_squeeze %dma_wait3A_263 : memref<1x128xi32, #tpu.memory_space<vmem>> -> memref<128xi32, #tpu.memory_space<vmem>>
      %dma_wait3A_265 = arith.constant 0 : i32
      %dma_wait3A_266 = arith.constant 0 : i32
      %dma_wait3A_267 = tpu.memref_slice %arg2[%dma_wait3A_265, %dma_wait3A_266] : memref<10000x64xf32, #tpu.memory_space<hbm>> -> memref<10000x64xf32, #tpu.memory_space<hbm>>
      tpu.wait_indirect_dma semaphore(%arg12 : memref<!tpu.dma_semaphore, #tpu.memory_space<semaphore_mem>>) src(%dma_wait3A_267 : memref<10000x64xf32, #tpu.memory_space<hbm>>) dst(%dma_wait3A_261 : memref<128x64xf32, #tpu.memory_space<vmem>>)
      %add3A_268 = arith.constant 1 : i32
      %add3A_269 = arith.addi %add3A_256, %add3A_268 : i32
      %dma_wait3A_270 = arith.constant 128 : i32
      %dma_wait3A_271 = arith.constant 0 : i32
      %dma_wait3A_272 = tpu.memref_slice %arg9[%dma_wait3A_270, %dma_wait3A_271] : memref<384x64xf32, #tpu.memory_space<vmem>> -> memref<128x64xf32, #tpu.memory_space<vmem>>
      %dma_wait3A_273 = arith.constant 0 : i32
      %dma_wait3A_274 = tpu.memref_slice %arg6[%add3A_269, %dma_wait3A_273] : memref<79x128xi32, #tpu.memory_space<vmem>> -> memref<1x128xi32, #tpu.memory_space<vmem>>
      %dma_wait3A_275 = tpu.memref_squeeze %dma_wait3A_274 : memref<1x128xi32, #tpu.memory_space<vmem>> -> memref<128xi32, #tpu.memory_space<vmem>>
      %dma_wait3A_276 = arith.constant 0 : i32
      %dma_wait3A_277 = arith.constant 0 : i32
      %dma_wait3A_278 = tpu.memref_slice %arg2[%dma_wait3A_276, %dma_wait3A_277] : memref<10000x64xf32, #tpu.memory_space<hbm>> -> memref<10000x64xf32, #tpu.memory_space<hbm>>
      tpu.wait_indirect_dma semaphore(%arg12 : memref<!tpu.dma_semaphore, #tpu.memory_space<semaphore_mem>>) src(%dma_wait3A_278 : memref<10000x64xf32, #tpu.memory_space<hbm>>) dst(%dma_wait3A_272 : memref<128x64xf32, #tpu.memory_space<vmem>>)
      %add3A_279 = arith.constant 2 : i32
      %add3A_280 = arith.addi %add3A_256, %add3A_279 : i32
      %dma_wait3A_281 = arith.constant 256 : i32
      %dma_wait3A_282 = arith.constant 0 : i32
      %dma_wait3A_283 = tpu.memref_slice %arg9[%dma_wait3A_281, %dma_wait3A_282] : memref<384x64xf32, #tpu.memory_space<vmem>> -> memref<128x64xf32, #tpu.memory_space<vmem>>
      %dma_wait3A_284 = arith.constant 0 : i32
      %dma_wait3A_285 = tpu.memref_slice %arg6[%add3A_280, %dma_wait3A_284] : memref<79x128xi32, #tpu.memory_space<vmem>> -> memref<1x128xi32, #tpu.memory_space<vmem>>
      %dma_wait3A_286 = tpu.memref_squeeze %dma_wait3A_285 : memref<1x128xi32, #tpu.memory_space<vmem>> -> memref<128xi32, #tpu.memory_space<vmem>>
      %dma_wait3A_287 = arith.constant 0 : i32
      %dma_wait3A_288 = arith.constant 0 : i32
      %dma_wait3A_289 = tpu.memref_slice %arg2[%dma_wait3A_287, %dma_wait3A_288] : memref<10000x64xf32, #tpu.memory_space<hbm>> -> memref<10000x64xf32, #tpu.memory_space<hbm>>
      tpu.wait_indirect_dma semaphore(%arg12 : memref<!tpu.dma_semaphore, #tpu.memory_space<semaphore_mem>>) src(%dma_wait3A_289 : memref<10000x64xf32, #tpu.memory_space<hbm>>) dst(%dma_wait3A_283 : memref<128x64xf32, #tpu.memory_space<vmem>>)
      %add3A_290 = arith.constant 3 : i32
      %add3A_291 = arith.addi %mul3A_81, %add3A_290 : i32
      %add3A_292 = arith.constant 0 : i32
      %add3A_293 = arith.addi %add3A_291, %add3A_292 : i32
      %dma_start3A_294 = arith.constant 0 : i32
      %dma_start3A_295 = arith.constant 0 : i32
      %dma_start3A_296 = tpu.memref_slice %arg9[%dma_start3A_294, %dma_start3A_295] : memref<384x64xf32, #tpu.memory_space<vmem>> -> memref<128x64xf32, #tpu.memory_space<vmem>>
      %dma_start3A_297 = arith.constant 0 : i32
      %dma_start3A_298 = tpu.memref_slice %arg7[%add3A_293, %dma_start3A_297] : memref<79x128xi32, #tpu.memory_space<vmem>> -> memref<1x128xi32, #tpu.memory_space<vmem>>
      %dma_start3A_299 = tpu.memref_squeeze %dma_start3A_298 : memref<1x128xi32, #tpu.memory_space<vmem>> -> memref<128xi32, #tpu.memory_space<vmem>>
      %dma_start3A_300 = arith.constant 0 : i32
      %dma_start3A_301 = arith.constant 0 : i32
      %dma_start3A_302 = tpu.memref_slice %arg10[%dma_start3A_300, %dma_start3A_301] : memref<10112x64xf32, #tpu.memory_space<vmem_shared>> -> memref<10112x64xf32, #tpu.memory_space<vmem_shared>>
      tpu.enqueue_indirect_dma source(%dma_start3A_296 : memref<128x64xf32, #tpu.memory_space<vmem>>) target(%dma_start3A_302 : memref<10112x64xf32, #tpu.memory_space<vmem_shared>>) offsets(%dma_start3A_299 : memref<128xi32, #tpu.memory_space<vmem>>) semaphore(%arg14 : memref<!tpu.dma_semaphore, #tpu.memory_space<semaphore_mem>>) {add = true}
      %add3A_303 = arith.constant 1 : i32
      %add3A_304 = arith.addi %add3A_291, %add3A_303 : i32
      %dma_start3A_305 = arith.constant 128 : i32
      %dma_start3A_306 = arith.constant 0 : i32
      %dma_start3A_307 = tpu.memref_slice %arg9[%dma_start3A_305, %dma_start3A_306] : memref<384x64xf32, #tpu.memory_space<vmem>> -> memref<128x64xf32, #tpu.memory_space<vmem>>
      %dma_start3A_308 = arith.constant 0 : i32
      %dma_start3A_309 = tpu.memref_slice %arg7[%add3A_304, %dma_start3A_308] : memref<79x128xi32, #tpu.memory_space<vmem>> -> memref<1x128xi32, #tpu.memory_space<vmem>>
      %dma_start3A_310 = tpu.memref_squeeze %dma_start3A_309 : memref<1x128xi32, #tpu.memory_space<vmem>> -> memref<128xi32, #tpu.memory_space<vmem>>
      %dma_start3A_311 = arith.constant 0 : i32
      %dma_start3A_312 = arith.constant 0 : i32
      %dma_start3A_313 = tpu.memref_slice %arg10[%dma_start3A_311, %dma_start3A_312] : memref<10112x64xf32, #tpu.memory_space<vmem_shared>> -> memref<10112x64xf32, #tpu.memory_space<vmem_shared>>
      tpu.enqueue_indirect_dma source(%dma_start3A_307 : memref<128x64xf32, #tpu.memory_space<vmem>>) target(%dma_start3A_313 : memref<10112x64xf32, #tpu.memory_space<vmem_shared>>) offsets(%dma_start3A_310 : memref<128xi32, #tpu.memory_space<vmem>>) semaphore(%arg14 : memref<!tpu.dma_semaphore, #tpu.memory_space<semaphore_mem>>) {add = true}
      %add3A_314 = arith.constant 2 : i32
      %add3A_315 = arith.addi %add3A_291, %add3A_314 : i32
      %dma_start3A_316 = arith.constant 256 : i32
      %dma_start3A_317 = arith.constant 0 : i32
      %dma_start3A_318 = tpu.memref_slice %arg9[%dma_start3A_316, %dma_start3A_317] : memref<384x64xf32, #tpu.memory_space<vmem>> -> memref<128x64xf32, #tpu.memory_space<vmem>>
      %dma_start3A_319 = arith.constant 0 : i32
      %dma_start3A_320 = tpu.memref_slice %arg7[%add3A_315, %dma_start3A_319] : memref<79x128xi32, #tpu.memory_space<vmem>> -> memref<1x128xi32, #tpu.memory_space<vmem>>
      %dma_start3A_321 = tpu.memref_squeeze %dma_start3A_320 : memref<1x128xi32, #tpu.memory_space<vmem>> -> memref<128xi32, #tpu.memory_space<vmem>>
      %dma_start3A_322 = arith.constant 0 : i32
      %dma_start3A_323 = arith.constant 0 : i32
      %dma_start3A_324 = tpu.memref_slice %arg10[%dma_start3A_322, %dma_start3A_323] : memref<10112x64xf32, #tpu.memory_space<vmem_shared>> -> memref<10112x64xf32, #tpu.memory_space<vmem_shared>>
      tpu.enqueue_indirect_dma source(%dma_start3A_318 : memref<128x64xf32, #tpu.memory_space<vmem>>) target(%dma_start3A_324 : memref<10112x64xf32, #tpu.memory_space<vmem_shared>>) offsets(%dma_start3A_321 : memref<128xi32, #tpu.memory_space<vmem>>) semaphore(%arg14 : memref<!tpu.dma_semaphore, #tpu.memory_space<semaphore_mem>>) {add = true}
      %add3A_325 = arith.constant 0 : i32
      %add3A_326 = arith.addi %add3A_291, %add3A_325 : i32
      %dma_wait3A_327 = arith.constant 0 : i32
      %dma_wait3A_328 = arith.constant 0 : i32
      %dma_wait3A_329 = tpu.memref_slice %arg9[%dma_wait3A_327, %dma_wait3A_328] : memref<384x64xf32, #tpu.memory_space<vmem>> -> memref<128x64xf32, #tpu.memory_space<vmem>>
      %dma_wait3A_330 = arith.constant 0 : i32
      %dma_wait3A_331 = tpu.memref_slice %arg7[%add3A_326, %dma_wait3A_330] : memref<79x128xi32, #tpu.memory_space<vmem>> -> memref<1x128xi32, #tpu.memory_space<vmem>>
      %dma_wait3A_332 = tpu.memref_squeeze %dma_wait3A_331 : memref<1x128xi32, #tpu.memory_space<vmem>> -> memref<128xi32, #tpu.memory_space<vmem>>
      %dma_wait3A_333 = arith.constant 0 : i32
      %dma_wait3A_334 = arith.constant 0 : i32
      %dma_wait3A_335 = tpu.memref_slice %arg10[%dma_wait3A_333, %dma_wait3A_334] : memref<10112x64xf32, #tpu.memory_space<vmem_shared>> -> memref<10112x64xf32, #tpu.memory_space<vmem_shared>>
      tpu.wait_indirect_dma semaphore(%arg14 : memref<!tpu.dma_semaphore, #tpu.memory_space<semaphore_mem>>) src(%dma_wait3A_329 : memref<128x64xf32, #tpu.memory_space<vmem>>) dst(%dma_wait3A_335 : memref<10112x64xf32, #tpu.memory_space<vmem_shared>>)
      %add3A_336 = arith.constant 1 : i32
      %add3A_337 = arith.addi %add3A_291, %add3A_336 : i32
      %dma_wait3A_338 = arith.constant 128 : i32
      %dma_wait3A_339 = arith.constant 0 : i32
      %dma_wait3A_340 = tpu.memref_slice %arg9[%dma_wait3A_338, %dma_wait3A_339] : memref<384x64xf32, #tpu.memory_space<vmem>> -> memref<128x64xf32, #tpu.memory_space<vmem>>
      %dma_wait3A_341 = arith.constant 0 : i32
      %dma_wait3A_342 = tpu.memref_slice %arg7[%add3A_337, %dma_wait3A_341] : memref<79x128xi32, #tpu.memory_space<vmem>> -> memref<1x128xi32, #tpu.memory_space<vmem>>
      %dma_wait3A_343 = tpu.memref_squeeze %dma_wait3A_342 : memref<1x128xi32, #tpu.memory_space<vmem>> -> memref<128xi32, #tpu.memory_space<vmem>>
      %dma_wait3A_344 = arith.constant 0 : i32
      %dma_wait3A_345 = arith.constant 0 : i32
      %dma_wait3A_346 = tpu.memref_slice %arg10[%dma_wait3A_344, %dma_wait3A_345] : memref<10112x64xf32, #tpu.memory_space<vmem_shared>> -> memref<10112x64xf32, #tpu.memory_space<vmem_shared>>
      tpu.wait_indirect_dma semaphore(%arg14 : memref<!tpu.dma_semaphore, #tpu.memory_space<semaphore_mem>>) src(%dma_wait3A_340 : memref<128x64xf32, #tpu.memory_space<vmem>>) dst(%dma_wait3A_346 : memref<10112x64xf32, #tpu.memory_space<vmem_shared>>)
      %add3A_347 = arith.constant 2 : i32
      %add3A_348 = arith.addi %add3A_291, %add3A_347 : i32
      %dma_wait3A_349 = arith.constant 256 : i32
      %dma_wait3A_350 = arith.constant 0 : i32
      %dma_wait3A_351 = tpu.memref_slice %arg9[%dma_wait3A_349, %dma_wait3A_350] : memref<384x64xf32, #tpu.memory_space<vmem>> -> memref<128x64xf32, #tpu.memory_space<vmem>>
      %dma_wait3A_352 = arith.constant 0 : i32
      %dma_wait3A_353 = tpu.memref_slice %arg7[%add3A_348, %dma_wait3A_352] : memref<79x128xi32, #tpu.memory_space<vmem>> -> memref<1x128xi32, #tpu.memory_space<vmem>>
      %dma_wait3A_354 = tpu.memref_squeeze %dma_wait3A_353 : memref<1x128xi32, #tpu.memory_space<vmem>> -> memref<128xi32, #tpu.memory_space<vmem>>
      %dma_wait3A_355 = arith.constant 0 : i32
      %dma_wait3A_356 = arith.constant 0 : i32
      %dma_wait3A_357 = tpu.memref_slice %arg10[%dma_wait3A_355, %dma_wait3A_356] : memref<10112x64xf32, #tpu.memory_space<vmem_shared>> -> memref<10112x64xf32, #tpu.memory_space<vmem_shared>>
      tpu.wait_indirect_dma semaphore(%arg14 : memref<!tpu.dma_semaphore, #tpu.memory_space<semaphore_mem>>) src(%dma_wait3A_351 : memref<128x64xf32, #tpu.memory_space<vmem>>) dst(%dma_wait3A_357 : memref<10112x64xf32, #tpu.memory_space<vmem_shared>>)
    }
    %scan3A_43 = arith.constant 13 : i32
    %dma_wait3A = arith.constant 0 : i32
    %dma_wait3A_44 = arith.constant 0 : i32
    %dma_wait3A_45 = arith.constant 0 : i32
    %dma_wait3A_46 = tpu.memref_slice %arg8[%dma_wait3A_44, %dma_wait3A_45] : memref<384x64xf32, #tpu.memory_space<vmem>> -> memref<128x64xf32, #tpu.memory_space<vmem>>
    %dma_wait3A_47 = arith.constant 0 : i32
    %dma_wait3A_48 = tpu.memref_slice %arg6[%dma_wait3A, %dma_wait3A_47] : memref<79x128xi32, #tpu.memory_space<vmem>> -> memref<1x128xi32, #tpu.memory_space<vmem>>
    %dma_wait3A_49 = tpu.memref_squeeze %dma_wait3A_48 : memref<1x128xi32, #tpu.memory_space<vmem>> -> memref<128xi32, #tpu.memory_space<vmem>>
    %dma_wait3A_50 = arith.constant 0 : i32
    %dma_wait3A_51 = arith.constant 0 : i32
    %dma_wait3A_52 = tpu.memref_slice %arg2[%dma_wait3A_50, %dma_wait3A_51] : memref<10000x64xf32, #tpu.memory_space<hbm>> -> memref<10000x64xf32, #tpu.memory_space<hbm>>
    tpu.wait_indirect_dma semaphore(%arg11 : memref<!tpu.dma_semaphore, #tpu.memory_space<semaphore_mem>>) src(%dma_wait3A_52 : memref<10000x64xf32, #tpu.memory_space<hbm>>) dst(%dma_wait3A_46 : memref<128x64xf32, #tpu.memory_space<vmem>>)
    %dma_wait3A_53 = arith.constant 1 : i32
    %dma_wait3A_54 = arith.constant 128 : i32
    %dma_wait3A_55 = arith.constant 0 : i32
    %dma_wait3A_56 = tpu.memref_slice %arg8[%dma_wait3A_54, %dma_wait3A_55] : memref<384x64xf32, #tpu.memory_space<vmem>> -> memref<128x64xf32, #tpu.memory_space<vmem>>
    %dma_wait3A_57 = arith.constant 0 : i32
    %dma_wait3A_58 = tpu.memref_slice %arg6[%dma_wait3A_53, %dma_wait3A_57] : memref<79x128xi32, #tpu.memory_space<vmem>> -> memref<1x128xi32, #tpu.memory_space<vmem>>
    %dma_wait3A_59 = tpu.memref_squeeze %dma_wait3A_58 : memref<1x128xi32, #tpu.memory_space<vmem>> -> memref<128xi32, #tpu.memory_space<vmem>>
    %dma_wait3A_60 = arith.constant 0 : i32
    %dma_wait3A_61 = arith.constant 0 : i32
    %dma_wait3A_62 = tpu.memref_slice %arg2[%dma_wait3A_60, %dma_wait3A_61] : memref<10000x64xf32, #tpu.memory_space<hbm>> -> memref<10000x64xf32, #tpu.memory_space<hbm>>
    tpu.wait_indirect_dma semaphore(%arg11 : memref<!tpu.dma_semaphore, #tpu.memory_space<semaphore_mem>>) src(%dma_wait3A_62 : memref<10000x64xf32, #tpu.memory_space<hbm>>) dst(%dma_wait3A_56 : memref<128x64xf32, #tpu.memory_space<vmem>>)
    %dma_wait3A_63 = arith.constant 2 : i32
    %dma_wait3A_64 = arith.constant 256 : i32
    %dma_wait3A_65 = arith.constant 0 : i32
    %dma_wait3A_66 = tpu.memref_slice %arg8[%dma_wait3A_64, %dma_wait3A_65] : memref<384x64xf32, #tpu.memory_space<vmem>> -> memref<128x64xf32, #tpu.memory_space<vmem>>
    %dma_wait3A_67 = arith.constant 0 : i32
    %dma_wait3A_68 = tpu.memref_slice %arg6[%dma_wait3A_63, %dma_wait3A_67] : memref<79x128xi32, #tpu.memory_space<vmem>> -> memref<1x128xi32, #tpu.memory_space<vmem>>
    %dma_wait3A_69 = tpu.memref_squeeze %dma_wait3A_68 : memref<1x128xi32, #tpu.memory_space<vmem>> -> memref<128xi32, #tpu.memory_space<vmem>>
    %dma_wait3A_70 = arith.constant 0 : i32
    %dma_wait3A_71 = arith.constant 0 : i32
    %dma_wait3A_72 = tpu.memref_slice %arg2[%dma_wait3A_70, %dma_wait3A_71] : memref<10000x64xf32, #tpu.memory_space<hbm>> -> memref<10000x64xf32, #tpu.memory_space<hbm>>
    tpu.wait_indirect_dma semaphore(%arg11 : memref<!tpu.dma_semaphore, #tpu.memory_space<semaphore_mem>>) src(%dma_wait3A_72 : memref<10000x64xf32, #tpu.memory_space<hbm>>) dst(%dma_wait3A_66 : memref<128x64xf32, #tpu.memory_space<vmem>>)
    %lt3A_73 = arith.constant 4 : i32
    %lt3A_74 = arith.cmpi slt, %add3A, %lt3A_73 : i32
    %convert_element_type3A_75 = arith.extui %lt3A_74 : i1 to i32
    %cond3A_76 = arith.constant 0 : i32
    %cond3A_77 = arith.cmpi ne, %convert_element_type3A_75, %cond3A_76 : i32
    scf.if %cond3A_77 {
      %dma_start3A_79 = arith.constant 78 : i32
      %dma_start3A_80 = arith.constant 0 : i32
      %dma_start3A_81 = arith.constant 0 : i32
      %dma_start3A_82 = tpu.memref_slice %arg8[%dma_start3A_80, %dma_start3A_81] : memref<384x64xf32, #tpu.memory_space<vmem>> -> memref<128x64xf32, #tpu.memory_space<vmem>>
      %dma_start3A_83 = arith.constant 0 : i32
      %dma_start3A_84 = tpu.memref_slice %arg6[%dma_start3A_79, %dma_start3A_83] : memref<79x128xi32, #tpu.memory_space<vmem>> -> memref<1x128xi32, #tpu.memory_space<vmem>>
      %dma_start3A_85 = tpu.memref_squeeze %dma_start3A_84 : memref<1x128xi32, #tpu.memory_space<vmem>> -> memref<128xi32, #tpu.memory_space<vmem>>
      %dma_start3A_86 = arith.constant 0 : i32
      %dma_start3A_87 = arith.constant 0 : i32
      %dma_start3A_88 = tpu.memref_slice %arg2[%dma_start3A_86, %dma_start3A_87] : memref<10000x64xf32, #tpu.memory_space<hbm>> -> memref<10000x64xf32, #tpu.memory_space<hbm>>
      tpu.enqueue_indirect_dma source(%dma_start3A_88 : memref<10000x64xf32, #tpu.memory_space<hbm>>) target(%dma_start3A_82 : memref<128x64xf32, #tpu.memory_space<vmem>>) offsets(%dma_start3A_85 : memref<128xi32, #tpu.memory_space<vmem>>) semaphore(%arg11 : memref<!tpu.dma_semaphore, #tpu.memory_space<semaphore_mem>>)
      %dma_wait3A_89 = arith.constant 78 : i32
      %dma_wait3A_90 = arith.constant 0 : i32
      %dma_wait3A_91 = arith.constant 0 : i32
      %dma_wait3A_92 = tpu.memref_slice %arg8[%dma_wait3A_90, %dma_wait3A_91] : memref<384x64xf32, #tpu.memory_space<vmem>> -> memref<128x64xf32, #tpu.memory_space<vmem>>
      %dma_wait3A_93 = arith.constant 0 : i32
      %dma_wait3A_94 = tpu.memref_slice %arg6[%dma_wait3A_89, %dma_wait3A_93] : memref<79x128xi32, #tpu.memory_space<vmem>> -> memref<1x128xi32, #tpu.memory_space<vmem>>
      %dma_wait3A_95 = tpu.memref_squeeze %dma_wait3A_94 : memref<1x128xi32, #tpu.memory_space<vmem>> -> memref<128xi32, #tpu.memory_space<vmem>>
      %dma_wait3A_96 = arith.constant 0 : i32
      %dma_wait3A_97 = arith.constant 0 : i32
      %dma_wait3A_98 = tpu.memref_slice %arg2[%dma_wait3A_96, %dma_wait3A_97] : memref<10000x64xf32, #tpu.memory_space<hbm>> -> memref<10000x64xf32, #tpu.memory_space<hbm>>
      tpu.wait_indirect_dma semaphore(%arg11 : memref<!tpu.dma_semaphore, #tpu.memory_space<semaphore_mem>>) src(%dma_wait3A_98 : memref<10000x64xf32, #tpu.memory_space<hbm>>) dst(%dma_wait3A_92 : memref<128x64xf32, #tpu.memory_space<vmem>>)
      %run_scoped3A_99 = arith.constant 78 : i32
      "tpu.region"() ({
        %run_scoped3A_100 = tpu.sem_alloc : memref<!tpu.dma_semaphore, #tpu.memory_space<semaphore_mem>>
        %dma_start3A_101 = arith.constant 0 : i32
        %dma_start3A_102 = arith.constant 0 : i32
        %dma_start3A_103 = tpu.memref_slice %arg8[%dma_start3A_101, %dma_start3A_102] : memref<384x64xf32, #tpu.memory_space<vmem>> -> memref<128x64xf32, #tpu.memory_space<vmem>>
        %dma_start3A_104 = arith.constant 0 : i32
        %dma_start3A_105 = tpu.memref_slice %arg7[%run_scoped3A_99, %dma_start3A_104] : memref<79x128xi32, #tpu.memory_space<vmem>> -> memref<1x128xi32, #tpu.memory_space<vmem>>
        %dma_start3A_106 = tpu.memref_squeeze %dma_start3A_105 : memref<1x128xi32, #tpu.memory_space<vmem>> -> memref<128xi32, #tpu.memory_space<vmem>>
        %dma_start3A_107 = arith.constant 0 : i32
        %dma_start3A_108 = arith.constant 0 : i32
        %dma_start3A_109 = tpu.memref_slice %arg10[%dma_start3A_107, %dma_start3A_108] : memref<10112x64xf32, #tpu.memory_space<vmem_shared>> -> memref<10112x64xf32, #tpu.memory_space<vmem_shared>>
        tpu.enqueue_indirect_dma source(%dma_start3A_103 : memref<128x64xf32, #tpu.memory_space<vmem>>) target(%dma_start3A_109 : memref<10112x64xf32, #tpu.memory_space<vmem_shared>>) offsets(%dma_start3A_106 : memref<128xi32, #tpu.memory_space<vmem>>) semaphore(%run_scoped3A_100 : memref<!tpu.dma_semaphore, #tpu.memory_space<semaphore_mem>>) {add = true}
        %dma_wait3A_110 = arith.constant 0 : i32
        %dma_wait3A_111 = arith.constant 0 : i32
        %dma_wait3A_112 = tpu.memref_slice %arg8[%dma_wait3A_110, %dma_wait3A_111] : memref<384x64xf32, #tpu.memory_space<vmem>> -> memref<128x64xf32, #tpu.memory_space<vmem>>
        %dma_wait3A_113 = arith.constant 0 : i32
        %dma_wait3A_114 = tpu.memref_slice %arg7[%run_scoped3A_99, %dma_wait3A_113] : memref<79x128xi32, #tpu.memory_space<vmem>> -> memref<1x128xi32, #tpu.memory_space<vmem>>
        %dma_wait3A_115 = tpu.memref_squeeze %dma_wait3A_114 : memref<1x128xi32, #tpu.memory_space<vmem>> -> memref<128xi32, #tpu.memory_space<vmem>>
        %dma_wait3A_116 = arith.constant 0 : i32
        %dma_wait3A_117 = arith.constant 0 : i32
        %dma_wait3A_118 = tpu.memref_slice %arg10[%dma_wait3A_116, %dma_wait3A_117] : memref<10112x64xf32, #tpu.memory_space<vmem_shared>> -> memref<10112x64xf32, #tpu.memory_space<vmem_shared>>
        tpu.wait_indirect_dma semaphore(%run_scoped3A_100 : memref<!tpu.dma_semaphore, #tpu.memory_space<semaphore_mem>>) src(%dma_wait3A_112 : memref<128x64xf32, #tpu.memory_space<vmem>>) dst(%dma_wait3A_118 : memref<10112x64xf32, #tpu.memory_space<vmem_shared>>)
        tpu.yield
      }) : () -> ()
    } else {
    }
    %barrier3A_78 = arith.constant 0 : index
    tpu.barrier barrier_id(%barrier3A_78)
    "tpu.region"() ({
      %run_scoped3A_79 = tpu.sem_alloc : memref<!tpu.dma_semaphore, #tpu.memory_space<semaphore_mem>>
      %dma_start3A_80 = arith.constant 0 : i32
      %dma_start3A_81 = tpu.memref_slice %arg5[%arg0, %mul3A_9, %dma_start3A_80] : memref<2x10112x64xf32, #tpu.memory_space<hbm>> -> memref<1x632x64xf32, #tpu.memory_space<hbm>>
      %dma_start3A_82 = tpu.memref_squeeze %dma_start3A_81 : memref<1x632x64xf32, #tpu.memory_space<hbm>> -> memref<632x64xf32, #tpu.memory_space<hbm>>
      %dma_start3A_83 = arith.constant 0 : i32
      %dma_start3A_84 = tpu.memref_slice %arg10[%mul3A_9, %dma_start3A_83] : memref<10112x64xf32, #tpu.memory_space<vmem_shared>> -> memref<632x64xf32, #tpu.memory_space<vmem_shared>>
      tpu.enqueue_dma source(%dma_start3A_84 : memref<632x64xf32, #tpu.memory_space<vmem_shared>>) target(%dma_start3A_82 : memref<632x64xf32, #tpu.memory_space<hbm>>) target_semaphore(%run_scoped3A_79 : memref<!tpu.dma_semaphore, #tpu.memory_space<semaphore_mem>>)
      %dma_wait3A_85 = arith.constant 0 : i32
      %dma_wait3A_86 = tpu.memref_slice %arg5[%arg0, %mul3A_9, %dma_wait3A_85] : memref<2x10112x64xf32, #tpu.memory_space<hbm>> -> memref<1x632x64xf32, #tpu.memory_space<hbm>>
      %dma_wait3A_87 = tpu.memref_squeeze %dma_wait3A_86 : memref<1x632x64xf32, #tpu.memory_space<hbm>> -> memref<632x64xf32, #tpu.memory_space<hbm>>
      %dma_wait3A_88 = arith.constant 0 : i32
      %dma_wait3A_89 = tpu.memref_slice %arg10[%mul3A_9, %dma_wait3A_88] : memref<10112x64xf32, #tpu.memory_space<vmem_shared>> -> memref<632x64xf32, #tpu.memory_space<vmem_shared>>
      tpu.wait_dma2 semaphore(%run_scoped3A_79 : memref<!tpu.dma_semaphore, #tpu.memory_space<semaphore_mem>>) src(%dma_wait3A_89 : memref<632x64xf32, #tpu.memory_space<vmem_shared>>) dst(%dma_wait3A_87 : memref<632x64xf32, #tpu.memory_space<hbm>>)
      tpu.yield
    }) : () -> ()
    return
  }
}

module attributes {stable_mosaic.version = 14 : i64} {
  func.func @_mm_body(%arg0: memref<10000x128xf32, #tpu.memory_space<vmem>>, %arg1: memref<128x64xf32, #tpu.memory_space<vmem>>, %arg2: memref<10000x64xf32, #tpu.memory_space<vmem>>) attributes {dimension_semantics = [], scalar_prefetch = 0 : i64, scratch_operands = 0 : i64, tpu.core_type = #tpu.core_type<tc>} {
    %get3A = arith.constant 0 : index
    %get3A_0 = arith.constant 0 : index
    %get3A_1 = vector.load %arg0[%get3A, %get3A_0] : memref<10000x128xf32, #tpu.memory_space<vmem>>, vector<10000x128xf32>
    %get3A_2 = arith.constant 0 : index
    %get3A_3 = arith.constant 0 : index
    %get3A_4 = vector.load %arg1[%get3A_2, %get3A_3] : memref<128x64xf32, #tpu.memory_space<vmem>>, vector<128x64xf32>
    %dot_general3A = arith.constant dense<0.000000e+00> : vector<10000x64xf32>
    %dot_general3A_5 = tpu.matmul %get3A_1, %get3A_4, %dot_general3A {dimension_numbers = #tpu.dot_dimension_numbers<[1], [0], [0], [1], [0, 0, 1, 1], [], []>, transpose_lhs_hint = false} : vector<10000x128xf32>, vector<128x64xf32>, vector<10000x64xf32> -> vector<10000x64xf32>
    %swap3A = arith.constant 0 : index
    %swap3A_6 = arith.constant 0 : index
    %swap3A_7 = vector.load %arg2[%swap3A, %swap3A_6] : memref<10000x64xf32, #tpu.memory_space<vmem>>, vector<10000x64xf32>
    tpu.vector_store %arg2[%swap3A, %swap3A_6], %dot_general3A_5 {strides = array<i32>} : memref<10000x64xf32, #tpu.memory_space<vmem>>, vector<10000x64xf32>,
    return
  }
}

module attributes {stable_mosaic.version = 14 : i64} {
  func.func @_stage2_body(%arg0: memref<5000x128xf32, #tpu.memory_space<vmem>>, %arg1: memref<2x5056x128xf32, #tpu.memory_space<vmem>>, %arg2: memref<1x128xf32, #tpu.memory_space<vmem>>, %arg3: memref<1x128xf32, #tpu.memory_space<vmem>>, %arg4: memref<1x128xf32, #tpu.memory_space<vmem>>, %arg5: memref<128x128xf32, #tpu.memory_space<vmem>>, %arg6: memref<1x128xf32, #tpu.memory_space<vmem>>, %arg7: memref<5000x128xf32, #tpu.memory_space<vmem>>) attributes {dimension_semantics = [], scalar_prefetch = 0 : i64, scratch_operands = 0 : i64, tpu.core_type = #tpu.core_type<tc>} {
    %get3A = arith.constant 0 : index
    %get3A_0 = arith.constant 0 : index
    %get3A_1 = vector.load %arg0[%get3A, %get3A_0] : memref<5000x128xf32, #tpu.memory_space<vmem>>, vector<5000x128xf32>
    %get3A_2 = arith.constant 0 : index
    %get3A_3 = arith.constant 0 : index
    %get3A_4 = arith.constant 0 : index
    %get3A_5 = vector.load %arg1[%get3A_2, %get3A_3, %get3A_4] : memref<2x5056x128xf32, #tpu.memory_space<vmem>>, vector<1x5000x128xf32>
    %get3A_6 = vector.shape_cast %get3A_5 : vector<1x5000x128xf32> to vector<5000x128xf32>
    %add3A = arith.addf %get3A_1, %get3A_6 : vector<5000x128xf32>
    %get3A_7 = arith.constant 1 : index
    %get3A_8 = arith.constant 0 : index
    %get3A_9 = arith.constant 0 : index
    %get3A_10 = vector.load %arg1[%get3A_7, %get3A_8, %get3A_9] : memref<2x5056x128xf32, #tpu.memory_space<vmem>>, vector<1x5000x128xf32>
    %get3A_11 = vector.shape_cast %get3A_10 : vector<1x5000x128xf32> to vector<5000x128xf32>
    %add3A_12 = arith.addf %add3A, %get3A_11 : vector<5000x128xf32>
    %get3A_13 = arith.constant 0 : index
    %get3A_14 = arith.constant 0 : index
    %get3A_15 = vector.load %arg2[%get3A_13, %get3A_14] : memref<1x128xf32, #tpu.memory_space<vmem>>, vector<1x128xf32>
    %add3A_16 = vector.broadcast %get3A_15 : vector<1x128xf32> to vector<5000x128xf32>
    %add3A_17 = arith.addf %add3A_12, %add3A_16 : vector<5000x128xf32>
    %get3A_18 = arith.constant 0 : index
    %get3A_19 = arith.constant 0 : index
    %get3A_20 = vector.load %arg3[%get3A_18, %get3A_19] : memref<1x128xf32, #tpu.memory_space<vmem>>, vector<1x128xf32>
    %get3A_21 = arith.constant 0 : index
    %get3A_22 = arith.constant 0 : index
    %get3A_23 = vector.load %arg4[%get3A_21, %get3A_22] : memref<1x128xf32, #tpu.memory_space<vmem>>, vector<1x128xf32>
    %reduce_sum3A = arith.constant dense<0.000000e+00> : vector<128xf32>
    %reduce_sum3A_24 = vector.multi_reduction <add>, %add3A_17, %reduce_sum3A [0] : vector<5000x128xf32> to vector<128xf32>
    %broadcast_in_dim3A = vector.shape_cast %reduce_sum3A_24 : vector<128xf32> to vector<1x128xf32>
    %mul3A = arith.mulf %add3A_17, %add3A_17 : vector<5000x128xf32>
    %reduce_sum3A_25 = arith.constant dense<0.000000e+00> : vector<128xf32>
    %reduce_sum3A_26 = vector.multi_reduction <add>, %mul3A, %reduce_sum3A_25 [0] : vector<5000x128xf32> to vector<128xf32>
    %broadcast_in_dim3A_27 = vector.shape_cast %reduce_sum3A_26 : vector<128xf32> to vector<1x128xf32>
    %slice3A = vector.extract_strided_slice %broadcast_in_dim3A {offsets = [0, 0], sizes = [1, 64], strides = [1, 1]} : vector<1x128xf32> to vector<1x64xf32>
    %slice3A_28 = vector.extract_strided_slice %broadcast_in_dim3A {offsets = [0, 64], sizes = [1, 64], strides = [1, 1]} : vector<1x128xf32> to vector<1x64xf32>
    %add3A_29 = arith.addf %slice3A, %slice3A_28 : vector<1x64xf32>
    %div3A = arith.constant 1.000000e+04 : f32
    %div3A_30 = vector.broadcast %div3A : f32 to vector<1x64xf32>
    %div3A_31 = arith.divf %add3A_29, %div3A_30 : vector<1x64xf32>
    %slice3A_32 = vector.extract_strided_slice %broadcast_in_dim3A_27 {offsets = [0, 0], sizes = [1, 64], strides = [1, 1]} : vector<1x128xf32> to vector<1x64xf32>
    %slice3A_33 = vector.extract_strided_slice %broadcast_in_dim3A_27 {offsets = [0, 64], sizes = [1, 64], strides = [1, 1]} : vector<1x128xf32> to vector<1x64xf32>
    %add3A_34 = arith.addf %slice3A_32, %slice3A_33 : vector<1x64xf32>
    %div3A_35 = arith.constant 1.000000e+04 : f32
    %div3A_36 = vector.broadcast %div3A_35 : f32 to vector<1x64xf32>
    %div3A_37 = arith.divf %add3A_34, %div3A_36 : vector<1x64xf32>
    %mul3A_38 = arith.mulf %div3A_31, %div3A_31 : vector<1x64xf32>
    %sub3A = arith.subf %div3A_37, %mul3A_38 : vector<1x64xf32>
    %add3A_39 = arith.constant 9.99999974E-6 : f32
    %add3A_40 = vector.broadcast %add3A_39 : f32 to vector<1x64xf32>
    %add3A_41 = arith.addf %sub3A, %add3A_40 : vector<1x64xf32>
    %rsqrt3A = math.rsqrt %add3A_41 : vector<1x64xf32>
    %concatenate3A = tpu.concatenate %div3A_31, %div3A_31 in 1 : vector<1x64xf32>, vector<1x64xf32> -> vector<1x128xf32>
    %concatenate3A_42 = tpu.concatenate %rsqrt3A, %rsqrt3A in 1 : vector<1x64xf32>, vector<1x64xf32> -> vector<1x128xf32>
    %sub3A_43 = vector.broadcast %concatenate3A : vector<1x128xf32> to vector<5000x128xf32>
    %sub3A_44 = arith.subf %add3A_17, %sub3A_43 : vector<5000x128xf32>
    %mul3A_45 = vector.broadcast %concatenate3A_42 : vector<1x128xf32> to vector<5000x128xf32>
    %mul3A_46 = arith.mulf %sub3A_44, %mul3A_45 : vector<5000x128xf32>
    %mul3A_47 = vector.broadcast %get3A_20 : vector<1x128xf32> to vector<5000x128xf32>
    %mul3A_48 = arith.mulf %mul3A_46, %mul3A_47 : vector<5000x128xf32>
    %add3A_49 = vector.broadcast %get3A_23 : vector<1x128xf32> to vector<5000x128xf32>
    %add3A_50 = arith.addf %mul3A_48, %add3A_49 : vector<5000x128xf32>
    %max3A = arith.constant 0.000000e+00 : f32
    %max3A_51 = vector.broadcast %max3A : f32 to vector<5000x128xf32>
    %max3A_52 = arith.maximumf %add3A_50, %max3A_51 : vector<5000x128xf32>
    %get3A_53 = arith.constant 0 : index
    %get3A_54 = arith.constant 0 : index
    %get3A_55 = vector.load %arg5[%get3A_53, %get3A_54] : memref<128x128xf32, #tpu.memory_space<vmem>>, vector<128x128xf32>
    %dot_general3A = arith.constant dense<0.000000e+00> : vector<5000x128xf32>
    %dot_general3A_56 = tpu.matmul %max3A_52, %get3A_55, %dot_general3A {dimension_numbers = #tpu.dot_dimension_numbers<[1], [0], [0], [1], [0, 0, 1, 1], [], []>, transpose_lhs_hint = false} : vector<5000x128xf32>, vector<128x128xf32>, vector<5000x128xf32> -> vector<5000x128xf32>
    %get3A_57 = arith.constant 0 : index
    %get3A_58 = arith.constant 0 : index
    %get3A_59 = vector.load %arg6[%get3A_57, %get3A_58] : memref<1x128xf32, #tpu.memory_space<vmem>>, vector<1x128xf32>
    %add3A_60 = vector.broadcast %get3A_59 : vector<1x128xf32> to vector<5000x128xf32>
    %add3A_61 = arith.addf %dot_general3A_56, %add3A_60 : vector<5000x128xf32>
    %max3A_62 = arith.constant 0.000000e+00 : f32
    %max3A_63 = vector.broadcast %max3A_62 : f32 to vector<5000x128xf32>
    %max3A_64 = arith.maximumf %add3A_61, %max3A_63 : vector<5000x128xf32>
    %swap3A = arith.constant 0 : index
    %swap3A_65 = arith.constant 0 : index
    %swap3A_66 = vector.load %arg7[%swap3A, %swap3A_65] : memref<5000x128xf32, #tpu.memory_space<vmem>>, vector<5000x128xf32>
    tpu.vector_store %arg7[%swap3A, %swap3A_65], %max3A_64 {strides = array<i32>} : memref<5000x128xf32, #tpu.memory_space<vmem>>, vector<5000x128xf32>,
    return
  }
}

module attributes {stable_mosaic.version = 14 : i64} {
  func.func @_stage3_body(%arg0: memref<5000x128xf32, #tpu.memory_space<vmem>>, %arg1: memref<2x5056x128xf32, #tpu.memory_space<vmem>>, %arg2: memref<1x128xf32, #tpu.memory_space<vmem>>, %arg3: memref<1x128xf32, #tpu.memory_space<vmem>>, %arg4: memref<1x128xf32, #tpu.memory_space<vmem>>, %arg5: memref<128x128xf32, #tpu.memory_space<vmem>>, %arg6: memref<128x128xf32, #tpu.memory_space<vmem>>, %arg7: memref<1x128xf32, #tpu.memory_space<vmem>>, %arg8: memref<5000x128xf32, #tpu.memory_space<vmem>>, %arg9: memref<128x256xf32, #tpu.memory_space<vmem>>, %arg10: memref<128x256xf32, #tpu.memory_space<vmem>>, %arg11: memref<1x256xf32, #tpu.memory_space<vmem>>, %arg12: memref<5000x256xf32, #tpu.memory_space<vmem>>) attributes {dimension_semantics = [], scalar_prefetch = 0 : i64, scratch_operands = 0 : i64, tpu.core_type = #tpu.core_type<tc>} {
    %get3A = arith.constant 0 : index
    %get3A_0 = arith.constant 0 : index
    %get3A_1 = vector.load %arg0[%get3A, %get3A_0] : memref<5000x128xf32, #tpu.memory_space<vmem>>, vector<5000x128xf32>
    %get3A_2 = arith.constant 0 : index
    %get3A_3 = arith.constant 0 : index
    %get3A_4 = arith.constant 0 : index
    %get3A_5 = vector.load %arg1[%get3A_2, %get3A_3, %get3A_4] : memref<2x5056x128xf32, #tpu.memory_space<vmem>>, vector<1x5000x128xf32>
    %get3A_6 = vector.shape_cast %get3A_5 : vector<1x5000x128xf32> to vector<5000x128xf32>
    %add3A = arith.addf %get3A_1, %get3A_6 : vector<5000x128xf32>
    %get3A_7 = arith.constant 1 : index
    %get3A_8 = arith.constant 0 : index
    %get3A_9 = arith.constant 0 : index
    %get3A_10 = vector.load %arg1[%get3A_7, %get3A_8, %get3A_9] : memref<2x5056x128xf32, #tpu.memory_space<vmem>>, vector<1x5000x128xf32>
    %get3A_11 = vector.shape_cast %get3A_10 : vector<1x5000x128xf32> to vector<5000x128xf32>
    %add3A_12 = arith.addf %add3A, %get3A_11 : vector<5000x128xf32>
    %get3A_13 = arith.constant 0 : index
    %get3A_14 = arith.constant 0 : index
    %get3A_15 = vector.load %arg5[%get3A_13, %get3A_14] : memref<128x128xf32, #tpu.memory_space<vmem>>, vector<128x128xf32>
    %dot_general3A = arith.constant dense<0.000000e+00> : vector<5000x128xf32>
    %dot_general3A_16 = tpu.matmul %add3A_12, %get3A_15, %dot_general3A {dimension_numbers = #tpu.dot_dimension_numbers<[1], [0], [0], [1], [0, 0, 1, 1], [], []>, transpose_lhs_hint = false} : vector<5000x128xf32>, vector<128x128xf32>, vector<5000x128xf32> -> vector<5000x128xf32>
    %get3A_17 = arith.constant 0 : index
    %get3A_18 = arith.constant 0 : index
    %get3A_19 = vector.load %arg2[%get3A_17, %get3A_18] : memref<1x128xf32, #tpu.memory_space<vmem>>, vector<1x128xf32>
    %add3A_20 = vector.broadcast %get3A_19 : vector<1x128xf32> to vector<5000x128xf32>
    %add3A_21 = arith.addf %dot_general3A_16, %add3A_20 : vector<5000x128xf32>
    %get3A_22 = arith.constant 0 : index
    %get3A_23 = arith.constant 0 : index
    %get3A_24 = vector.load %arg3[%get3A_22, %get3A_23] : memref<1x128xf32, #tpu.memory_space<vmem>>, vector<1x128xf32>
    %get3A_25 = arith.constant 0 : index
    %get3A_26 = arith.constant 0 : index
    %get3A_27 = vector.load %arg4[%get3A_25, %get3A_26] : memref<1x128xf32, #tpu.memory_space<vmem>>, vector<1x128xf32>
    %reduce_sum3A = arith.constant dense<0.000000e+00> : vector<128xf32>
    %reduce_sum3A_28 = vector.multi_reduction <add>, %add3A_21, %reduce_sum3A [0] : vector<5000x128xf32> to vector<128xf32>
    %broadcast_in_dim3A = vector.shape_cast %reduce_sum3A_28 : vector<128xf32> to vector<1x128xf32>
    %mul3A = arith.mulf %add3A_21, %add3A_21 : vector<5000x128xf32>
    %reduce_sum3A_29 = arith.constant dense<0.000000e+00> : vector<128xf32>
    %reduce_sum3A_30 = vector.multi_reduction <add>, %mul3A, %reduce_sum3A_29 [0] : vector<5000x128xf32> to vector<128xf32>
    %broadcast_in_dim3A_31 = vector.shape_cast %reduce_sum3A_30 : vector<128xf32> to vector<1x128xf32>
    %slice3A = vector.extract_strided_slice %broadcast_in_dim3A {offsets = [0, 0], sizes = [1, 64], strides = [1, 1]} : vector<1x128xf32> to vector<1x64xf32>
    %slice3A_32 = vector.extract_strided_slice %broadcast_in_dim3A {offsets = [0, 64], sizes = [1, 64], strides = [1, 1]} : vector<1x128xf32> to vector<1x64xf32>
    %add3A_33 = arith.addf %slice3A, %slice3A_32 : vector<1x64xf32>
    %div3A = arith.constant 1.000000e+04 : f32
    %div3A_34 = vector.broadcast %div3A : f32 to vector<1x64xf32>
    %div3A_35 = arith.divf %add3A_33, %div3A_34 : vector<1x64xf32>
    %slice3A_36 = vector.extract_strided_slice %broadcast_in_dim3A_31 {offsets = [0, 0], sizes = [1, 64], strides = [1, 1]} : vector<1x128xf32> to vector<1x64xf32>
    %slice3A_37 = vector.extract_strided_slice %broadcast_in_dim3A_31 {offsets = [0, 64], sizes = [1, 64], strides = [1, 1]} : vector<1x128xf32> to vector<1x64xf32>
    %add3A_38 = arith.addf %slice3A_36, %slice3A_37 : vector<1x64xf32>
    %div3A_39 = arith.constant 1.000000e+04 : f32
    %div3A_40 = vector.broadcast %div3A_39 : f32 to vector<1x64xf32>
    %div3A_41 = arith.divf %add3A_38, %div3A_40 : vector<1x64xf32>
    %mul3A_42 = arith.mulf %div3A_35, %div3A_35 : vector<1x64xf32>
    %sub3A = arith.subf %div3A_41, %mul3A_42 : vector<1x64xf32>
    %add3A_43 = arith.constant 9.99999974E-6 : f32
    %add3A_44 = vector.broadcast %add3A_43 : f32 to vector<1x64xf32>
    %add3A_45 = arith.addf %sub3A, %add3A_44 : vector<1x64xf32>
    %rsqrt3A = math.rsqrt %add3A_45 : vector<1x64xf32>
    %concatenate3A = tpu.concatenate %div3A_35, %div3A_35 in 1 : vector<1x64xf32>, vector<1x64xf32> -> vector<1x128xf32>
    %concatenate3A_46 = tpu.concatenate %rsqrt3A, %rsqrt3A in 1 : vector<1x64xf32>, vector<1x64xf32> -> vector<1x128xf32>
    %sub3A_47 = vector.broadcast %concatenate3A : vector<1x128xf32> to vector<5000x128xf32>
    %sub3A_48 = arith.subf %add3A_21, %sub3A_47 : vector<5000x128xf32>
    %mul3A_49 = vector.broadcast %concatenate3A_46 : vector<1x128xf32> to vector<5000x128xf32>
    %mul3A_50 = arith.mulf %sub3A_48, %mul3A_49 : vector<5000x128xf32>
    %mul3A_51 = vector.broadcast %get3A_24 : vector<1x128xf32> to vector<5000x128xf32>
    %mul3A_52 = arith.mulf %mul3A_50, %mul3A_51 : vector<5000x128xf32>
    %add3A_53 = vector.broadcast %get3A_27 : vector<1x128xf32> to vector<5000x128xf32>
    %add3A_54 = arith.addf %mul3A_52, %add3A_53 : vector<5000x128xf32>
    %max3A = arith.constant 0.000000e+00 : f32
    %max3A_55 = vector.broadcast %max3A : f32 to vector<5000x128xf32>
    %max3A_56 = arith.maximumf %add3A_54, %max3A_55 : vector<5000x128xf32>
    %get3A_57 = arith.constant 0 : index
    %get3A_58 = arith.constant 0 : index
    %get3A_59 = vector.load %arg6[%get3A_57, %get3A_58] : memref<128x128xf32, #tpu.memory_space<vmem>>, vector<128x128xf32>
    %dot_general3A_60 = arith.constant dense<0.000000e+00> : vector<5000x128xf32>
    %dot_general3A_61 = tpu.matmul %max3A_56, %get3A_59, %dot_general3A_60 {dimension_numbers = #tpu.dot_dimension_numbers<[1], [0], [0], [1], [0, 0, 1, 1], [], []>, transpose_lhs_hint = false} : vector<5000x128xf32>, vector<128x128xf32>, vector<5000x128xf32> -> vector<5000x128xf32>
    %get3A_62 = arith.constant 0 : index
    %get3A_63 = arith.constant 0 : index
    %get3A_64 = vector.load %arg7[%get3A_62, %get3A_63] : memref<1x128xf32, #tpu.memory_space<vmem>>, vector<1x128xf32>
    %add3A_65 = vector.broadcast %get3A_64 : vector<1x128xf32> to vector<5000x128xf32>
    %add3A_66 = arith.addf %dot_general3A_61, %add3A_65 : vector<5000x128xf32>
    %get3A_67 = arith.constant 0 : index
    %get3A_68 = arith.constant 0 : index
    %get3A_69 = vector.load %arg9[%get3A_67, %get3A_68] : memref<128x256xf32, #tpu.memory_space<vmem>>, vector<128x256xf32>
    %dot_general3A_70 = arith.constant dense<0.000000e+00> : vector<5000x256xf32>
    %dot_general3A_71 = tpu.matmul %add3A_66, %get3A_69, %dot_general3A_70 {dimension_numbers = #tpu.dot_dimension_numbers<[1], [0], [0], [1], [0, 0, 1, 1], [], []>, transpose_lhs_hint = false} : vector<5000x128xf32>, vector<128x256xf32>, vector<5000x256xf32> -> vector<5000x256xf32>
    %get3A_72 = arith.constant 0 : index
    %get3A_73 = arith.constant 0 : index
    %get3A_74 = vector.load %arg8[%get3A_72, %get3A_73] : memref<5000x128xf32, #tpu.memory_space<vmem>>, vector<5000x128xf32>
    %get3A_75 = arith.constant 0 : index
    %get3A_76 = arith.constant 0 : index
    %get3A_77 = vector.load %arg10[%get3A_75, %get3A_76] : memref<128x256xf32, #tpu.memory_space<vmem>>, vector<128x256xf32>
    %dot_general3A_78 = arith.constant dense<0.000000e+00> : vector<5000x256xf32>
    %dot_general3A_79 = tpu.matmul %get3A_74, %get3A_77, %dot_general3A_78 {dimension_numbers = #tpu.dot_dimension_numbers<[1], [0], [0], [1], [0, 0, 1, 1], [], []>, transpose_lhs_hint = false} : vector<5000x128xf32>, vector<128x256xf32>, vector<5000x256xf32> -> vector<5000x256xf32>
    %add3A_80 = arith.addf %dot_general3A_71, %dot_general3A_79 : vector<5000x256xf32>
    %get3A_81 = arith.constant 0 : index
    %get3A_82 = arith.constant 0 : index
    %get3A_83 = vector.load %arg11[%get3A_81, %get3A_82] : memref<1x256xf32, #tpu.memory_space<vmem>>, vector<1x256xf32>
    %add3A_84 = vector.broadcast %get3A_83 : vector<1x256xf32> to vector<5000x256xf32>
    %add3A_85 = arith.addf %add3A_80, %add3A_84 : vector<5000x256xf32>
    %swap3A = arith.constant 0 : index
    %swap3A_86 = arith.constant 0 : index
    %swap3A_87 = vector.load %arg12[%swap3A, %swap3A_86] : memref<5000x256xf32, #tpu.memory_space<vmem>>, vector<5000x256xf32>
    tpu.vector_store %arg12[%swap3A, %swap3A_86], %add3A_85 {strides = array<i32>} : memref<5000x256xf32, #tpu.memory_space<vmem>>, vector<5000x256xf32>,
    return
  }
}

</mosaic_0001>

<sc_bundles>
// kernel: kernel.10.cloned.1.call-start
scs
__scs_entry_jumppad:
0x0: {  	(pc) =	sbr.rel $0x88, $3  }
0x1: {  	(tag) =	ssettag $0x0;
	lr =	simm.s32 $0x1  }
0x2: {  	[smem:$0x3F90] =	sst lr;
	_ =	strace $0xD0000000  }
0x3: {  	_ = 	snop  }
0x4: {  	_ = 	snop  }
0x5: {  	_ = 	snop  }
0x6: {  	_ = 	snop  }
0x7: {  	_ = 	snop  }
__scs_overlays_trampoline_lowered:
0x8: {  	[smem:$0x3F9F] =	sst s0  }
0x9: {  	[smem:$0x3FA0] =	sst s1  }
0xa: {  	[smem:$0x3FA1] =	sst s2  }
0xb: {  	[smem:$0x3FA2] =	sst s3  }
0xc: {  	[smem:$0x3FA3] =	sst s4  }
0xd: {  	[smem:$0x3FA4] =	sst s5  }
0xe: {  	[smem:$0x3FA5] =	sst s6  }
0xf: {  	[smem:$0x3FA6] =	sst s7  }
0x10: {  	[smem:$0x3FA7] =	sst s8  }
0x11: {  	[smem:$0x3FA8] =	sst s9;
	s0 =	simm.s32 @!p0 $0x0  }
0x12: {  	s1 =	sld [smem:$0x3F8E];
	s0 =	simm.s32 @p0 $0x1  }
0x13: {  	[smem:$0x3FA9] =	sst s0;
	s0 =	simm.s32 @!p1 $0x0  }
0x14: {  	s2 =	sld [smem:$0x3F8D];
	s0 =	simm.s32 @p1 $0x1  }
0x15: {  	[smem:$0x3FAA] =	sst s0;
	s0 =	simm.s32 @!p2 $0x0  }
0x16: {  	s3 =	sld [smem:$0x3FDB];
	s0 =	simm.s32 @p2 $0x1  }
0x17: {  	s4 =	simm.s32 $0x1BF5;
	[smem:$0x3FAC] =	sst s0  }
0x18: {  	s0 =	sld [smem:$0x3F8F];
	_ =	swait.ge [sflag:s4], $0x0  }
0x19: {  	s7 =	sld [smem:$0x3F90]  }
0x1a: {  	s8 =	sadd.s32 $0xFFFFE003, lr  }
0x1b: {  	s9 =	sadd.s32 $0xFFFFFEF7, lr;
	s5 =	simm.s32 $0xFFFFFFFF;
	p2 =	slt.u32 s8, $0xFFFFF086  }
0x1c: {  	p1 =	slt.u32 s9, $0xF7A;
	s5 =	simm.s32 @!p2 $0x0  }
0x1d: {  	s5 =	simm.s32 @p1 $0x1;
	p0 =	seq.s32 s7, s2  }
0x1e: {  	s7 =	smul.u32 @!p0 $0xF7A, s2;
	p2 =	seq.s32 @!p0 s5, $0x0  }
0x1f: {  	s9 =	smul.u32 $0xF7A, s1;
	s8 =	simm.s32 @!p0 $0x1BF5;
	p2 =	por !p2, p0  }
0x20: {  	[sflag:s8] =	ssyncset.s32 @!p0 $0xFFFFF086;
	s6 =	sadd.s32 @!p0 s3, s7;
	s7 =	simm.s32 @!p0 $0x108  }
0x21: {  	s3 =	sadd.s32 s3, s9;
	s6 =	sadd.s32 @!p0 $0x88, s6;
	s7 =	simm.s32 @p2 $0x1082  }
0x22: {  	[simem:s7], [sflag:s8] =	dma.local @!p0 [hbm:s6], $0xF7A  }
0x23: {  	s9 =	sor.u32 $0xD0000000, s2;
	s6 =	simm.s32 $0x108;
	_ =	swait.ge @!p0 [sflag:s8], $0x0  }
0x24: {  	s3 =	sadd.s32 $0x88, s3;
	s6 =	simm.s32 @!p1 $0x1082;
	[sflag:s4] =	ssyncset.s32 $0xFFFFF086  }
0x25: {  	[simem:s6], [sflag:s4] =	dma.local [hbm:s3], $0xF7A  }
0x26: {  	[smem:$0x3F90] =	sst s1;
	(tag) =	ssettag s2;
	_ =	strace s9  }
0x27: {  	s1 =	sld [smem:$0x3FA0]  }
0x28: {  	s2 =	sld [smem:$0x3FA1]  }
0x29: {  	s4 =	sld [smem:$0x3FA3]  }
0x2a: {  	p0 =	seq.s32 s5, $0x0;
	s5 =	sld [smem:$0x3FA4]  }
0x2b: {  	s6 =	sld [smem:$0x3FA5]  }
0x2c: {  	s7 =	sld [smem:$0x3FA6]  }
0x2d: {  	s3 =	simm.s32 $0x108;
	s8 =	sld [smem:$0x3FA7]  }
0x2e: {  	s3 =	simm.s32 @!p0 $0x1082;
	s9 =	sld [smem:$0x3FA8]  }
0x2f: {  	lr =	sadd.s32 s0, s3;
	s0 =	sld [smem:$0x3F9F]  }
0x30: {  	s3 =	sld [smem:$0x3FA2]  }
0x31: {  	[smem:$0x3FAB] =	sst s10  }
0x32: {  	s10 =	sld [smem:$0x3FA9];
	_ =	sdelay $0x3  }
0x33: {  	p0 =	seq.s32 s10, $0x1;
	s10 =	sld [smem:$0x3FAB];
	_ =	sdelay $0x3  }
0x34: {  	[smem:$0x3FAB] =	sst s10  }
0x35: {  	s10 =	sld [smem:$0x3FAA];
	_ =	sdelay $0x3  }
0x36: {  	p1 =	seq.s32 s10, $0x1;
	s10 =	sld [smem:$0x3FAB];
	_ =	sdelay $0x3  }
0x37: {  	[smem:$0x3FAB] =	sst s10  }
0x38: {  	s10 =	sld [smem:$0x3FAC]  }
0x39: {  	_ = 	snop;
	(pc) =	sbr.ind lr, $3  }
0x3a: {  	_ = 	snop  }
0x3b: {  	_ = 	snop  }
0x3c: {  	p2 =	seq.s32 s10, $0x1;
	s10 =	sld [smem:$0x3FAB]  }
0x3d: {  	_ =	shalt  }
0x3e: {  	_ =	shalt  }
0x3f: {  	_ =	shalt  }
0x40: {  	_ =	shalt  }
0x41: {  	_ =	shalt  }
0x42: {  	_ =	shalt  }
0x43: {  	_ =	shalt  }
0x44: {  	_ =	shalt  }
0x45: {  	_ =	shalt  }
0x46: {  	_ =	shalt  }
0x47: {  	_ =	shalt  }
0x48: {  	_ =	shalt  }
0x49: {  	_ =	shalt  }
0x4a: {  	_ =	shalt  }
0x4b: {  	_ =	shalt  }
0x4c: {  	_ =	shalt  }
0x4d: {  	_ =	shalt  }
0x4e: {  	_ =	shalt  }
0x4f: {  	_ =	shalt  }
0x50: {  	_ =	shalt  }
0x51: {  	_ =	shalt  }
0x52: {  	_ =	shalt  }
0x53: {  	_ =	shalt  }
0x54: {  	_ =	shalt  }
0x55: {  	_ =	shalt  }
0x56: {  	_ =	shalt  }
0x57: {  	_ =	shalt  }
0x58: {  	_ =	shalt  }
0x59: {  	_ =	shalt  }
0x5a: {  	_ =	shalt  }
0x5b: {  	_ =	shalt  }
0x5c: {  	_ =	shalt  }
0x5d: {  	_ =	shalt  }
0x5e: {  	_ =	shalt  }
0x5f: {  	_ =	shalt  }
0x60: {  	_ =	shalt  }
0x61: {  	_ =	shalt  }
0x62: {  	_ =	shalt  }
0x63: {  	_ =	shalt  }
0x64: {  	_ =	shalt  }
0x65: {  	_ =	shalt  }
0x66: {  	_ =	shalt  }
0x67: {  	_ =	shalt  }
0x68: {  	_ =	shalt  }
0x69: {  	_ =	shalt  }
0x6a: {  	_ =	shalt  }
0x6b: {  	_ =	shalt  }
0x6c: {  	_ =	shalt  }
0x6d: {  	_ =	shalt  }
0x6e: {  	_ =	shalt  }
0x6f: {  	_ =	shalt  }
0x70: {  	_ =	shalt  }
0x71: {  	_ =	shalt  }
0x72: {  	_ =	shalt  }
0x73: {  	_ =	shalt  }
0x74: {  	_ =	shalt  }
0x75: {  	_ =	shalt  }
0x76: {  	_ =	shalt  }
0x77: {  	_ =	shalt  }
0x78: {  	_ =	shalt  }
0x79: {  	_ =	shalt  }
0x7a: {  	_ =	shalt  }
0x7b: {  	_ =	shalt  }
0x7c: {  	_ =	shalt  }
0x7d: {  	_ =	shalt  }
0x7e: {  	_ =	shalt  }
0x7f: {  	_ =	shalt  }
0x80: {  	_ =	shalt  }
0x81: {  	_ =	shalt  }
0x82: {  	_ =	shalt  }
0x83: {  	_ =	shalt  }
0x84: {  	_ =	shalt  }
0x85: {  	_ =	shalt  }
0x86: {  	_ =	shalt  }
0x87: {  	_ =	shalt  }
.Lfunc_end0:
.L_simem_size_0:
called_computation.1_lowered:
.L_overlay_start_0:
0x88: {  	s2 =	sld [smem:$0x3FD9]  }
0x89: {  	s3 =	sld [smem:$0x3FFE];
	_ =	sdelay $0x1  }
0x8a: {  	s1 =	srdreg.scid  }
0x8b: {  	s0 =	sand.u32 $0x1, s1  }
0x8c: {  	s17 =	sshll.u32 s0, $0xA;
	s2 =	sadd.s32 s3, s2  }
0x8d: {  	s2 =	sadd.s32 s2, s17  }
0x8e: {  	[smem:$0x3FB7] =	sst s2  }
0x8f: {  	_ = 	snop  }
0x90: {  	s2 =	sld [smem:$0x3FD0];
	(tm) =	ssettm $0x1  }
0x91: {  	s18 =	sld [smem:$0x3FFB];
	_ =	sdelay $0x3  }
0x92: {  	_ =	strace s18  }
0x93: {  	s3 =	sld [smem:$0x3FFC];
	_ =	sdelay $0x3  }
0x94: {  	_ =	strace s3  }
0x95: {  	s3 =	sld [smem:$0x3FFD];
	_ =	sdelay $0x3  }
0x96: {  	_ =	strace s3  }
0x97: {  	_ =	strace $0x8FFFFFFF  }
0x98: {  	s19 =	sld [smem:$0x3FDB];
	_ =	sdelay $0x1  }
0x99: {  	s4 =	simm.s32 $_scs_section_size  }
0x9a: {  	s5 =	simm.s32 $_size__tile_overlayer_lowered;
	s6 =	simm.s32 $_tile_overlayer_lowered  }
0x9b: {  	s22 =	simm.s32 $0x1BFF;
	s21 =	sshll.u32 s6, $0x1;
	s3 =	sadd.s32 s4, s19  }
0x9c: {  	s7 =	simm.s32 $0x0;
	s20 =	sshll.u32 s5, $0x1;
	s5 =	sadd.s32 s21, s3  }
0x9d: {  	[timem:s7], [sflag:s22] =	dma.local [hbm:s5], s20  }
0x9e: {  	_ =	swait.ge [sflag:s22], s20  }
0x9f: {  	s4 =	ssub.s32 $0x0, s20;
	[sflag:s22] =	ssyncset.done $0x0  }
0xa0: {  	[sflag:s22] =	ssyncadd.s32 s4;
	_ =	sdelay $0x1  }
0xa1: {  	s23 =	simm.s32 $0x1B8B  }
0xa2: {  	_ =	swait.ge [sflag:s23], $0x1  }
0xa3: {  	[sflag:s23] =	ssyncset.done $0x0  }
0xa4: {  	s25 =	simm.s32 $0x1B8E;
	s24 =	sld [smem:$0x3FFE];
	[sflag:s23] =	ssyncadd.s32 $0xFFFFFFFF  }
0xa5: {  	s26 =	simm.s32 $execute0_lowered;
	[smem:$0x3FD2] =	sst s25  }
0xa6: {  	s5 =	sshll.u32 s26, $0x1;
	_ =	strace $0x80000049;
	[dreg:$0x1] =	wrdreg $0xFFFFFFFF  }
0xa7: {  	s28 =	simm.s32 $_size_execute0_lowered;
	s3 =	sadd.s32 s3, s5;
	[dreg:$0x0] =	wrdreg $0x0  }
0xa8: {  	s5 =	sshll.u32 s28, $0x1;
	[dreg:$0x2] =	wrdreg s3  }
0xa9: {  	[dreg:$0x3] =	wrdreg s5  }
0xaa: {  	[dreg:$0x4] =	wrdreg $0xC0  }
0xab: {  	_ =	task [dreg:s7], $0x5FFFF  }
0xac: {  	[dreg:$0x1] =	wrdreg $0xFFFFFFFF  }
0xad: {  	[dreg:$0x0] =	wrdreg $0x60  }
0xae: {  	[dreg:$0x2] =	wrdreg s2  }
0xaf: {  	[dreg:$0x3] =	wrdreg s24  }
0xb0: {  	[dreg:$0x4] =	wrdreg $0x10F000  }
0xb1: {  	[dreg:$0x5] =	wrdreg $0x9  }
0xb2: {  	_ =	task.clear_ibuf [dreg:s7], $0x6FFFF;
	_ =	strace $0x90000049  }
0xb3: {  	s29 =	simm.s32 $0x9;
	_ =	strace $0x8000004B  }
0xb4: {  	_ =	swait.ge [sflag:s29], $0x1  }
0xb5: {  	[sflag:s29] =	ssyncadd.s32 $0xFFFFFFFF  }
0xb6: {  	_ =	strace $0x9000004B  }
0xb7: {  	_ =	sfence  }
0xb8: {  	s30 =	sld [smem:$0x0];
	_ =	sdelay $0x2  }
0xb9: {  	s31 =	sshll.u32 s1, $0xD;
	s1 =	sshrl.u32 s1, $0x2  }
0xba: {  	s3 =	sand.u32 $0x4000, s31;
	s1 =	sadd.s32 s1, s30  }
0xbb: {  	s0 =	sor.u32 s3, s0;
	s1 =	sshll.u32 s1, $0x11  }
0xbc: {  	s0 =	sor.u32 s1, s0  }
0xbd: {  	s0 =	sadd.s32 $0x8F2B, s0  }
0xbe: {  	[sflag:s0] =	ssyncadd.remote.s32 $0x1  }
0xbf: {  	_ =	sfence.sel $0xFFFF  }
0xc0: {  	[dreg:$0x0] =	wrdreg $0xFFFFFFFF;
	(pc) =	sbr.abs _section_cstart, $3  }
0xc1: {  	[dreg:$0x1] =	wrdreg $0xFFFFFFFF  }
0xc2: {  	_ =	task.clear_ibuf [dreg:s7], $0x2FFFF;
	_ =	strace $0x9FFFFFFF  }
0xc3: {  	(tm) =	ssettm $0x7FFFFFFF  }
tec
execute0_lowered:
.L_overlay_start_1:
0x0: {  	(tag) =	ssettag $0x1  }
0x1: {  	s1 =	rddreg [dreg:$0x0]  }
0x2: {  	s0 =	srdreg.scid;
	s6 =	rddreg [dreg:$0x1]  }
0x3: {  	s14 =	stileid.u32;
	s3 =	rddreg [dreg:$0x2]  }
0x4: {  	s4 =	simm.s32 $0x0;
	s12 =	simm.s32 $0x5;
	s16 =	simm.s32 $0x80  }
0x5: {  	s17 =	simm.s32 $0x4F00;
	s18 =	simm.s32 $0x6F00;
	s19 =	simm.s32 $0x100  }
0x6: {  	s20 =	simm.s32 $0x8F00;
	s21 =	simm.s32 $0xAF00;
	s22 =	simm.s32 $0xCF00  }
0x7: {  	s23 =	simm.s32 $0xEF00;
	s24 =	simm.s32 $0x1;
	s25 =	simm.s32 $0x3  }
0x8: {  	s26 =	simm.s32 $0x2;
	s28 =	simm.s32 $0x4;
	s0 =	sand.u32 $0x1, s0  }
0x9: {  	s10 =	smul.u32 $0x9E00, s14;
	[smem:$0x7FF] =	sst s4;
	s31 =	sshll.u32 s14, $0x6  }
0xa: {  	s2 =	sshll.u32 s0, $0x4;
	s8 =	smul.u32 $0x9E000, s0;
	s0 =	ssub.s32 $0x2, s0  }
0xb: {  	_ =	strace $0x8000004A;
	s2 =	sor.u32 s14, s2;
	s30 =	sshrl.u32 s0, $0x1  }
0xc: {  	s13 =	sadd.s32 s10, s3;
	s14 =	sor.u32 $0x1C05, s31;
	s5 =	smul.u32 $0x4E, s2  }
0xd: {  	s7 =	smin.u32 s2, $0x4;
	s29 =	sadd.s32 s10, s8;
	s0 =	ssub.s32 s0, s30  }
0xe: {  	p0 =	sgt.u32 s2, $0x3;
	s15 =	sshrl.u32 s13, $0x3;
	s5 =	sadd.s32 s7, s5  }
0xf: {  	s2 =	simm.s32 $0x0;
	s7 =	sshrl.u32 s29, $0x3;
	s5 =	sshll.u32 s5, $0x4  }
0x10: {  	s11 =	sadd.s32 s7, s6;
	s9 =	sadd.s32 s5, s6;
	s5 =	sadd.s32 $0x17800, s6  }
0x11: {  	s10 =	sadd.s32 $0x18C00, s11;
	s11 =	smax.u32 s0, $0x1;
	s6 =	sadd.s32 $0x3E00, s9  }
0x12: {  	s7 =	sadd.s32 $0xDA40, s9;
	s8 =	sadd.s32 $0x42E0, s9;
	s9 =	sadd.s32 $0xDF20, s9  }
.LBB2_1:
0x13: {  	[tilespmem:s4], [sflag:$0x5] =	stream.linear.gather [hbm4b:s6+s4], $0x2700, $0x38;
	[tilespmem:$0x1AD00] =	vst v63  }
0x14: {  	_ =	swait.ge [sflag:s12], $0x2700  }
0x15: {  	[sflag:s12] =	ssyncset.done $0x0  }
0x16: {  	s0 =	simm.s32 $0x2780;
	[sflag:s12] =	ssyncadd.s32 $0xFFFFD900  }
0x17: {  	[tilespmem:s0], [sflag:$0x5] =	stream.linear.gather [hbm4b:s7+s4], $0x2700, $0x38;
	[tilespmem:$0x1AD00] =	vst v63  }
0x18: {  	_ =	swait.ge [sflag:s12], $0x2700  }
0x19: {  	[sflag:s12] =	ssyncset.done $0x0  }
0x1a: {  	s13 =	simm.s32 @!p0 $0x2700;
	s0 =	simm.s32 @!p0 $0x0;
	[sflag:s12] =	ssyncadd.s32 $0xFFFFD900  }
0x1b: {  	[tilespmem:s13], [sflag:$0x5] =	stream.linear.gather @!p0 [hbm4b:s8+s0], $0x80, $0x38;
	[tilespmem:$0x1AD00] =	vst v63  }
0x1c: {  	s13 =	simm.s32 @!p0 $0x5  }
0x1d: {  	_ =	swait.ge @!p0 [sflag:s13], $0x80  }
0x1e: {  	[sflag:s13] =	ssyncset.done @!p0 $0x0  }
0x1f: {  	s29 =	simm.s32 @!p0 $0x4E80;
	[sflag:s13] =	ssyncadd.s32 @!p0 $0xFFFFFF80  }
0x20: {  	[tilespmem:s29], [sflag:$0x5] =	stream.linear.gather @!p0 [hbm4b:s9+s0], $0x80, $0x38;
	[tilespmem:$0x1AD00] =	vst v63  }
0x21: {  	_ =	swait.ge @!p0 [sflag:s13], $0x80  }
0x22: {  	[sflag:s13] =	ssyncset.done @!p0 $0x0  }
0x23: {  	[sflag:s13] =	ssyncadd.s32 @!p0 $0xFFFFFF80  }
0x24: {  	[spmem:s15], [sflag:s14] =	dma.local [hbm:s5], $0x13C0  }
0x25: {  	_ =	swait.ge [sflag:s12], $0x13C0  }
0x26: {  	[sflag:s12] =	ssyncset.done $0x0  }
0x27: {  	[sflag:s12] =	ssyncadd.s32 $0xFFFFEC40  }
0x28: {  	[bflag:$0x0] =	sbarrier.arrive $0xFFFF  }
0x29: {  	[tilespmem:s17], [sflag:$0x1] =	stream.indirect.gather [hbm4b:s1+s16], $0x40, s4, s16, $0xb8;
	[tilespmem:$0x1AD00] =	vst v63  }
0x2a: {  	_ = 	snop  }
0x2b: {  	[tilespmem:s18], [sflag:$0x1] =	stream.indirect.gather [hbm4b:s1+s16], $0x40, s16, s16, $0xb8;
	[tilespmem:$0x1AD00] =	vst v63  }
0x2c: {  	_ = 	snop  }
0x2d: {  	[tilespmem:s20], [sflag:$0x1] =	stream.indirect.gather [hbm4b:s1+s16], $0x40, s19, s16, $0xb8;
	[tilespmem:$0x1AD00] =	vst v63  }
0x2e: {  	s13 =	simm.s32 $0x180  }
0x2f: {  	[tilespmem:s21], [sflag:$0x2] =	stream.indirect.gather [hbm4b:s1+s16], $0x40, s13, s16, $0xb8;
	[tilespmem:$0x1AD00] =	vst v63  }
0x30: {  	s29 =	simm.s32 $0x200  }
0x31: {  	[tilespmem:s22], [sflag:$0x2] =	stream.indirect.gather [hbm4b:s1+s16], $0x40, s29, s16, $0xb8;
	[tilespmem:$0x1AD00] =	vst v63  }
0x32: {  	s30 =	simm.s32 $0x280  }
0x33: {  	[tilespmem:s23], [sflag:$0x2] =	stream.indirect.gather [hbm4b:s1+s16], $0x40, s30, s16, $0xb8;
	[tilespmem:$0x1AD00] =	vst v63  }
0x34: {  	_ =	swait.ge [sflag:s24], $0x2000  }
0x35: {  	[sflag:s24] =	ssyncset.done $0x0  }
0x36: {  	[sflag:s24] =	ssyncadd.s32 $0xFFFFE000  }
0x37: {  	_ =	swait.ge [sflag:s24], $0x2000  }
0x38: {  	[sflag:s24] =	ssyncset.done $0x0  }
0x39: {  	[sflag:s24] =	ssyncadd.s32 $0xFFFFE000  }
0x3a: {  	_ =	swait.ge [sflag:s24], $0x2000  }
0x3b: {  	[sflag:s24] =	ssyncset.done $0x0  }
0x3c: {  	s31 =	simm.s32 $0x2780;
	[sflag:s24] =	ssyncadd.s32 $0xFFFFE000  }
0x3d: {  	[spmem:s3] =	stream.indirect.scatter.add.f32 [tilespmem:s17], [sflag:$0x3], $0x40, s31, s16, $0xb8;
	[tilespmem:$0x1AD00] =	vst v63  }
0x3e: {  	s13 =	simm.s32 $0x2800  }
0x3f: {  	[spmem:s3] =	stream.indirect.scatter.add.f32 [tilespmem:s18], [sflag:$0x3], $0x40, s13, s16, $0xb8;
	[tilespmem:$0x1AD00] =	vst v63  }
0x40: {  	s29 =	simm.s32 $0x2880  }
0x41: {  	[spmem:s3] =	stream.indirect.scatter.add.f32 [tilespmem:s20], [sflag:$0x3], $0x40, s29, s16, $0xb8;
	[tilespmem:$0x1AD00] =	vst v63  }
0x42: {  	_ =	swait.ge [sflag:s25], $0x2000  }
0x43: {  	[sflag:s25] =	ssyncset.done $0x0  }
0x44: {  	[sflag:s25] =	ssyncadd.s32 $0xFFFFE000  }
0x45: {  	_ =	swait.ge [sflag:s25], $0x2000  }
0x46: {  	[sflag:s25] =	ssyncset.done $0x0  }
0x47: {  	[sflag:s25] =	ssyncadd.s32 $0xFFFFE000  }
0x48: {  	_ =	swait.ge [sflag:s25], $0x2000  }
0x49: {  	[sflag:s25] =	ssyncset.done $0x0  }
0x4a: {  	s30 =	simm.s32 $0x300;
	[sflag:s25] =	ssyncadd.s32 $0xFFFFE000  }
0x4b: {  	[tilespmem:s17], [sflag:$0x1] =	stream.indirect.gather [hbm4b:s1+s16], $0x40, s30, s16, $0xb8;
	[tilespmem:$0x1AD00] =	vst v63  }
0x4c: {  	s31 =	simm.s32 $0x380  }
0x4d: {  	[tilespmem:s18], [sflag:$0x1] =	stream.indirect.gather [hbm4b:s1+s16], $0x40, s31, s16, $0xb8;
	[tilespmem:$0x1AD00] =	vst v63  }
0x4e: {  	s13 =	simm.s32 $0x400  }
0x4f: {  	[tilespmem:s20], [sflag:$0x1] =	stream.indirect.gather [hbm4b:s1+s16], $0x40, s13, s16, $0xb8;
	[tilespmem:$0x1AD00] =	vst v63  }
0x50: {  	_ =	swait.ge [sflag:s26], $0x2000  }
0x51: {  	[sflag:s26] =	ssyncset.done $0x0  }
0x52: {  	[sflag:s26] =	ssyncadd.s32 $0xFFFFE000  }
0x53: {  	_ =	swait.ge [sflag:s26], $0x2000  }
0x54: {  	[sflag:s26] =	ssyncset.done $0x0  }
0x55: {  	[sflag:s26] =	ssyncadd.s32 $0xFFFFE000  }
0x56: {  	_ =	swait.ge [sflag:s26], $0x2000  }
0x57: {  	[sflag:s26] =	ssyncset.done $0x0  }
0x58: {  	s29 =	simm.s32 $0x2900;
	[sflag:s26] =	ssyncadd.s32 $0xFFFFE000  }
0x59: {  	[spmem:s3] =	stream.indirect.scatter.add.f32 [tilespmem:s21], [sflag:$0x4], $0x40, s29, s16, $0xb8;
	[tilespmem:$0x1AD00] =	vst v63  }
0x5a: {  	s30 =	simm.s32 $0x2980  }
0x5b: {  	[spmem:s3] =	stream.indirect.scatter.add.f32 [tilespmem:s22], [sflag:$0x4], $0x40, s30, s16, $0xb8;
	[tilespmem:$0x1AD00] =	vst v63  }
0x5c: {  	s31 =	simm.s32 $0x2A00  }
0x5d: {  	[spmem:s3] =	stream.indirect.scatter.add.f32 [tilespmem:s23], [sflag:$0x4], $0x40, s31, s16, $0xb8;
	[tilespmem:$0x1AD00] =	vst v63  }
0x5e: {  	_ =	swait.ge [sflag:s28], $0x2000  }
0x5f: {  	[sflag:s28] =	ssyncset.done $0x0  }
0x60: {  	[sflag:s28] =	ssyncadd.s32 $0xFFFFE000  }
0x61: {  	_ =	swait.ge [sflag:s28], $0x2000  }
0x62: {  	[sflag:s28] =	ssyncset.done $0x0  }
0x63: {  	[sflag:s28] =	ssyncadd.s32 $0xFFFFE000  }
0x64: {  	_ =	swait.ge [sflag:s28], $0x2000  }
0x65: {  	s0 =	simm.s32 $0x300;
	s13 =	simm.s32 $0x1800;
	[sflag:s28] =	ssyncset.done $0x0  }
.LBB2_2:
0x66: {  	s31 =	sadd.s32 $0x180, s0  }
0x67: {  	[sflag:s28] =	ssyncadd.s32 $0xFFFFE000;
	s29 =	smov.u32 s13;
	s30 =	sadd.s32 $0xC00, s13  }
0x68: {  	[tilespmem:s21], [sflag:$0x2] =	stream.indirect.gather [hbm4b:s1+s16], $0x40, s31, s16, $0xb8;
	[tilespmem:$0x1AD00] =	vst v63  }
0x69: {  	p1 =	sne.s32 s13, $0x8400;
	s13 =	sadd.s32 $0x200, s0  }
0x6a: {  	[tilespmem:s22], [sflag:$0x2] =	stream.indirect.gather [hbm4b:s1+s16], $0x40, s13, s16, $0xb8;
	[tilespmem:$0x1AD00] =	vst v63  }
0x6b: {  	s13 =	sadd.s32 $0x280, s0  }
0x6c: {  	[tilespmem:s23], [sflag:$0x2] =	stream.indirect.gather [hbm4b:s1+s16], $0x40, s13, s16, $0xb8;
	[tilespmem:$0x1AD00] =	vst v63  }
0x6d: {  	_ =	swait.ge [sflag:s24], $0x2000  }
0x6e: {  	[sflag:s24] =	ssyncset.done $0x0  }
0x6f: {  	[sflag:s24] =	ssyncadd.s32 $0xFFFFE000  }
0x70: {  	_ =	swait.ge [sflag:s24], $0x2000  }
0x71: {  	[sflag:s24] =	ssyncset.done $0x0  }
0x72: {  	[sflag:s24] =	ssyncadd.s32 $0xFFFFE000  }
0x73: {  	_ =	swait.ge [sflag:s24], $0x2000  }
0x74: {  	[sflag:s24] =	ssyncset.done $0x0  }
0x75: {  	s13 =	sadd.s32 $0x2780, s0;
	[sflag:s24] =	ssyncadd.s32 $0xFFFFE000  }
0x76: {  	[spmem:s3] =	stream.indirect.scatter.add.f32 [tilespmem:s17], [sflag:$0x3], $0x40, s13, s16, $0xb8;
	[tilespmem:$0x1AD00] =	vst v63  }
0x77: {  	s13 =	sadd.s32 $0x2800, s0  }
0x78: {  	[spmem:s3] =	stream.indirect.scatter.add.f32 [tilespmem:s18], [sflag:$0x3], $0x40, s13, s16, $0xb8;
	[tilespmem:$0x1AD00] =	vst v63  }
0x79: {  	s13 =	sadd.s32 $0x2880, s0  }
0x7a: {  	[spmem:s3] =	stream.indirect.scatter.add.f32 [tilespmem:s20], [sflag:$0x3], $0x40, s13, s16, $0xb8;
	[tilespmem:$0x1AD00] =	vst v63  }
0x7b: {  	_ =	swait.ge [sflag:s25], $0x2000  }
0x7c: {  	[sflag:s25] =	ssyncset.done $0x0  }
0x7d: {  	[sflag:s25] =	ssyncadd.s32 $0xFFFFE000  }
0x7e: {  	_ =	swait.ge [sflag:s25], $0x2000  }
0x7f: {  	[sflag:s25] =	ssyncset.done $0x0  }
0x80: {  	[sflag:s25] =	ssyncadd.s32 $0xFFFFE000  }
0x81: {  	_ =	swait.ge [sflag:s25], $0x2000  }
0x82: {  	[sflag:s25] =	ssyncset.done $0x0  }
0x83: {  	s13 =	sadd.s32 $0x300, s0;
	[sflag:s25] =	ssyncadd.s32 $0xFFFFE000  }
0x84: {  	[tilespmem:s17], [sflag:$0x1] =	stream.indirect.gather [hbm4b:s1+s16], $0x40, s13, s16, $0xb8;
	[tilespmem:$0x1AD00] =	vst v63  }
0x85: {  	s13 =	sadd.s32 $0x380, s0  }
0x86: {  	[tilespmem:s18], [sflag:$0x1] =	stream.indirect.gather [hbm4b:s1+s16], $0x40, s13, s16, $0xb8;
	[tilespmem:$0x1AD00] =	vst v63  }
0x87: {  	s13 =	sadd.s32 $0x400, s0  }
0x88: {  	[tilespmem:s20], [sflag:$0x1] =	stream.indirect.gather [hbm4b:s1+s16], $0x40, s13, s16, $0xb8;
	[tilespmem:$0x1AD00] =	vst v63  }
0x89: {  	_ =	swait.ge [sflag:s26], $0x2000  }
0x8a: {  	[sflag:s26] =	ssyncset.done $0x0  }
0x8b: {  	[sflag:s26] =	ssyncadd.s32 $0xFFFFE000  }
0x8c: {  	_ =	swait.ge [sflag:s26], $0x2000  }
0x8d: {  	[sflag:s26] =	ssyncset.done $0x0  }
0x8e: {  	[sflag:s26] =	ssyncadd.s32 $0xFFFFE000  }
0x8f: {  	_ =	swait.ge [sflag:s26], $0x2000  }
0x90: {  	[sflag:s26] =	ssyncset.done $0x0  }
0x91: {  	s13 =	sadd.s32 $0x2900, s0;
	[sflag:s26] =	ssyncadd.s32 $0xFFFFE000  }
0x92: {  	[spmem:s3] =	stream.indirect.scatter.add.f32 [tilespmem:s21], [sflag:$0x4], $0x40, s13, s16, $0xb8;
	[tilespmem:$0x1AD00] =	vst v63  }
0x93: {  	s13 =	sadd.s32 $0x2980, s0  }
0x94: {  	[spmem:s3] =	stream.indirect.scatter.add.f32 [tilespmem:s22], [sflag:$0x4], $0x40, s13, s16, $0xb8;
	[tilespmem:$0x1AD00] =	vst v63  }
0x95: {  	s0 =	sadd.s32 $0x2A00, s0  }
0x96: {  	[spmem:s3] =	stream.indirect.scatter.add.f32 [tilespmem:s23], [sflag:$0x4], $0x40, s0, s16, $0xb8;
	[tilespmem:$0x1AD00] =	vst v63  }
0x97: {  	_ =	swait.ge [sflag:s28], $0x2000  }
0x98: {  	[sflag:s28] =	ssyncset.done $0x0  }
0x99: {  	[sflag:s28] =	ssyncadd.s32 $0xFFFFE000  }
.Ltmp0:
0x9a: {  	_ =	swait.ge [sflag:s28], $0x2000;
	(pc) =	sbr.rel @p1 .LBB2_2-.Ltmp0, $4  }
0x9b: {  	[sflag:s28] =	ssyncset.done $0x0  }
0x9c: {  	[sflag:s28] =	ssyncadd.s32 $0xFFFFE000  }
0x9d: {  	_ =	swait.ge [sflag:s28], $0x2000  }
0x9e: {  	s13 =	smov.u32 s30;
	s0 =	sshra.s32 s29, $0x2;
	[sflag:s28] =	ssyncset.done $0x0  }
0x9f: {  	s13 =	sadd.s32 $0x180, s0;
	[sflag:s28] =	ssyncadd.s32 $0xFFFFE000  }
0xa0: {  	[tilespmem:s21], [sflag:$0x2] =	stream.indirect.gather [hbm4b:s1+s16], $0x40, s13, s16, $0xb8;
	[tilespmem:$0x1AD00] =	vst v63  }
0xa1: {  	s29 =	sadd.s32 $0x200, s0  }
0xa2: {  	[tilespmem:s22], [sflag:$0x2] =	stream.indirect.gather [hbm4b:s1+s16], $0x40, s29, s16, $0xb8;
	[tilespmem:$0x1AD00] =	vst v63  }
0xa3: {  	s30 =	sadd.s32 $0x280, s0  }
0xa4: {  	[tilespmem:s23], [sflag:$0x2] =	stream.indirect.gather [hbm4b:s1+s16], $0x40, s30, s16, $0xb8;
	[tilespmem:$0x1AD00] =	vst v63  }
0xa5: {  	_ =	swait.ge [sflag:s24], $0x2000  }
0xa6: {  	[sflag:s24] =	ssyncset.done $0x0  }
0xa7: {  	[sflag:s24] =	ssyncadd.s32 $0xFFFFE000  }
0xa8: {  	_ =	swait.ge [sflag:s24], $0x2000  }
0xa9: {  	[sflag:s24] =	ssyncset.done $0x0  }
0xaa: {  	[sflag:s24] =	ssyncadd.s32 $0xFFFFE000  }
0xab: {  	_ =	swait.ge [sflag:s24], $0x2000  }
0xac: {  	[sflag:s24] =	ssyncset.done $0x0  }
0xad: {  	s31 =	sadd.s32 $0x2780, s0;
	[sflag:s24] =	ssyncadd.s32 $0xFFFFE000  }
0xae: {  	[spmem:s3] =	stream.indirect.scatter.add.f32 [tilespmem:s17], [sflag:$0x3], $0x40, s31, s16, $0xb8;
	[tilespmem:$0x1AD00] =	vst v63  }
0xaf: {  	s29 =	sadd.s32 $0x2800, s0  }
0xb0: {  	[spmem:s3] =	stream.indirect.scatter.add.f32 [tilespmem:s18], [sflag:$0x3], $0x40, s29, s16, $0xb8;
	[tilespmem:$0x1AD00] =	vst v63  }
0xb1: {  	s30 =	sadd.s32 $0x2880, s0  }
0xb2: {  	[spmem:s3] =	stream.indirect.scatter.add.f32 [tilespmem:s20], [sflag:$0x3], $0x40, s30, s16, $0xb8;
	[tilespmem:$0x1AD00] =	vst v63  }
0xb3: {  	_ =	swait.ge [sflag:s25], $0x2000  }
0xb4: {  	[sflag:s25] =	ssyncset.done $0x0  }
0xb5: {  	[sflag:s25] =	ssyncadd.s32 $0xFFFFE000  }
0xb6: {  	_ =	swait.ge [sflag:s25], $0x2000  }
0xb7: {  	[sflag:s25] =	ssyncset.done $0x0  }
0xb8: {  	[sflag:s25] =	ssyncadd.s32 $0xFFFFE000  }
0xb9: {  	_ =	swait.ge [sflag:s25], $0x2000  }
0xba: {  	[sflag:s25] =	ssyncset.done $0x0  }
0xbb: {  	s31 =	sadd.s32 $0x300, s0;
	[sflag:s25] =	ssyncadd.s32 $0xFFFFE000  }
0xbc: {  	[tilespmem:s17], [sflag:$0x1] =	stream.indirect.gather [hbm4b:s1+s16], $0x40, s31, s16, $0xb8;
	[tilespmem:$0x1AD00] =	vst v63  }
0xbd: {  	s29 =	sadd.s32 $0x380, s0  }
0xbe: {  	[tilespmem:s18], [sflag:$0x1] =	stream.indirect.gather [hbm4b:s1+s16], $0x40, s29, s16, $0xb8;
	[tilespmem:$0x1AD00] =	vst v63  }
0xbf: {  	s30 =	sadd.s32 $0x400, s0  }
0xc0: {  	[tilespmem:s20], [sflag:$0x1] =	stream.indirect.gather [hbm4b:s1+s16], $0x40, s30, s16, $0xb8;
	[tilespmem:$0x1AD00] =	vst v63  }
0xc1: {  	_ =	swait.ge [sflag:s26], $0x2000  }
0xc2: {  	[sflag:s26] =	ssyncset.done $0x0  }
0xc3: {  	[sflag:s26] =	ssyncadd.s32 $0xFFFFE000  }
0xc4: {  	_ =	swait.ge [sflag:s26], $0x2000  }
0xc5: {  	[sflag:s26] =	ssyncset.done $0x0  }
0xc6: {  	[sflag:s26] =	ssyncadd.s32 $0xFFFFE000  }
0xc7: {  	_ =	swait.ge [sflag:s26], $0x2000  }
0xc8: {  	[sflag:s26] =	ssyncset.done $0x0  }
0xc9: {  	s31 =	sadd.s32 $0x2900, s0;
	[sflag:s26] =	ssyncadd.s32 $0xFFFFE000  }
0xca: {  	[spmem:s3] =	stream.indirect.scatter.add.f32 [tilespmem:s21], [sflag:$0x4], $0x40, s31, s16, $0xb8;
	[tilespmem:$0x1AD00] =	vst v63  }
0xcb: {  	s29 =	sadd.s32 $0x2980, s0  }
0xcc: {  	[spmem:s3] =	stream.indirect.scatter.add.f32 [tilespmem:s22], [sflag:$0x4], $0x40, s29, s16, $0xb8;
	[tilespmem:$0x1AD00] =	vst v63  }
0xcd: {  	s30 =	sadd.s32 $0x2A00, s0  }
0xce: {  	[spmem:s3] =	stream.indirect.scatter.add.f32 [tilespmem:s23], [sflag:$0x4], $0x40, s30, s16, $0xb8;
	[tilespmem:$0x1AD00] =	vst v63  }
0xcf: {  	_ =	swait.ge [sflag:s28], $0x2000  }
0xd0: {  	[sflag:s28] =	ssyncset.done $0x0  }
0xd1: {  	[sflag:s28] =	ssyncadd.s32 $0xFFFFE000  }
0xd2: {  	_ =	swait.ge [sflag:s28], $0x2000  }
0xd3: {  	[sflag:s28] =	ssyncset.done $0x0  }
0xd4: {  	[sflag:s28] =	ssyncadd.s32 $0xFFFFE000  }
0xd5: {  	_ =	swait.ge [sflag:s28], $0x2000  }
0xd6: {  	[sflag:s28] =	ssyncset.done $0x0  }
0xd7: {  	s31 =	simm.s32 $0x2580;
	[sflag:s28] =	ssyncadd.s32 $0xFFFFE000  }
0xd8: {  	[tilespmem:s21], [sflag:$0x2] =	stream.indirect.gather [hbm4b:s1+s16], $0x40, s31, s16, $0xb8;
	[tilespmem:$0x1AD00] =	vst v63  }
0xd9: {  	s13 =	simm.s32 $0x2600  }
0xda: {  	[tilespmem:s22], [sflag:$0x2] =	stream.indirect.gather [hbm4b:s1+s16], $0x40, s13, s16, $0xb8;
	[tilespmem:$0x1AD00] =	vst v63  }
0xdb: {  	s29 =	simm.s32 $0x2680  }
0xdc: {  	[tilespmem:s23], [sflag:$0x2] =	stream.indirect.gather [hbm4b:s1+s16], $0x40, s29, s16, $0xb8;
	[tilespmem:$0x1AD00] =	vst v63  }
0xdd: {  	_ =	swait.ge [sflag:s24], $0x2000  }
0xde: {  	[sflag:s24] =	ssyncset.done $0x0  }
0xdf: {  	[sflag:s24] =	ssyncadd.s32 $0xFFFFE000  }
0xe0: {  	_ =	swait.ge [sflag:s24], $0x2000  }
0xe1: {  	[sflag:s24] =	ssyncset.done $0x0  }
0xe2: {  	[sflag:s24] =	ssyncadd.s32 $0xFFFFE000  }
0xe3: {  	_ =	swait.ge [sflag:s24], $0x2000  }
0xe4: {  	[sflag:s24] =	ssyncset.done $0x0  }
0xe5: {  	s30 =	simm.s32 $0x4B80;
	[sflag:s24] =	ssyncadd.s32 $0xFFFFE000  }
0xe6: {  	[spmem:s3] =	stream.indirect.scatter.add.f32 [tilespmem:s17], [sflag:$0x3], $0x40, s30, s16, $0xb8;
	[tilespmem:$0x1AD00] =	vst v63  }
0xe7: {  	s31 =	simm.s32 $0x4C00  }
0xe8: {  	[spmem:s3] =	stream.indirect.scatter.add.f32 [tilespmem:s18], [sflag:$0x3], $0x40, s31, s16, $0xb8;
	[tilespmem:$0x1AD00] =	vst v63  }
0xe9: {  	s13 =	simm.s32 $0x4C80  }
0xea: {  	[spmem:s3] =	stream.indirect.scatter.add.f32 [tilespmem:s20], [sflag:$0x3], $0x40, s13, s16, $0xb8;
	[tilespmem:$0x1AD00] =	vst v63  }
0xeb: {  	_ =	swait.ge [sflag:s25], $0x2000  }
0xec: {  	[sflag:s25] =	ssyncset.done $0x0  }
0xed: {  	[sflag:s25] =	ssyncadd.s32 $0xFFFFE000  }
0xee: {  	_ =	swait.ge [sflag:s25], $0x2000  }
0xef: {  	[sflag:s25] =	ssyncset.done $0x0  }
0xf0: {  	[sflag:s25] =	ssyncadd.s32 $0xFFFFE000  }
0xf1: {  	_ =	swait.ge [sflag:s25], $0x2000  }
0xf2: {  	[sflag:s25] =	ssyncset.done $0x0  }
0xf3: {  	[sflag:s25] =	ssyncadd.s32 $0xFFFFE000  }
0xf4: {  	[tilespmem:s17], [sflag:$0x1] =	stream.indirect.gather [hbm4b:s1+s16], $0x40, s4, s16, $0xb8;
	[tilespmem:$0x1AD00] =	vst v63  }
0xf5: {  	_ = 	snop  }
0xf6: {  	[tilespmem:s18], [sflag:$0x1] =	stream.indirect.gather [hbm4b:s1+s16], $0x40, s16, s16, $0xb8;
	[tilespmem:$0x1AD00] =	vst v63  }
0xf7: {  	_ = 	snop  }
0xf8: {  	[tilespmem:s20], [sflag:$0x1] =	stream.indirect.gather [hbm4b:s1+s16], $0x40, s19, s16, $0xb8;
	[tilespmem:$0x1AD00] =	vst v63  }
0xf9: {  	_ =	swait.ge [sflag:s26], $0x2000  }
0xfa: {  	[sflag:s26] =	ssyncset.done $0x0  }
0xfb: {  	[sflag:s26] =	ssyncadd.s32 $0xFFFFE000  }
0xfc: {  	_ =	swait.ge [sflag:s26], $0x2000  }
0xfd: {  	[sflag:s26] =	ssyncset.done $0x0  }
0xfe: {  	[sflag:s26] =	ssyncadd.s32 $0xFFFFE000  }
0xff: {  	_ =	swait.ge [sflag:s26], $0x2000  }
0x100: {  	[sflag:s26] =	ssyncset.done $0x0  }
0x101: {  	s29 =	simm.s32 $0x4D00;
	[sflag:s26] =	ssyncadd.s32 $0xFFFFE000  }
0x102: {  	[spmem:s3] =	stream.indirect.scatter.add.f32 [tilespmem:s21], [sflag:$0x4], $0x40, s29, s16, $0xb8;
	[tilespmem:$0x1AD00] =	vst v63  }
0x103: {  	s30 =	simm.s32 $0x4D80  }
0x104: {  	[spmem:s3] =	stream.indirect.scatter.add.f32 [tilespmem:s22], [sflag:$0x4], $0x40, s30, s16, $0xb8;
	[tilespmem:$0x1AD00] =	vst v63  }
0x105: {  	s31 =	simm.s32 $0x4E00  }
0x106: {  	[spmem:s3] =	stream.indirect.scatter.add.f32 [tilespmem:s23], [sflag:$0x4], $0x40, s31, s16, $0xb8;
	[tilespmem:$0x1AD00] =	vst v63  }
0x107: {  	_ =	swait.ge [sflag:s28], $0x2000  }
0x108: {  	[sflag:s28] =	ssyncset.done $0x0  }
0x109: {  	[sflag:s28] =	ssyncadd.s32 $0xFFFFE000  }
0x10a: {  	_ =	swait.ge [sflag:s28], $0x2000  }
0x10b: {  	[sflag:s28] =	ssyncset.done $0x0  }
0x10c: {  	[sflag:s28] =	ssyncadd.s32 $0xFFFFE000  }
0x10d: {  	_ =	swait.ge [sflag:s28], $0x2000  }
0x10e: {  	[sflag:s28] =	ssyncset.done $0x0  }
0x10f: {  	[sflag:s28] =	ssyncadd.s32 $0xFFFFE000  }
0x110: {  	_ =	swait.ge [sflag:s24], $0x2000  }
0x111: {  	[sflag:s24] =	ssyncset.done $0x0  }
0x112: {  	[sflag:s24] =	ssyncadd.s32 $0xFFFFE000  }
0x113: {  	_ =	swait.ge [sflag:s24], $0x2000  }
0x114: {  	[sflag:s24] =	ssyncset.done $0x0  }
0x115: {  	[sflag:s24] =	ssyncadd.s32 $0xFFFFE000  }
0x116: {  	_ =	swait.ge [sflag:s24], $0x2000  }
0x117: {  	s0 =	simm.s32 @!p0 $0x80;
	[sflag:s24] =	ssyncset.done $0x0  }
0x118: {  	s13 =	simm.s32 @!p0 $0x2700;
	s29 =	simm.s32 @!p0 $0x4F00;
	[sflag:s24] =	ssyncadd.s32 $0xFFFFE000  }
0x119: {  	[tilespmem:s29], [sflag:$0x1] =	stream.indirect.gather @!p0 [hbm4b:s1+s0], $0x40, s13, s0, $0xb8;
	[tilespmem:$0x1AD00] =	vst v63  }
0x11a: {  	s13 =	simm.s32 @!p0 $0x1  }
0x11b: {  	_ =	swait.ge @!p0 [sflag:s13], $0x2000  }
0x11c: {  	[sflag:s13] =	ssyncset.done @!p0 $0x0  }
0x11d: {  	[sflag:s13] =	ssyncadd.s32 @!p0 $0xFFFFE000;
	s13 =	simm.s32 @!p0 $0x4E80  }
0x11e: {  	[spmem:s3] =	stream.indirect.scatter.add.f32 @!p0 [tilespmem:s29], [sflag:$0x5], $0x40, s13, s0, $0xb8;
	[tilespmem:$0x1AD00] =	vst v63  }
0x11f: {  	s0 =	simm.s32 @!p0 $0x5  }
0x120: {  	_ =	swait.ge @!p0 [sflag:s0], $0x2000  }
0x121: {  	s2 =	sadd.s32 $0x1, s2;
	[sflag:s0] =	ssyncset.done @!p0 $0x0  }
0x122: {  	p1 =	sne.s32 s2, s11;
	[sflag:s0] =	ssyncadd.s32 @!p0 $0xFFFFE000  }
.Ltmp1:
0x123: {  	[bflag:$0x0] =	sbarrier.arrive $0xFFFF;
	(pc) =	sbr.rel @p1 .LBB2_1-.Ltmp1, $4  }
0x124: {  	[hbm:s10], [sflag:s14] =	dma.local [spmem:s15], $0x13C0  }
0x125: {  	_ =	swait.ge [sflag:s12], $0x13C0  }
0x126: {  	[sflag:s12] =	ssyncset.done $0x0  }
0x127: {  	[sflag:s12] =	ssyncadd.s32 $0xFFFFEC40  }
0x128: {  	_ =	sfence.sel $0x180000  }
0x129: {  	[bflag:$0x0] =	sbarrier.arrive $0xFFFF  }
0x12a: {  	_ =	strace $0x9000004A  }
0x12b: {  	s0 =	stileid.u32;
	[bflag:$0x2] =	sbarrier.arrive $0xFFFF  }
0x12c: {  	p0 =	sne.s32 s0, $0x0;
	s0 =	rddreg [dreg:$0x3]  }
0x12d: {  	s0 =	sadd.s32 @!p0 $0x100000, s0  }
0x12e: {  	[sflag:s0] =	ssyncadd.tile.s32 @!p0 $0x1;
	_ =	shalt  }
.Lfunc_end2:
_tile_overlayer_lowered:
.L_overlay_start_2:
0x12f: {  	(tag) =	ssettag $0x2  }
0x130: {  	s0 =	rddreg [dreg:$0x0];
	s2 =	stileid.u32  }
0x131: {  	s1 =	rddreg [dreg:$0x1];
	p0 =	sne.s32 s2, $0x0  }
0x132: {  	s3 =	rddreg [dreg:$0x2];
	[bflag:$0x3] =	sbarrier.arrive $0xFFFF;
	s2 =	simm.s32 @!p0 $0x1C05  }
0x133: {  	[timem:s3], [sflag:s2] =	dma.local @!p0 [hbm:s0], s1  }
0x134: {  	s0 =	simm.s32 @!p0 $0x5  }
0x135: {  	_ =	swait.ge @!p0 [sflag:s0], s1  }
0x136: {  	s1 =	ssub.s32 @!p0 $0x0, s1;
	[sflag:s0] =	ssyncset.done @!p0 $0x0  }
0x137: {  	[sflag:s0] =	ssyncadd.s32 @!p0 s1  }
0x138: {  	[bflag:$0x3] =	sbarrier.arrive $0xFFFF  }
0x139: {  	_ =	shalt  }

// kernel: kernel.7.cloned.1.call-start
scs
__scs_entry_jumppad:
0x0: {  	(pc) =	sbr.rel $0x88, $3  }
0x1: {  	(tag) =	ssettag $0x0;
	lr =	simm.s32 $0x1  }
0x2: {  	[smem:$0x3F90] =	sst lr;
	_ =	strace $0xD0000000  }
0x3: {  	_ = 	snop  }
0x4: {  	_ = 	snop  }
0x5: {  	_ = 	snop  }
0x6: {  	_ = 	snop  }
0x7: {  	_ = 	snop  }
__scs_overlays_trampoline_lowered:
0x8: {  	[smem:$0x3F9F] =	sst s0  }
0x9: {  	[smem:$0x3FA0] =	sst s1  }
0xa: {  	[smem:$0x3FA1] =	sst s2  }
0xb: {  	[smem:$0x3FA2] =	sst s3  }
0xc: {  	[smem:$0x3FA3] =	sst s4  }
0xd: {  	[smem:$0x3FA4] =	sst s5  }
0xe: {  	[smem:$0x3FA5] =	sst s6  }
0xf: {  	[smem:$0x3FA6] =	sst s7  }
0x10: {  	[smem:$0x3FA7] =	sst s8  }
0x11: {  	[smem:$0x3FA8] =	sst s9;
	s0 =	simm.s32 @!p0 $0x0  }
0x12: {  	s1 =	sld [smem:$0x3F8E];
	s0 =	simm.s32 @p0 $0x1  }
0x13: {  	[smem:$0x3FA9] =	sst s0;
	s0 =	simm.s32 @!p1 $0x0  }
0x14: {  	s2 =	sld [smem:$0x3F8D];
	s0 =	simm.s32 @p1 $0x1  }
0x15: {  	[smem:$0x3FAA] =	sst s0;
	s0 =	simm.s32 @!p2 $0x0  }
0x16: {  	s3 =	sld [smem:$0x3FDB];
	s0 =	simm.s32 @p2 $0x1  }
0x17: {  	s4 =	simm.s32 $0x1BF5;
	[smem:$0x3FAC] =	sst s0  }
0x18: {  	s0 =	sld [smem:$0x3F8F];
	_ =	swait.ge [sflag:s4], $0x0  }
0x19: {  	s7 =	sld [smem:$0x3F90]  }
0x1a: {  	s8 =	sadd.s32 $0xFFFFE003, lr  }
0x1b: {  	s9 =	sadd.s32 $0xFFFFFEF7, lr;
	s5 =	simm.s32 $0xFFFFFFFF;
	p2 =	slt.u32 s8, $0xFFFFF086  }
0x1c: {  	p1 =	slt.u32 s9, $0xF7A;
	s5 =	simm.s32 @!p2 $0x0  }
0x1d: {  	s5 =	simm.s32 @p1 $0x1;
	p0 =	seq.s32 s7, s2  }
0x1e: {  	s7 =	smul.u32 @!p0 $0xF7A, s2;
	p2 =	seq.s32 @!p0 s5, $0x0  }
0x1f: {  	s9 =	smul.u32 $0xF7A, s1;
	s8 =	simm.s32 @!p0 $0x1BF5;
	p2 =	por !p2, p0  }
0x20: {  	[sflag:s8] =	ssyncset.s32 @!p0 $0xFFFFF086;
	s6 =	sadd.s32 @!p0 s3, s7;
	s7 =	simm.s32 @!p0 $0x108  }
0x21: {  	s3 =	sadd.s32 s3, s9;
	s6 =	sadd.s32 @!p0 $0x88, s6;
	s7 =	simm.s32 @p2 $0x1082  }
0x22: {  	[simem:s7], [sflag:s8] =	dma.local @!p0 [hbm:s6], $0xF7A  }
0x23: {  	s9 =	sor.u32 $0xD0000000, s2;
	s6 =	simm.s32 $0x108;
	_ =	swait.ge @!p0 [sflag:s8], $0x0  }
0x24: {  	s3 =	sadd.s32 $0x88, s3;
	s6 =	simm.s32 @!p1 $0x1082;
	[sflag:s4] =	ssyncset.s32 $0xFFFFF086  }
0x25: {  	[simem:s6], [sflag:s4] =	dma.local [hbm:s3], $0xF7A  }
0x26: {  	[smem:$0x3F90] =	sst s1;
	(tag) =	ssettag s2;
	_ =	strace s9  }
0x27: {  	s1 =	sld [smem:$0x3FA0]  }
0x28: {  	s2 =	sld [smem:$0x3FA1]  }
0x29: {  	s4 =	sld [smem:$0x3FA3]  }
0x2a: {  	p0 =	seq.s32 s5, $0x0;
	s5 =	sld [smem:$0x3FA4]  }
0x2b: {  	s6 =	sld [smem:$0x3FA5]  }
0x2c: {  	s7 =	sld [smem:$0x3FA6]  }
0x2d: {  	s3 =	simm.s32 $0x108;
	s8 =	sld [smem:$0x3FA7]  }
0x2e: {  	s3 =	simm.s32 @!p0 $0x1082;
	s9 =	sld [smem:$0x3FA8]  }
0x2f: {  	lr =	sadd.s32 s0, s3;
	s0 =	sld [smem:$0x3F9F]  }
0x30: {  	s3 =	sld [smem:$0x3FA2]  }
0x31: {  	[smem:$0x3FAB] =	sst s10  }
0x32: {  	s10 =	sld [smem:$0x3FA9];
	_ =	sdelay $0x3  }
0x33: {  	p0 =	seq.s32 s10, $0x1;
	s10 =	sld [smem:$0x3FAB];
	_ =	sdelay $0x3  }
0x34: {  	[smem:$0x3FAB] =	sst s10  }
0x35: {  	s10 =	sld [smem:$0x3FAA];
	_ =	sdelay $0x3  }
0x36: {  	p1 =	seq.s32 s10, $0x1;
	s10 =	sld [smem:$0x3FAB];
	_ =	sdelay $0x3  }
0x37: {  	[smem:$0x3FAB] =	sst s10  }
0x38: {  	s10 =	sld [smem:$0x3FAC]  }
0x39: {  	_ = 	snop;
	(pc) =	sbr.ind lr, $3  }
0x3a: {  	_ = 	snop  }
0x3b: {  	_ = 	snop  }
0x3c: {  	p2 =	seq.s32 s10, $0x1;
	s10 =	sld [smem:$0x3FAB]  }
0x3d: {  	_ =	shalt  }
0x3e: {  	_ =	shalt  }
0x3f: {  	_ =	shalt  }
0x40: {  	_ =	shalt  }
0x41: {  	_ =	shalt  }
0x42: {  	_ =	shalt  }
0x43: {  	_ =	shalt  }
0x44: {  	_ =	shalt  }
0x45: {  	_ =	shalt  }
0x46: {  	_ =	shalt  }
0x47: {  	_ =	shalt  }
0x48: {  	_ =	shalt  }
0x49: {  	_ =	shalt  }
0x4a: {  	_ =	shalt  }
0x4b: {  	_ =	shalt  }
0x4c: {  	_ =	shalt  }
0x4d: {  	_ =	shalt  }
0x4e: {  	_ =	shalt  }
0x4f: {  	_ =	shalt  }
0x50: {  	_ =	shalt  }
0x51: {  	_ =	shalt  }
0x52: {  	_ =	shalt  }
0x53: {  	_ =	shalt  }
0x54: {  	_ =	shalt  }
0x55: {  	_ =	shalt  }
0x56: {  	_ =	shalt  }
0x57: {  	_ =	shalt  }
0x58: {  	_ =	shalt  }
0x59: {  	_ =	shalt  }
0x5a: {  	_ =	shalt  }
0x5b: {  	_ =	shalt  }
0x5c: {  	_ =	shalt  }
0x5d: {  	_ =	shalt  }
0x5e: {  	_ =	shalt  }
0x5f: {  	_ =	shalt  }
0x60: {  	_ =	shalt  }
0x61: {  	_ =	shalt  }
0x62: {  	_ =	shalt  }
0x63: {  	_ =	shalt  }
0x64: {  	_ =	shalt  }
0x65: {  	_ =	shalt  }
0x66: {  	_ =	shalt  }
0x67: {  	_ =	shalt  }
0x68: {  	_ =	shalt  }
0x69: {  	_ =	shalt  }
0x6a: {  	_ =	shalt  }
0x6b: {  	_ =	shalt  }
0x6c: {  	_ =	shalt  }
0x6d: {  	_ =	shalt  }
0x6e: {  	_ =	shalt  }
0x6f: {  	_ =	shalt  }
0x70: {  	_ =	shalt  }
0x71: {  	_ =	shalt  }
0x72: {  	_ =	shalt  }
0x73: {  	_ =	shalt  }
0x74: {  	_ =	shalt  }
0x75: {  	_ =	shalt  }
0x76: {  	_ =	shalt  }
0x77: {  	_ =	shalt  }
0x78: {  	_ =	shalt  }
0x79: {  	_ =	shalt  }
0x7a: {  	_ =	shalt  }
0x7b: {  	_ =	shalt  }
0x7c: {  	_ =	shalt  }
0x7d: {  	_ =	shalt  }
0x7e: {  	_ =	shalt  }
0x7f: {  	_ =	shalt  }
0x80: {  	_ =	shalt  }
0x81: {  	_ =	shalt  }
0x82: {  	_ =	shalt  }
0x83: {  	_ =	shalt  }
0x84: {  	_ =	shalt  }
0x85: {  	_ =	shalt  }
0x86: {  	_ =	shalt  }
0x87: {  	_ =	shalt  }
.Lfunc_end0:
.L_simem_size_0:
called_computation_lowered:
.L_overlay_start_0:
0x88: {  	s2 =	sld [smem:$0x3FD9]  }
0x89: {  	s3 =	sld [smem:$0x3FFE];
	_ =	sdelay $0x1  }
0x8a: {  	s1 =	srdreg.scid  }
0x8b: {  	s0 =	sand.u32 $0x1, s1  }
0x8c: {  	s17 =	sshll.u32 s0, $0xA;
	s2 =	sadd.s32 s3, s2  }
0x8d: {  	s2 =	sadd.s32 s2, s17  }
0x8e: {  	[smem:$0x3FB7] =	sst s2  }
0x8f: {  	_ = 	snop  }
0x90: {  	s2 =	sld [smem:$0x3FD0];
	(tm) =	ssettm $0x1  }
0x91: {  	s18 =	sld [smem:$0x3FFB];
	_ =	sdelay $0x3  }
0x92: {  	_ =	strace s18  }
0x93: {  	s3 =	sld [smem:$0x3FFC];
	_ =	sdelay $0x3  }
0x94: {  	_ =	strace s3  }
0x95: {  	s3 =	sld [smem:$0x3FFD];
	_ =	sdelay $0x3  }
0x96: {  	_ =	strace s3  }
0x97: {  	_ =	strace $0x8FFFFFFF  }
0x98: {  	s19 =	sld [smem:$0x3FDB];
	_ =	sdelay $0x1  }
0x99: {  	s4 =	simm.s32 $_scs_section_size  }
0x9a: {  	s5 =	simm.s32 $_size__tile_overlayer_lowered;
	s6 =	simm.s32 $_tile_overlayer_lowered  }
0x9b: {  	s22 =	simm.s32 $0x1BFF;
	s21 =	sshll.u32 s6, $0x1;
	s3 =	sadd.s32 s4, s19  }
0x9c: {  	s7 =	simm.s32 $0x0;
	s20 =	sshll.u32 s5, $0x1;
	s5 =	sadd.s32 s21, s3  }
0x9d: {  	[timem:s7], [sflag:s22] =	dma.local [hbm:s5], s20  }
0x9e: {  	_ =	swait.ge [sflag:s22], s20  }
0x9f: {  	s4 =	ssub.s32 $0x0, s20;
	[sflag:s22] =	ssyncset.done $0x0  }
0xa0: {  	[sflag:s22] =	ssyncadd.s32 s4;
	_ =	sdelay $0x1  }
0xa1: {  	s23 =	simm.s32 $0x1B8B  }
0xa2: {  	_ =	swait.ge [sflag:s23], $0x1  }
0xa3: {  	[sflag:s23] =	ssyncset.done $0x0  }
0xa4: {  	s25 =	simm.s32 $0x1B8E;
	s24 =	sld [smem:$0x3FFE];
	[sflag:s23] =	ssyncadd.s32 $0xFFFFFFFF  }
0xa5: {  	s26 =	simm.s32 $execute0_lowered;
	[smem:$0x3FD2] =	sst s25  }
0xa6: {  	s5 =	sshll.u32 s26, $0x1;
	_ =	strace $0x80000046;
	[dreg:$0x1] =	wrdreg $0xFFFFFFFF  }
0xa7: {  	s28 =	simm.s32 $_size_execute0_lowered;
	s3 =	sadd.s32 s3, s5;
	[dreg:$0x0] =	wrdreg $0x0  }
0xa8: {  	s5 =	sshll.u32 s28, $0x1;
	[dreg:$0x2] =	wrdreg s3  }
0xa9: {  	[dreg:$0x3] =	wrdreg s5  }
0xaa: {  	[dreg:$0x4] =	wrdreg $0xC0  }
0xab: {  	_ =	task [dreg:s7], $0x5FFFF  }
0xac: {  	[dreg:$0x1] =	wrdreg $0xFFFFFFFF  }
0xad: {  	[dreg:$0x0] =	wrdreg $0x60  }
0xae: {  	[dreg:$0x2] =	wrdreg s2  }
0xaf: {  	[dreg:$0x3] =	wrdreg s24  }
0xb0: {  	[dreg:$0x4] =	wrdreg $0x10F000  }
0xb1: {  	[dreg:$0x5] =	wrdreg $0x9  }
0xb2: {  	_ =	task.clear_ibuf [dreg:s7], $0x6FFFF;
	_ =	strace $0x90000046  }
0xb3: {  	s29 =	simm.s32 $0x9;
	_ =	strace $0x80000048  }
0xb4: {  	_ =	swait.ge [sflag:s29], $0x1  }
0xb5: {  	[sflag:s29] =	ssyncadd.s32 $0xFFFFFFFF  }
0xb6: {  	_ =	strace $0x90000048  }
0xb7: {  	_ =	sfence  }
0xb8: {  	s30 =	sld [smem:$0x0];
	_ =	sdelay $0x2  }
0xb9: {  	s31 =	sshll.u32 s1, $0xD;
	s1 =	sshrl.u32 s1, $0x2  }
0xba: {  	s3 =	sand.u32 $0x4000, s31;
	s1 =	sadd.s32 s1, s30  }
0xbb: {  	s0 =	sor.u32 s3, s0;
	s1 =	sshll.u32 s1, $0x11  }
0xbc: {  	s0 =	sor.u32 s1, s0  }
0xbd: {  	s0 =	sadd.s32 $0x8F2B, s0  }
0xbe: {  	[sflag:s0] =	ssyncadd.remote.s32 $0x1  }
0xbf: {  	_ =	sfence.sel $0xFFFF  }
0xc0: {  	[dreg:$0x0] =	wrdreg $0xFFFFFFFF;
	(pc) =	sbr.abs _section_cstart, $3  }
0xc1: {  	[dreg:$0x1] =	wrdreg $0xFFFFFFFF  }
0xc2: {  	_ =	task.clear_ibuf [dreg:s7], $0x2FFFF;
	_ =	strace $0x9FFFFFFF  }
0xc3: {  	(tm) =	ssettm $0x7FFFFFFF  }
tec
execute0_lowered:
.L_overlay_start_1:
0x0: {  	(tag) =	ssettag $0x1  }
0x1: {  	s1 =	rddreg [dreg:$0x0]  }
0x2: {  	s0 =	srdreg.scid;
	s6 =	rddreg [dreg:$0x1]  }
0x3: {  	s14 =	stileid.u32;
	s3 =	rddreg [dreg:$0x2]  }
0x4: {  	s4 =	simm.s32 $0x0;
	s12 =	simm.s32 $0x5;
	s16 =	simm.s32 $0x80  }
0x5: {  	s17 =	simm.s32 $0x4F00;
	s18 =	simm.s32 $0x6F00;
	s19 =	simm.s32 $0x100  }
0x6: {  	s20 =	simm.s32 $0x8F00;
	s21 =	simm.s32 $0xAF00;
	s22 =	simm.s32 $0xCF00  }
0x7: {  	s23 =	simm.s32 $0xEF00;
	s24 =	simm.s32 $0x1;
	s25 =	simm.s32 $0x3  }
0x8: {  	s26 =	simm.s32 $0x2;
	s28 =	simm.s32 $0x4;
	s0 =	sand.u32 $0x1, s0  }
0x9: {  	s10 =	smul.u32 $0x9E00, s14;
	[smem:$0x7FF] =	sst s4;
	s31 =	sshll.u32 s14, $0x6  }
0xa: {  	s2 =	sshll.u32 s0, $0x4;
	s8 =	smul.u32 $0x9E000, s0;
	s0 =	ssub.s32 $0x2, s0  }
0xb: {  	_ =	strace $0x80000047;
	s2 =	sor.u32 s14, s2;
	s30 =	sshrl.u32 s0, $0x1  }
0xc: {  	s13 =	sadd.s32 s10, s3;
	s14 =	sor.u32 $0x1C05, s31;
	s5 =	smul.u32 $0x4E, s2  }
0xd: {  	s7 =	smin.u32 s2, $0x4;
	s29 =	sadd.s32 s10, s8;
	s0 =	ssub.s32 s0, s30  }
0xe: {  	p0 =	sgt.u32 s2, $0x3;
	s15 =	sshrl.u32 s13, $0x3;
	s5 =	sadd.s32 s7, s5  }
0xf: {  	s2 =	simm.s32 $0x0;
	s7 =	sshrl.u32 s29, $0x3;
	s5 =	sshll.u32 s5, $0x4  }
0x10: {  	s11 =	sadd.s32 s7, s6;
	s9 =	sadd.s32 s5, s6;
	s5 =	sadd.s32 $0x17800, s6  }
0x11: {  	s10 =	sadd.s32 $0x18C00, s11;
	s11 =	smax.u32 s0, $0x1;
	s6 =	sadd.s32 $0x3E00, s9  }
0x12: {  	s7 =	sadd.s32 $0xDA40, s9;
	s8 =	sadd.s32 $0x42E0, s9;
	s9 =	sadd.s32 $0xDF20, s9  }
.LBB2_1:
0x13: {  	[tilespmem:s4], [sflag:$0x5] =	stream.linear.gather [hbm4b:s6+s4], $0x2700, $0x38;
	[tilespmem:$0x1AD00] =	vst v63  }
0x14: {  	_ =	swait.ge [sflag:s12], $0x2700  }
0x15: {  	[sflag:s12] =	ssyncset.done $0x0  }
0x16: {  	s0 =	simm.s32 $0x2780;
	[sflag:s12] =	ssyncadd.s32 $0xFFFFD900  }
0x17: {  	[tilespmem:s0], [sflag:$0x5] =	stream.linear.gather [hbm4b:s7+s4], $0x2700, $0x38;
	[tilespmem:$0x1AD00] =	vst v63  }
0x18: {  	_ =	swait.ge [sflag:s12], $0x2700  }
0x19: {  	[sflag:s12] =	ssyncset.done $0x0  }
0x1a: {  	s13 =	simm.s32 @!p0 $0x2700;
	s0 =	simm.s32 @!p0 $0x0;
	[sflag:s12] =	ssyncadd.s32 $0xFFFFD900  }
0x1b: {  	[tilespmem:s13], [sflag:$0x5] =	stream.linear.gather @!p0 [hbm4b:s8+s0], $0x80, $0x38;
	[tilespmem:$0x1AD00] =	vst v63  }
0x1c: {  	s13 =	simm.s32 @!p0 $0x5  }
0x1d: {  	_ =	swait.ge @!p0 [sflag:s13], $0x80  }
0x1e: {  	[sflag:s13] =	ssyncset.done @!p0 $0x0  }
0x1f: {  	s29 =	simm.s32 @!p0 $0x4E80;
	[sflag:s13] =	ssyncadd.s32 @!p0 $0xFFFFFF80  }
0x20: {  	[tilespmem:s29], [sflag:$0x5] =	stream.linear.gather @!p0 [hbm4b:s9+s0], $0x80, $0x38;
	[tilespmem:$0x1AD00] =	vst v63  }
0x21: {  	_ =	swait.ge @!p0 [sflag:s13], $0x80  }
0x22: {  	[sflag:s13] =	ssyncset.done @!p0 $0x0  }
0x23: {  	[sflag:s13] =	ssyncadd.s32 @!p0 $0xFFFFFF80  }
0x24: {  	[spmem:s15], [sflag:s14] =	dma.local [hbm:s5], $0x13C0  }
0x25: {  	_ =	swait.ge [sflag:s12], $0x13C0  }
0x26: {  	[sflag:s12] =	ssyncset.done $0x0  }
0x27: {  	[sflag:s12] =	ssyncadd.s32 $0xFFFFEC40  }
0x28: {  	[bflag:$0x0] =	sbarrier.arrive $0xFFFF  }
0x29: {  	[tilespmem:s17], [sflag:$0x1] =	stream.indirect.gather [hbm4b:s1+s16], $0x40, s4, s16, $0xb8;
	[tilespmem:$0x1AD00] =	vst v63  }
0x2a: {  	_ = 	snop  }
0x2b: {  	[tilespmem:s18], [sflag:$0x1] =	stream.indirect.gather [hbm4b:s1+s16], $0x40, s16, s16, $0xb8;
	[tilespmem:$0x1AD00] =	vst v63  }
0x2c: {  	_ = 	snop  }
0x2d: {  	[tilespmem:s20], [sflag:$0x1] =	stream.indirect.gather [hbm4b:s1+s16], $0x40, s19, s16, $0xb8;
	[tilespmem:$0x1AD00] =	vst v63  }
0x2e: {  	s13 =	simm.s32 $0x180  }
0x2f: {  	[tilespmem:s21], [sflag:$0x2] =	stream.indirect.gather [hbm4b:s1+s16], $0x40, s13, s16, $0xb8;
	[tilespmem:$0x1AD00] =	vst v63  }
0x30: {  	s29 =	simm.s32 $0x200  }
0x31: {  	[tilespmem:s22], [sflag:$0x2] =	stream.indirect.gather [hbm4b:s1+s16], $0x40, s29, s16, $0xb8;
	[tilespmem:$0x1AD00] =	vst v63  }
0x32: {  	s30 =	simm.s32 $0x280  }
0x33: {  	[tilespmem:s23], [sflag:$0x2] =	stream.indirect.gather [hbm4b:s1+s16], $0x40, s30, s16, $0xb8;
	[tilespmem:$0x1AD00] =	vst v63  }
0x34: {  	_ =	swait.ge [sflag:s24], $0x2000  }
0x35: {  	[sflag:s24] =	ssyncset.done $0x0  }
0x36: {  	[sflag:s24] =	ssyncadd.s32 $0xFFFFE000  }
0x37: {  	_ =	swait.ge [sflag:s24], $0x2000  }
0x38: {  	[sflag:s24] =	ssyncset.done $0x0  }
0x39: {  	[sflag:s24] =	ssyncadd.s32 $0xFFFFE000  }
0x3a: {  	_ =	swait.ge [sflag:s24], $0x2000  }
0x3b: {  	[sflag:s24] =	ssyncset.done $0x0  }
0x3c: {  	s31 =	simm.s32 $0x2780;
	[sflag:s24] =	ssyncadd.s32 $0xFFFFE000  }
0x3d: {  	[spmem:s3] =	stream.indirect.scatter.add.f32 [tilespmem:s17], [sflag:$0x3], $0x40, s31, s16, $0xb8;
	[tilespmem:$0x1AD00] =	vst v63  }
0x3e: {  	s13 =	simm.s32 $0x2800  }
0x3f: {  	[spmem:s3] =	stream.indirect.scatter.add.f32 [tilespmem:s18], [sflag:$0x3], $0x40, s13, s16, $0xb8;
	[tilespmem:$0x1AD00] =	vst v63  }
0x40: {  	s29 =	simm.s32 $0x2880  }
0x41: {  	[spmem:s3] =	stream.indirect.scatter.add.f32 [tilespmem:s20], [sflag:$0x3], $0x40, s29, s16, $0xb8;
	[tilespmem:$0x1AD00] =	vst v63  }
0x42: {  	_ =	swait.ge [sflag:s25], $0x2000  }
0x43: {  	[sflag:s25] =	ssyncset.done $0x0  }
0x44: {  	[sflag:s25] =	ssyncadd.s32 $0xFFFFE000  }
0x45: {  	_ =	swait.ge [sflag:s25], $0x2000  }
0x46: {  	[sflag:s25] =	ssyncset.done $0x0  }
0x47: {  	[sflag:s25] =	ssyncadd.s32 $0xFFFFE000  }
0x48: {  	_ =	swait.ge [sflag:s25], $0x2000  }
0x49: {  	[sflag:s25] =	ssyncset.done $0x0  }
0x4a: {  	s30 =	simm.s32 $0x300;
	[sflag:s25] =	ssyncadd.s32 $0xFFFFE000  }
0x4b: {  	[tilespmem:s17], [sflag:$0x1] =	stream.indirect.gather [hbm4b:s1+s16], $0x40, s30, s16, $0xb8;
	[tilespmem:$0x1AD00] =	vst v63  }
0x4c: {  	s31 =	simm.s32 $0x380  }
0x4d: {  	[tilespmem:s18], [sflag:$0x1] =	stream.indirect.gather [hbm4b:s1+s16], $0x40, s31, s16, $0xb8;
	[tilespmem:$0x1AD00] =	vst v63  }
0x4e: {  	s13 =	simm.s32 $0x400  }
0x4f: {  	[tilespmem:s20], [sflag:$0x1] =	stream.indirect.gather [hbm4b:s1+s16], $0x40, s13, s16, $0xb8;
	[tilespmem:$0x1AD00] =	vst v63  }
0x50: {  	_ =	swait.ge [sflag:s26], $0x2000  }
0x51: {  	[sflag:s26] =	ssyncset.done $0x0  }
0x52: {  	[sflag:s26] =	ssyncadd.s32 $0xFFFFE000  }
0x53: {  	_ =	swait.ge [sflag:s26], $0x2000  }
0x54: {  	[sflag:s26] =	ssyncset.done $0x0  }
0x55: {  	[sflag:s26] =	ssyncadd.s32 $0xFFFFE000  }
0x56: {  	_ =	swait.ge [sflag:s26], $0x2000  }
0x57: {  	[sflag:s26] =	ssyncset.done $0x0  }
0x58: {  	s29 =	simm.s32 $0x2900;
	[sflag:s26] =	ssyncadd.s32 $0xFFFFE000  }
0x59: {  	[spmem:s3] =	stream.indirect.scatter.add.f32 [tilespmem:s21], [sflag:$0x4], $0x40, s29, s16, $0xb8;
	[tilespmem:$0x1AD00] =	vst v63  }
0x5a: {  	s30 =	simm.s32 $0x2980  }
0x5b: {  	[spmem:s3] =	stream.indirect.scatter.add.f32 [tilespmem:s22], [sflag:$0x4], $0x40, s30, s16, $0xb8;
	[tilespmem:$0x1AD00] =	vst v63  }
0x5c: {  	s31 =	simm.s32 $0x2A00  }
0x5d: {  	[spmem:s3] =	stream.indirect.scatter.add.f32 [tilespmem:s23], [sflag:$0x4], $0x40, s31, s16, $0xb8;
	[tilespmem:$0x1AD00] =	vst v63  }
0x5e: {  	_ =	swait.ge [sflag:s28], $0x2000  }
0x5f: {  	[sflag:s28] =	ssyncset.done $0x0  }
0x60: {  	[sflag:s28] =	ssyncadd.s32 $0xFFFFE000  }
0x61: {  	_ =	swait.ge [sflag:s28], $0x2000  }
0x62: {  	[sflag:s28] =	ssyncset.done $0x0  }
0x63: {  	[sflag:s28] =	ssyncadd.s32 $0xFFFFE000  }
0x64: {  	_ =	swait.ge [sflag:s28], $0x2000  }
0x65: {  	s0 =	simm.s32 $0x300;
	s13 =	simm.s32 $0x1800;
	[sflag:s28] =	ssyncset.done $0x0  }
.LBB2_2:
0x66: {  	s31 =	sadd.s32 $0x180, s0  }
0x67: {  	[sflag:s28] =	ssyncadd.s32 $0xFFFFE000;
	s29 =	smov.u32 s13;
	s30 =	sadd.s32 $0xC00, s13  }
0x68: {  	[tilespmem:s21], [sflag:$0x2] =	stream.indirect.gather [hbm4b:s1+s16], $0x40, s31, s16, $0xb8;
	[tilespmem:$0x1AD00] =	vst v63  }
0x69: {  	p1 =	sne.s32 s13, $0x8400;
	s13 =	sadd.s32 $0x200, s0  }
0x6a: {  	[tilespmem:s22], [sflag:$0x2] =	stream.indirect.gather [hbm4b:s1+s16], $0x40, s13, s16, $0xb8;
	[tilespmem:$0x1AD00] =	vst v63  }
0x6b: {  	s13 =	sadd.s32 $0x280, s0  }
0x6c: {  	[tilespmem:s23], [sflag:$0x2] =	stream.indirect.gather [hbm4b:s1+s16], $0x40, s13, s16, $0xb8;
	[tilespmem:$0x1AD00] =	vst v63  }
0x6d: {  	_ =	swait.ge [sflag:s24], $0x2000  }
0x6e: {  	[sflag:s24] =	ssyncset.done $0x0  }
0x6f: {  	[sflag:s24] =	ssyncadd.s32 $0xFFFFE000  }
0x70: {  	_ =	swait.ge [sflag:s24], $0x2000  }
0x71: {  	[sflag:s24] =	ssyncset.done $0x0  }
0x72: {  	[sflag:s24] =	ssyncadd.s32 $0xFFFFE000  }
0x73: {  	_ =	swait.ge [sflag:s24], $0x2000  }
0x74: {  	[sflag:s24] =	ssyncset.done $0x0  }
0x75: {  	s13 =	sadd.s32 $0x2780, s0;
	[sflag:s24] =	ssyncadd.s32 $0xFFFFE000  }
0x76: {  	[spmem:s3] =	stream.indirect.scatter.add.f32 [tilespmem:s17], [sflag:$0x3], $0x40, s13, s16, $0xb8;
	[tilespmem:$0x1AD00] =	vst v63  }
0x77: {  	s13 =	sadd.s32 $0x2800, s0  }
0x78: {  	[spmem:s3] =	stream.indirect.scatter.add.f32 [tilespmem:s18], [sflag:$0x3], $0x40, s13, s16, $0xb8;
	[tilespmem:$0x1AD00] =	vst v63  }
0x79: {  	s13 =	sadd.s32 $0x2880, s0  }
0x7a: {  	[spmem:s3] =	stream.indirect.scatter.add.f32 [tilespmem:s20], [sflag:$0x3], $0x40, s13, s16, $0xb8;
	[tilespmem:$0x1AD00] =	vst v63  }
0x7b: {  	_ =	swait.ge [sflag:s25], $0x2000  }
0x7c: {  	[sflag:s25] =	ssyncset.done $0x0  }
0x7d: {  	[sflag:s25] =	ssyncadd.s32 $0xFFFFE000  }
0x7e: {  	_ =	swait.ge [sflag:s25], $0x2000  }
0x7f: {  	[sflag:s25] =	ssyncset.done $0x0  }
0x80: {  	[sflag:s25] =	ssyncadd.s32 $0xFFFFE000  }
0x81: {  	_ =	swait.ge [sflag:s25], $0x2000  }
0x82: {  	[sflag:s25] =	ssyncset.done $0x0  }
0x83: {  	s13 =	sadd.s32 $0x300, s0;
	[sflag:s25] =	ssyncadd.s32 $0xFFFFE000  }
0x84: {  	[tilespmem:s17], [sflag:$0x1] =	stream.indirect.gather [hbm4b:s1+s16], $0x40, s13, s16, $0xb8;
	[tilespmem:$0x1AD00] =	vst v63  }
0x85: {  	s13 =	sadd.s32 $0x380, s0  }
0x86: {  	[tilespmem:s18], [sflag:$0x1] =	stream.indirect.gather [hbm4b:s1+s16], $0x40, s13, s16, $0xb8;
	[tilespmem:$0x1AD00] =	vst v63  }
0x87: {  	s13 =	sadd.s32 $0x400, s0  }
0x88: {  	[tilespmem:s20], [sflag:$0x1] =	stream.indirect.gather [hbm4b:s1+s16], $0x40, s13, s16, $0xb8;
	[tilespmem:$0x1AD00] =	vst v63  }
0x89: {  	_ =	swait.ge [sflag:s26], $0x2000  }
0x8a: {  	[sflag:s26] =	ssyncset.done $0x0  }
0x8b: {  	[sflag:s26] =	ssyncadd.s32 $0xFFFFE000  }
0x8c: {  	_ =	swait.ge [sflag:s26], $0x2000  }
0x8d: {  	[sflag:s26] =	ssyncset.done $0x0  }
0x8e: {  	[sflag:s26] =	ssyncadd.s32 $0xFFFFE000  }
0x8f: {  	_ =	swait.ge [sflag:s26], $0x2000  }
0x90: {  	[sflag:s26] =	ssyncset.done $0x0  }
0x91: {  	s13 =	sadd.s32 $0x2900, s0;
	[sflag:s26] =	ssyncadd.s32 $0xFFFFE000  }
0x92: {  	[spmem:s3] =	stream.indirect.scatter.add.f32 [tilespmem:s21], [sflag:$0x4], $0x40, s13, s16, $0xb8;
	[tilespmem:$0x1AD00] =	vst v63  }
0x93: {  	s13 =	sadd.s32 $0x2980, s0  }
0x94: {  	[spmem:s3] =	stream.indirect.scatter.add.f32 [tilespmem:s22], [sflag:$0x4], $0x40, s13, s16, $0xb8;
	[tilespmem:$0x1AD00] =	vst v63  }
0x95: {  	s0 =	sadd.s32 $0x2A00, s0  }
0x96: {  	[spmem:s3] =	stream.indirect.scatter.add.f32 [tilespmem:s23], [sflag:$0x4], $0x40, s0, s16, $0xb8;
	[tilespmem:$0x1AD00] =	vst v63  }
0x97: {  	_ =	swait.ge [sflag:s28], $0x2000  }
0x98: {  	[sflag:s28] =	ssyncset.done $0x0  }
0x99: {  	[sflag:s28] =	ssyncadd.s32 $0xFFFFE000  }
.Ltmp0:
0x9a: {  	_ =	swait.ge [sflag:s28], $0x2000;
	(pc) =	sbr.rel @p1 .LBB2_2-.Ltmp0, $4  }
0x9b: {  	[sflag:s28] =	ssyncset.done $0x0  }
0x9c: {  	[sflag:s28] =	ssyncadd.s32 $0xFFFFE000  }
0x9d: {  	_ =	swait.ge [sflag:s28], $0x2000  }
0x9e: {  	s13 =	smov.u32 s30;
	s0 =	sshra.s32 s29, $0x2;
	[sflag:s28] =	ssyncset.done $0x0  }
0x9f: {  	s13 =	sadd.s32 $0x180, s0;
	[sflag:s28] =	ssyncadd.s32 $0xFFFFE000  }
0xa0: {  	[tilespmem:s21], [sflag:$0x2] =	stream.indirect.gather [hbm4b:s1+s16], $0x40, s13, s16, $0xb8;
	[tilespmem:$0x1AD00] =	vst v63  }
0xa1: {  	s29 =	sadd.s32 $0x200, s0  }
0xa2: {  	[tilespmem:s22], [sflag:$0x2] =	stream.indirect.gather [hbm4b:s1+s16], $0x40, s29, s16, $0xb8;
	[tilespmem:$0x1AD00] =	vst v63  }
0xa3: {  	s30 =	sadd.s32 $0x280, s0  }
0xa4: {  	[tilespmem:s23], [sflag:$0x2] =	stream.indirect.gather [hbm4b:s1+s16], $0x40, s30, s16, $0xb8;
	[tilespmem:$0x1AD00] =	vst v63  }
0xa5: {  	_ =	swait.ge [sflag:s24], $0x2000  }
0xa6: {  	[sflag:s24] =	ssyncset.done $0x0  }
0xa7: {  	[sflag:s24] =	ssyncadd.s32 $0xFFFFE000  }
0xa8: {  	_ =	swait.ge [sflag:s24], $0x2000  }
0xa9: {  	[sflag:s24] =	ssyncset.done $0x0  }
0xaa: {  	[sflag:s24] =	ssyncadd.s32 $0xFFFFE000  }
0xab: {  	_ =	swait.ge [sflag:s24], $0x2000  }
0xac: {  	[sflag:s24] =	ssyncset.done $0x0  }
0xad: {  	s31 =	sadd.s32 $0x2780, s0;
	[sflag:s24] =	ssyncadd.s32 $0xFFFFE000  }
0xae: {  	[spmem:s3] =	stream.indirect.scatter.add.f32 [tilespmem:s17], [sflag:$0x3], $0x40, s31, s16, $0xb8;
	[tilespmem:$0x1AD00] =	vst v63  }
0xaf: {  	s29 =	sadd.s32 $0x2800, s0  }
0xb0: {  	[spmem:s3] =	stream.indirect.scatter.add.f32 [tilespmem:s18], [sflag:$0x3], $0x40, s29, s16, $0xb8;
	[tilespmem:$0x1AD00] =	vst v63  }
0xb1: {  	s30 =	sadd.s32 $0x2880, s0  }
0xb2: {  	[spmem:s3] =	stream.indirect.scatter.add.f32 [tilespmem:s20], [sflag:$0x3], $0x40, s30, s16, $0xb8;
	[tilespmem:$0x1AD00] =	vst v63  }
0xb3: {  	_ =	swait.ge [sflag:s25], $0x2000  }
0xb4: {  	[sflag:s25] =	ssyncset.done $0x0  }
0xb5: {  	[sflag:s25] =	ssyncadd.s32 $0xFFFFE000  }
0xb6: {  	_ =	swait.ge [sflag:s25], $0x2000  }
0xb7: {  	[sflag:s25] =	ssyncset.done $0x0  }
0xb8: {  	[sflag:s25] =	ssyncadd.s32 $0xFFFFE000  }
0xb9: {  	_ =	swait.ge [sflag:s25], $0x2000  }
0xba: {  	[sflag:s25] =	ssyncset.done $0x0  }
0xbb: {  	s31 =	sadd.s32 $0x300, s0;
	[sflag:s25] =	ssyncadd.s32 $0xFFFFE000  }
0xbc: {  	[tilespmem:s17], [sflag:$0x1] =	stream.indirect.gather [hbm4b:s1+s16], $0x40, s31, s16, $0xb8;
	[tilespmem:$0x1AD00] =	vst v63  }
0xbd: {  	s29 =	sadd.s32 $0x380, s0  }
0xbe: {  	[tilespmem:s18], [sflag:$0x1] =	stream.indirect.gather [hbm4b:s1+s16], $0x40, s29, s16, $0xb8;
	[tilespmem:$0x1AD00] =	vst v63  }
0xbf: {  	s30 =	sadd.s32 $0x400, s0  }
0xc0: {  	[tilespmem:s20], [sflag:$0x1] =	stream.indirect.gather [hbm4b:s1+s16], $0x40, s30, s16, $0xb8;
	[tilespmem:$0x1AD00] =	vst v63  }
0xc1: {  	_ =	swait.ge [sflag:s26], $0x2000  }
0xc2: {  	[sflag:s26] =	ssyncset.done $0x0  }
0xc3: {  	[sflag:s26] =	ssyncadd.s32 $0xFFFFE000  }
0xc4: {  	_ =	swait.ge [sflag:s26], $0x2000  }
0xc5: {  	[sflag:s26] =	ssyncset.done $0x0  }
0xc6: {  	[sflag:s26] =	ssyncadd.s32 $0xFFFFE000  }
0xc7: {  	_ =	swait.ge [sflag:s26], $0x2000  }
0xc8: {  	[sflag:s26] =	ssyncset.done $0x0  }
0xc9: {  	s31 =	sadd.s32 $0x2900, s0;
	[sflag:s26] =	ssyncadd.s32 $0xFFFFE000  }
0xca: {  	[spmem:s3] =	stream.indirect.scatter.add.f32 [tilespmem:s21], [sflag:$0x4], $0x40, s31, s16, $0xb8;
	[tilespmem:$0x1AD00] =	vst v63  }
0xcb: {  	s29 =	sadd.s32 $0x2980, s0  }
0xcc: {  	[spmem:s3] =	stream.indirect.scatter.add.f32 [tilespmem:s22], [sflag:$0x4], $0x40, s29, s16, $0xb8;
	[tilespmem:$0x1AD00] =	vst v63  }
0xcd: {  	s30 =	sadd.s32 $0x2A00, s0  }
0xce: {  	[spmem:s3] =	stream.indirect.scatter.add.f32 [tilespmem:s23], [sflag:$0x4], $0x40, s30, s16, $0xb8;
	[tilespmem:$0x1AD00] =	vst v63  }
0xcf: {  	_ =	swait.ge [sflag:s28], $0x2000  }
0xd0: {  	[sflag:s28] =	ssyncset.done $0x0  }
0xd1: {  	[sflag:s28] =	ssyncadd.s32 $0xFFFFE000  }
0xd2: {  	_ =	swait.ge [sflag:s28], $0x2000  }
0xd3: {  	[sflag:s28] =	ssyncset.done $0x0  }
0xd4: {  	[sflag:s28] =	ssyncadd.s32 $0xFFFFE000  }
0xd5: {  	_ =	swait.ge [sflag:s28], $0x2000  }
0xd6: {  	[sflag:s28] =	ssyncset.done $0x0  }
0xd7: {  	s31 =	simm.s32 $0x2580;
	[sflag:s28] =	ssyncadd.s32 $0xFFFFE000  }
0xd8: {  	[tilespmem:s21], [sflag:$0x2] =	stream.indirect.gather [hbm4b:s1+s16], $0x40, s31, s16, $0xb8;
	[tilespmem:$0x1AD00] =	vst v63  }
0xd9: {  	s13 =	simm.s32 $0x2600  }
0xda: {  	[tilespmem:s22], [sflag:$0x2] =	stream.indirect.gather [hbm4b:s1+s16], $0x40, s13, s16, $0xb8;
	[tilespmem:$0x1AD00] =	vst v63  }
0xdb: {  	s29 =	simm.s32 $0x2680  }
0xdc: {  	[tilespmem:s23], [sflag:$0x2] =	stream.indirect.gather [hbm4b:s1+s16], $0x40, s29, s16, $0xb8;
	[tilespmem:$0x1AD00] =	vst v63  }
0xdd: {  	_ =	swait.ge [sflag:s24], $0x2000  }
0xde: {  	[sflag:s24] =	ssyncset.done $0x0  }
0xdf: {  	[sflag:s24] =	ssyncadd.s32 $0xFFFFE000  }
0xe0: {  	_ =	swait.ge [sflag:s24], $0x2000  }
0xe1: {  	[sflag:s24] =	ssyncset.done $0x0  }
0xe2: {  	[sflag:s24] =	ssyncadd.s32 $0xFFFFE000  }
0xe3: {  	_ =	swait.ge [sflag:s24], $0x2000  }
0xe4: {  	[sflag:s24] =	ssyncset.done $0x0  }
0xe5: {  	s30 =	simm.s32 $0x4B80;
	[sflag:s24] =	ssyncadd.s32 $0xFFFFE000  }
0xe6: {  	[spmem:s3] =	stream.indirect.scatter.add.f32 [tilespmem:s17], [sflag:$0x3], $0x40, s30, s16, $0xb8;
	[tilespmem:$0x1AD00] =	vst v63  }
0xe7: {  	s31 =	simm.s32 $0x4C00  }
0xe8: {  	[spmem:s3] =	stream.indirect.scatter.add.f32 [tilespmem:s18], [sflag:$0x3], $0x40, s31, s16, $0xb8;
	[tilespmem:$0x1AD00] =	vst v63  }
0xe9: {  	s13 =	simm.s32 $0x4C80  }
0xea: {  	[spmem:s3] =	stream.indirect.scatter.add.f32 [tilespmem:s20], [sflag:$0x3], $0x40, s13, s16, $0xb8;
	[tilespmem:$0x1AD00] =	vst v63  }
0xeb: {  	_ =	swait.ge [sflag:s25], $0x2000  }
0xec: {  	[sflag:s25] =	ssyncset.done $0x0  }
0xed: {  	[sflag:s25] =	ssyncadd.s32 $0xFFFFE000  }
0xee: {  	_ =	swait.ge [sflag:s25], $0x2000  }
0xef: {  	[sflag:s25] =	ssyncset.done $0x0  }
0xf0: {  	[sflag:s25] =	ssyncadd.s32 $0xFFFFE000  }
0xf1: {  	_ =	swait.ge [sflag:s25], $0x2000  }
0xf2: {  	[sflag:s25] =	ssyncset.done $0x0  }
0xf3: {  	[sflag:s25] =	ssyncadd.s32 $0xFFFFE000  }
0xf4: {  	[tilespmem:s17], [sflag:$0x1] =	stream.indirect.gather [hbm4b:s1+s16], $0x40, s4, s16, $0xb8;
	[tilespmem:$0x1AD00] =	vst v63  }
0xf5: {  	_ = 	snop  }
0xf6: {  	[tilespmem:s18], [sflag:$0x1] =	stream.indirect.gather [hbm4b:s1+s16], $0x40, s16, s16, $0xb8;
	[tilespmem:$0x1AD00] =	vst v63  }
0xf7: {  	_ = 	snop  }
0xf8: {  	[tilespmem:s20], [sflag:$0x1] =	stream.indirect.gather [hbm4b:s1+s16], $0x40, s19, s16, $0xb8;
	[tilespmem:$0x1AD00] =	vst v63  }
0xf9: {  	_ =	swait.ge [sflag:s26], $0x2000  }
0xfa: {  	[sflag:s26] =	ssyncset.done $0x0  }
0xfb: {  	[sflag:s26] =	ssyncadd.s32 $0xFFFFE000  }
0xfc: {  	_ =	swait.ge [sflag:s26], $0x2000  }
0xfd: {  	[sflag:s26] =	ssyncset.done $0x0  }
0xfe: {  	[sflag:s26] =	ssyncadd.s32 $0xFFFFE000  }
0xff: {  	_ =	swait.ge [sflag:s26], $0x2000  }
0x100: {  	[sflag:s26] =	ssyncset.done $0x0  }
0x101: {  	s29 =	simm.s32 $0x4D00;
	[sflag:s26] =	ssyncadd.s32 $0xFFFFE000  }
0x102: {  	[spmem:s3] =	stream.indirect.scatter.add.f32 [tilespmem:s21], [sflag:$0x4], $0x40, s29, s16, $0xb8;
	[tilespmem:$0x1AD00] =	vst v63  }
0x103: {  	s30 =	simm.s32 $0x4D80  }
0x104: {  	[spmem:s3] =	stream.indirect.scatter.add.f32 [tilespmem:s22], [sflag:$0x4], $0x40, s30, s16, $0xb8;
	[tilespmem:$0x1AD00] =	vst v63  }
0x105: {  	s31 =	simm.s32 $0x4E00  }
0x106: {  	[spmem:s3] =	stream.indirect.scatter.add.f32 [tilespmem:s23], [sflag:$0x4], $0x40, s31, s16, $0xb8;
	[tilespmem:$0x1AD00] =	vst v63  }
0x107: {  	_ =	swait.ge [sflag:s28], $0x2000  }
0x108: {  	[sflag:s28] =	ssyncset.done $0x0  }
0x109: {  	[sflag:s28] =	ssyncadd.s32 $0xFFFFE000  }
0x10a: {  	_ =	swait.ge [sflag:s28], $0x2000  }
0x10b: {  	[sflag:s28] =	ssyncset.done $0x0  }
0x10c: {  	[sflag:s28] =	ssyncadd.s32 $0xFFFFE000  }
0x10d: {  	_ =	swait.ge [sflag:s28], $0x2000  }
0x10e: {  	[sflag:s28] =	ssyncset.done $0x0  }
0x10f: {  	[sflag:s28] =	ssyncadd.s32 $0xFFFFE000  }
0x110: {  	_ =	swait.ge [sflag:s24], $0x2000  }
0x111: {  	[sflag:s24] =	ssyncset.done $0x0  }
0x112: {  	[sflag:s24] =	ssyncadd.s32 $0xFFFFE000  }
0x113: {  	_ =	swait.ge [sflag:s24], $0x2000  }
0x114: {  	[sflag:s24] =	ssyncset.done $0x0  }
0x115: {  	[sflag:s24] =	ssyncadd.s32 $0xFFFFE000  }
0x116: {  	_ =	swait.ge [sflag:s24], $0x2000  }
0x117: {  	s0 =	simm.s32 @!p0 $0x80;
	[sflag:s24] =	ssyncset.done $0x0  }
0x118: {  	s13 =	simm.s32 @!p0 $0x2700;
	s29 =	simm.s32 @!p0 $0x4F00;
	[sflag:s24] =	ssyncadd.s32 $0xFFFFE000  }
0x119: {  	[tilespmem:s29], [sflag:$0x1] =	stream.indirect.gather @!p0 [hbm4b:s1+s0], $0x40, s13, s0, $0xb8;
	[tilespmem:$0x1AD00] =	vst v63  }
0x11a: {  	s13 =	simm.s32 @!p0 $0x1  }
0x11b: {  	_ =	swait.ge @!p0 [sflag:s13], $0x2000  }
0x11c: {  	[sflag:s13] =	ssyncset.done @!p0 $0x0  }
0x11d: {  	[sflag:s13] =	ssyncadd.s32 @!p0 $0xFFFFE000;
	s13 =	simm.s32 @!p0 $0x4E80  }
0x11e: {  	[spmem:s3] =	stream.indirect.scatter.add.f32 @!p0 [tilespmem:s29], [sflag:$0x5], $0x40, s13, s0, $0xb8;
	[tilespmem:$0x1AD00] =	vst v63  }
0x11f: {  	s0 =	simm.s32 @!p0 $0x5  }
0x120: {  	_ =	swait.ge @!p0 [sflag:s0], $0x2000  }
0x121: {  	s2 =	sadd.s32 $0x1, s2;
	[sflag:s0] =	ssyncset.done @!p0 $0x0  }
0x122: {  	p1 =	sne.s32 s2, s11;
	[sflag:s0] =	ssyncadd.s32 @!p0 $0xFFFFE000  }
.Ltmp1:
0x123: {  	[bflag:$0x0] =	sbarrier.arrive $0xFFFF;
	(pc) =	sbr.rel @p1 .LBB2_1-.Ltmp1, $4  }
0x124: {  	[hbm:s10], [sflag:s14] =	dma.local [spmem:s15], $0x13C0  }
0x125: {  	_ =	swait.ge [sflag:s12], $0x13C0  }
0x126: {  	[sflag:s12] =	ssyncset.done $0x0  }
0x127: {  	[sflag:s12] =	ssyncadd.s32 $0xFFFFEC40  }
0x128: {  	_ =	sfence.sel $0x180000  }
0x129: {  	[bflag:$0x0] =	sbarrier.arrive $0xFFFF  }
0x12a: {  	_ =	strace $0x90000047  }
0x12b: {  	s0 =	stileid.u32;
	[bflag:$0x2] =	sbarrier.arrive $0xFFFF  }
0x12c: {  	p0 =	sne.s32 s0, $0x0;
	s0 =	rddreg [dreg:$0x3]  }
0x12d: {  	s0 =	sadd.s32 @!p0 $0x100000, s0  }
0x12e: {  	[sflag:s0] =	ssyncadd.tile.s32 @!p0 $0x1;
	_ =	shalt  }
.Lfunc_end2:
_tile_overlayer_lowered:
.L_overlay_start_2:
0x12f: {  	(tag) =	ssettag $0x2  }
0x130: {  	s0 =	rddreg [dreg:$0x0];
	s2 =	stileid.u32  }
0x131: {  	s1 =	rddreg [dreg:$0x1];
	p0 =	sne.s32 s2, $0x0  }
0x132: {  	s3 =	rddreg [dreg:$0x2];
	[bflag:$0x3] =	sbarrier.arrive $0xFFFF;
	s2 =	simm.s32 @!p0 $0x1C05  }
0x133: {  	[timem:s3], [sflag:s2] =	dma.local @!p0 [hbm:s0], s1  }
0x134: {  	s0 =	simm.s32 @!p0 $0x5  }
0x135: {  	_ =	swait.ge @!p0 [sflag:s0], s1  }
0x136: {  	s1 =	ssub.s32 @!p0 $0x0, s1;
	[sflag:s0] =	ssyncset.done @!p0 $0x0  }
0x137: {  	[sflag:s0] =	ssyncadd.s32 @!p0 s1  }
0x138: {  	[bflag:$0x3] =	sbarrier.arrive $0xFFFF  }
0x139: {  	_ =	shalt  }

</sc_bundles>
